<compile_context>
chip_gen: v7x
topology: tpu7x:2x2x1
jax: 0.10.2.dev20260603
libtpu: 0.0.44.dev20260713+nightly
codegen_flags: <defaults>
</compile_context>

<pallas_src>
import functools

import jax
import jax.numpy as jnp
from jax import lax
from jax.experimental import pallas as pl
from jax.experimental.pallas import tpu as pltpu
from jax.experimental.pallas import tpu_sc as plsc

N = 10000
E = 160000
F_IN = 256
DIM = 512
G = 64

NBLK = 400
NB = N // NBLK
N_PAD = 12800
STRIPE = N_PAD // 16
CHUNK = 128
NSUB = 16
EPT = -(-E // (NSUB * CHUNK)) * CHUNK
E_PAD = EPT * NSUB
NCHUNK = EPT // CHUNK


def _make_sc_scatter(num_q):
    nq = num_q // 2
    mesh = plsc.VectorSubcoreMesh(core_axis_name="c", subcore_axis_name="s")

    @functools.partial(
        pl.kernel,
        out_type=jax.ShapeDtypeStruct((num_q * N_PAD, 128), jnp.float32),
        mesh=mesh,
        scratch_types=[
            pltpu.VMEM((CHUNK,), jnp.int32),
            pltpu.VMEM((CHUNK,), jnp.int32),
            pltpu.VMEM((CHUNK, 128), jnp.float32),
            pltpu.VMEM_SHARED((N_PAD, 128), jnp.float32),
            pltpu.SemaphoreType.DMA,
        ],
        interpret=False,
    )
    def sc_kernel(h_hbm, src_hbm, dst_hbm, zeros_hbm, agg_out,
                  src_v, dst_v, stage_v, agg_sp, sem):
        c = lax.axis_index("c")
        s = lax.axis_index("s")
        base_e = s * EPT
        for j in range(nq):
            q = c * nq + j
            qoff = q * N
            pltpu.sync_copy(zeros_hbm.at[pl.ds(s * STRIPE, STRIPE)],
                            agg_sp.at[pl.ds(s * STRIPE, STRIPE)])
            plsc.subcore_barrier()

            def body(i, carry):
                off = base_e + i * CHUNK
                pltpu.sync_copy(src_hbm.at[pl.ds(off, CHUNK)], src_v)
                pltpu.sync_copy(dst_hbm.at[pl.ds(off, CHUNK)], dst_v)
                for kk in range(CHUNK // 16):
                    sl = pl.ds(kk * 16, 16)
                    src_v[sl] = src_v[sl] + qoff
                pltpu.async_copy(h_hbm.at[src_v], stage_v, sem).wait()
                pltpu.sync_copy(stage_v, agg_sp.at[dst_v], add=True)
                return carry

            lax.fori_loop(0, NCHUNK, body, 0)
            plsc.subcore_barrier()
            pltpu.sync_copy(agg_sp.at[pl.ds(s * STRIPE, STRIPE)],
                            agg_out.at[pl.ds(q * N_PAD + s * STRIPE, STRIPE)])
            plsc.subcore_barrier()

    return sc_kernel


def _make_tc_repack():
    def body(x_ref, o_ref):
        o_ref[0] = x_ref[...]

    return pl.pallas_call(
        body,
        grid=(NB, 2),
        in_specs=[pl.BlockSpec((NBLK, 128), lambda i, j: (i, j))],
        out_specs=pl.BlockSpec((1, NBLK, 128), lambda i, j: (j, i, 0)),
        out_shape=jax.ShapeDtypeStruct((2, N, 128), jnp.float32),
        interpret=False,
    )


def _make_tc_matmul(q_in):
    def body(h_ref, agg_ref, w_ref, b_ref, o_ref):
        z = jnp.concatenate([h_ref[k] + agg_ref[k] for k in range(q_in)], axis=1)
        w = w_ref[...].reshape(q_in * 128, DIM)
        res = jnp.dot(z, w, preferred_element_type=jnp.float32)
        for qo in range(4):
            o_ref[qo] = jnp.maximum(
                res[:, qo * 128:(qo + 1) * 128] + b_ref[qo][None, :], 0.0)

    return pl.pallas_call(
        body,
        grid=(NB,),
        in_specs=[
            pl.BlockSpec((q_in, NBLK, 128), lambda i: (0, i, 0)),
            pl.BlockSpec((q_in, NBLK, 128), lambda i: (0, i, 0)),
            pl.BlockSpec((q_in, 128, DIM), lambda i: (0, 0, 0)),
            pl.BlockSpec((4, 128), lambda i: (0, 0)),
        ],
        out_specs=pl.BlockSpec((4, NBLK, 128), lambda i: (0, i, 0)),
        out_shape=jax.ShapeDtypeStruct((4, N, 128), jnp.float32),
        interpret=False,
    )


def _make_tc_final(q_in):
    def body(h_ref, agg_ref, w_ref, b_ref, batch_ref, wl1_ref, bl1_ref,
             wl2_ref, o_ref, pool_acc):
        i = pl.program_id(0)

        @pl.when(i == 0)
        def _():
            pool_acc[...] = jnp.zeros((G, DIM), jnp.float32)

        bvals = batch_ref[0, 0, :]
        seg = lax.broadcasted_iota(jnp.int32, (G, NBLK), 0)
        onehot = (seg == bvals[None, :]).astype(jnp.float32)

        z = jnp.concatenate([h_ref[k] + agg_ref[k] for k in range(q_in)], axis=1)
        w = w_ref[...].reshape(q_in * 128, DIM)
        res = jnp.dot(z, w, preferred_element_type=jnp.float32)
        h4 = jnp.maximum(res + jnp.concatenate(
            [b_ref[qo][None, :] for qo in range(4)], axis=1), 0.0)
        pool_acc[...] += jnp.dot(onehot, h4, preferred_element_type=jnp.float32,
                                 precision=lax.Precision.HIGHEST)

        @pl.when(i == NB - 1)
        def _():
            p = pool_acc[...]
            t = jnp.maximum(
                jnp.dot(p, wl1_ref[...], preferred_element_type=jnp.float32)
                + bl1_ref[0][None, :], 0.0)
            ov = jnp.dot(t, wl2_ref[0][:, None], preferred_element_type=jnp.float32)
            o_ref[...] = jnp.broadcast_to(ov, (G, 128))

    return pl.pallas_call(
        body,
        grid=(NB,),
        in_specs=[
            pl.BlockSpec((q_in, NBLK, 128), lambda i: (0, i, 0)),
            pl.BlockSpec((q_in, NBLK, 128), lambda i: (0, i, 0)),
            pl.BlockSpec((q_in, 128, DIM), lambda i: (0, 0, 0)),
            pl.BlockSpec((4, 128), lambda i: (0, 0)),
            pl.BlockSpec((1, 1, NBLK), lambda i: (i, 0, 0)),
            pl.BlockSpec((DIM, DIM), lambda i: (0, 0)),
            pl.BlockSpec((1, DIM), lambda i: (0, 0)),
            pl.BlockSpec((1, DIM), lambda i: (0, 0)),
        ],
        out_specs=pl.BlockSpec((G, 128), lambda i: (0, 0)),
        out_shape=jax.ShapeDtypeStruct((G, 128), jnp.float32),
        scratch_shapes=[pltpu.VMEM((G, DIM), jnp.float32)],
        interpret=False,
    )


def kernel(x, edge_index, batch, W1, b1, W2, b2, W3, b3, W4, b4,
           Wl1, bl1, Wl2, bl2):
    src = edge_index[0]
    dst = edge_index[1]
    perm = jnp.argsort(dst, stable=True)
    pad = E_PAD - E
    src_p = jnp.concatenate([src[perm], jnp.zeros((pad,), jnp.int32)])
    dst_p = jnp.concatenate([dst[perm], jnp.full((pad,), N, jnp.int32)])
    zeros = jnp.zeros((N_PAD, 128), jnp.float32)

    sc2 = _make_sc_scatter(2)
    sc4 = _make_sc_scatter(4)
    tc2 = _make_tc_matmul(2)
    tc4 = _make_tc_matmul(4)

    xq = _make_tc_repack()(x)
    agg = sc2(xq.reshape(2 * N, 128), src_p, dst_p, zeros)
    h = tc2(xq, agg.reshape(2, N_PAD, 128), W1.reshape(2, 128, DIM),
            b1.reshape(4, 128))

    for W, b in ((W2, b2), (W3, b3)):
        agg = sc4(h.reshape(4 * N, 128), src_p, dst_p, zeros)
        h = tc4(h, agg.reshape(4, N_PAD, 128), W.reshape(4, 128, DIM),
                b.reshape(4, 128))

    agg = sc4(h.reshape(4 * N, 128), src_p, dst_p, zeros)
    of = _make_tc_final(4)(
        h, agg.reshape(4, N_PAD, 128), W4.reshape(4, 128, DIM),
        b4.reshape(4, 128), batch.reshape(NB, 1, NBLK),
        Wl1, bl1.reshape(1, DIM), Wl2.reshape(1, DIM))
    return of[:, :1] + bl2[None, :]

# --- scband reference (transcript-rebuilt; emitter-appended) ---
"""Pipeline reference for scband-gin-34815004901902 (READ-ONLY COPY).

The authoritative reference and input builder live on the scoring server;
editing this copy changes nothing except your own understanding.
"""

import jax, jax.numpy as jnp
import numpy as np

N = 10000
E = 160000
F_IN = 256
DIM = 512
G = 64


def setup_inputs(seed: int = 0) -> dict:
    key = jax.random.key(seed)
    ks = jax.random.split(key, 16)
    x = jax.random.normal(ks[0], (N, F_IN), dtype=jnp.float32)
    edge_index = jax.random.randint(ks[1], (2, E), 0, N, dtype=jnp.int32)
    batch = jnp.sort(jax.random.randint(ks[2], (N,), 0, G, dtype=jnp.int32))
    def lin(k, fan_in, fan_out):
        s = 1.0 / np.sqrt(fan_in)
        kw, kb = jax.random.split(k)
        W = jax.random.uniform(kw, (fan_in, fan_out), minval=-s, maxval=s, dtype=jnp.float32)
        b = jax.random.uniform(kb, (fan_out,), minval=-s, maxval=s, dtype=jnp.float32)
        return W, b
    W1, b1 = lin(ks[3], F_IN, DIM)
    W2, b2 = lin(ks[4], DIM, DIM)
    W3, b3 = lin(ks[5], DIM, DIM)
    W4, b4 = lin(ks[6], DIM, DIM)
    Wl1, bl1 = lin(ks[7], DIM, DIM)
    Wl2, bl2 = lin(ks[8], DIM, 1)
    return {"x": x, "edge_index": edge_index, "batch": batch,
            "W1": W1, "b1": b1, "W2": W2, "b2": b2,
            "W3": W3, "b3": b3, "W4": W4, "b4": b4,
            "Wl1": Wl1, "bl1": bl1, "Wl2": Wl2, "bl2": bl2}


def reference(x, edge_index, batch, W1, b1, W2, b2, W3, b3, W4, b4, Wl1, bl1, Wl2, bl2):
    src = edge_index[0]
    dst = edge_index[1]

    def gin_conv(h, W, b):
        # GINConv with eps=0: nn((1+eps)*h + sum_{j in N(i)} h_j)
        agg = jnp.zeros_like(h).at[dst].add(h[src])
        return (h + agg) @ W + b

    h = jax.nn.relu(gin_conv(x, W1, b1))
    h = jax.nn.relu(gin_conv(h, W2, b2))
    h = jax.nn.relu(gin_conv(h, W3, b3))
    h = jax.nn.relu(gin_conv(h, W4, b4))
    pooled = jax.ops.segment_sum(h, batch, num_segments=G)
    out = jax.nn.relu(pooled @ Wl1 + bl1)
    out = out @ Wl2 + bl2
    return out

if __name__ == "__main__":
    import jax
    _d = setup_inputs()
    print(jax.jit(kernel)(*tuple(_d.values())))

</pallas_src>

<mosaic_0001>
#map = affine_map<(d0, d1) -> (0, 0)>
#map1 = affine_map<(d0, d1) -> (0)>
module attributes {stable_mosaic.version = 14 : i64} {
  func.func @sc_kernel(%arg0: i32, %arg1: i32, %arg2: memref<20000x128xf32, #tpu.memory_space<hbm>>, %arg3: memref<161792xi32, #tpu.memory_space<hbm>>, %arg4: memref<161792xi32, #tpu.memory_space<hbm>>, %arg5: memref<12800x128xf32, #tpu.memory_space<hbm>>, %arg6: memref<25600x128xf32, #tpu.memory_space<hbm>>, %arg7: memref<128xi32, #tpu.memory_space<vmem>>, %arg8: memref<128xi32, #tpu.memory_space<vmem>>, %arg9: memref<128x128xf32, #tpu.memory_space<vmem>>, %arg10: memref<12800x128xf32, #tpu.memory_space<vmem_shared>>, %arg11: memref<!tpu.dma_semaphore, #tpu.memory_space<semaphore_mem>>) attributes {dimension_semantics = [#tpu.dimension_semantics<core_parallel>, #tpu.dimension_semantics<subcore_parallel>], iteration_bounds = array<i64: 2, 16>, scalar_prefetch = 0 : i64, scratch_operands = 5 : i64, tpu.core_type = #tpu.core_type<sc_vector_subcore>, window_params = [{transform_indices = #map}, {transform_indices = #map1}, {transform_indices = #map1}, {transform_indices = #map}, {transform_indices = #map}]} {
    %mul3A = arith.constant 10112 : i32
    %mul3A_0 = arith.muli %arg1, %mul3A : i32
    %mul3A_1 = arith.constant 1 : i32
    %mul3A_2 = arith.muli %arg0, %mul3A_1 : i32
    %add3A = arith.constant 0 : i32
    %add3A_3 = arith.addi %mul3A_2, %add3A : i32
    %mul3A_4 = arith.constant 10000 : i32
    %mul3A_5 = arith.muli %add3A_3, %mul3A_4 : i32
    %mul3A_6 = arith.constant 800 : i32
    %mul3A_7 = arith.muli %arg1, %mul3A_6 : i32
    %mul3A_8 = arith.constant 800 : i32
    %mul3A_9 = arith.muli %arg1, %mul3A_8 : i32
    "tpu.region"() ({
      %run_scoped3A = tpu.sem_alloc : memref<!tpu.dma_semaphore, #tpu.memory_space<semaphore_mem>>
      %dma_start3A = arith.constant 0 : i32
      %dma_start3A_24 = tpu.memref_slice %arg10[%mul3A_9, %dma_start3A] : memref<12800x128xf32, #tpu.memory_space<vmem_shared>> -> memref<800x128xf32, #tpu.memory_space<vmem_shared>>
      %dma_start3A_25 = arith.constant 0 : i32
      %dma_start3A_26 = tpu.memref_slice %arg5[%mul3A_7, %dma_start3A_25] : memref<12800x128xf32, #tpu.memory_space<hbm>> -> memref<800x128xf32, #tpu.memory_space<hbm>>
      tpu.enqueue_dma source(%dma_start3A_26 : memref<800x128xf32, #tpu.memory_space<hbm>>) target(%dma_start3A_24 : memref<800x128xf32, #tpu.memory_space<vmem_shared>>) target_semaphore(%run_scoped3A : memref<!tpu.dma_semaphore, #tpu.memory_space<semaphore_mem>>)
      %dma_wait3A = arith.constant 0 : i32
      %dma_wait3A_27 = tpu.memref_slice %arg10[%mul3A_9, %dma_wait3A] : memref<12800x128xf32, #tpu.memory_space<vmem_shared>> -> memref<800x128xf32, #tpu.memory_space<vmem_shared>>
      %dma_wait3A_28 = arith.constant 0 : i32
      %dma_wait3A_29 = tpu.memref_slice %arg5[%mul3A_7, %dma_wait3A_28] : memref<12800x128xf32, #tpu.memory_space<hbm>> -> memref<800x128xf32, #tpu.memory_space<hbm>>
      tpu.wait_dma2 semaphore(%run_scoped3A : memref<!tpu.dma_semaphore, #tpu.memory_space<semaphore_mem>>) src(%dma_wait3A_29 : memref<800x128xf32, #tpu.memory_space<hbm>>) dst(%dma_wait3A_27 : memref<800x128xf32, #tpu.memory_space<vmem_shared>>)
      tpu.yield
    }) : () -> ()
    %barrier3A = arith.constant 0 : index
    tpu.barrier barrier_id(%barrier3A)
    %scan3A = arith.constant 0 : i32
    %scan3A_10 = arith.constant 0 : i32
    %scan3A_11 = arith.constant 79 : i32
    %scan3A_12 = arith.addi %scan3A_10, %scan3A_11 : i32
    %scan3A_13 = arith.constant 1 : i32
    scf.for %scan3A_24 = %scan3A_10 to %scan3A_12 step %scan3A_13  : i32 {
      %mul3A_25 = arith.constant 128 : i32
      %mul3A_26 = arith.muli %scan3A_24, %mul3A_25 : i32
      %add3A_27 = arith.addi %mul3A_0, %mul3A_26 : i32
      "tpu.region"() ({
        %run_scoped3A = tpu.sem_alloc : memref<!tpu.dma_semaphore, #tpu.memory_space<semaphore_mem>>
        %dma_start3A_102 = tpu.memref_slice %arg3[%add3A_27] : memref<161792xi32, #tpu.memory_space<hbm>> -> memref<128xi32, #tpu.memory_space<hbm>>
        %dma_start3A_103 = tpu.memref_slice %arg3[%add3A_27] : memref<161792xi32, #tpu.memory_space<hbm>> -> memref<128xi32, #tpu.memory_space<hbm>>
        tpu.enqueue_dma source(%dma_start3A_103 : memref<128xi32, #tpu.memory_space<hbm>>) target(%arg7 : memref<128xi32, #tpu.memory_space<vmem>>) target_semaphore(%run_scoped3A : memref<!tpu.dma_semaphore, #tpu.memory_space<semaphore_mem>>)
        %dma_wait3A_104 = tpu.memref_slice %arg3[%add3A_27] : memref<161792xi32, #tpu.memory_space<hbm>> -> memref<128xi32, #tpu.memory_space<hbm>>
        %dma_wait3A_105 = tpu.memref_slice %arg3[%add3A_27] : memref<161792xi32, #tpu.memory_space<hbm>> -> memref<128xi32, #tpu.memory_space<hbm>>
        tpu.wait_dma2 semaphore(%run_scoped3A : memref<!tpu.dma_semaphore, #tpu.memory_space<semaphore_mem>>) src(%dma_wait3A_105 : memref<128xi32, #tpu.memory_space<hbm>>) dst(%arg7 : memref<128xi32, #tpu.memory_space<vmem>>)
        tpu.yield
      }) : () -> ()
      "tpu.region"() ({
        %run_scoped3A = tpu.sem_alloc : memref<!tpu.dma_semaphore, #tpu.memory_space<semaphore_mem>>
        %dma_start3A_102 = tpu.memref_slice %arg4[%add3A_27] : memref<161792xi32, #tpu.memory_space<hbm>> -> memref<128xi32, #tpu.memory_space<hbm>>
        %dma_start3A_103 = tpu.memref_slice %arg4[%add3A_27] : memref<161792xi32, #tpu.memory_space<hbm>> -> memref<128xi32, #tpu.memory_space<hbm>>
        tpu.enqueue_dma source(%dma_start3A_103 : memref<128xi32, #tpu.memory_space<hbm>>) target(%arg8 : memref<128xi32, #tpu.memory_space<vmem>>) target_semaphore(%run_scoped3A : memref<!tpu.dma_semaphore, #tpu.memory_space<semaphore_mem>>)
        %dma_wait3A_104 = tpu.memref_slice %arg4[%add3A_27] : memref<161792xi32, #tpu.memory_space<hbm>> -> memref<128xi32, #tpu.memory_space<hbm>>
        %dma_wait3A_105 = tpu.memref_slice %arg4[%add3A_27] : memref<161792xi32, #tpu.memory_space<hbm>> -> memref<128xi32, #tpu.memory_space<hbm>>
        tpu.wait_dma2 semaphore(%run_scoped3A : memref<!tpu.dma_semaphore, #tpu.memory_space<semaphore_mem>>) src(%dma_wait3A_105 : memref<128xi32, #tpu.memory_space<hbm>>) dst(%arg8 : memref<128xi32, #tpu.memory_space<vmem>>)
        tpu.yield
      }) : () -> ()
      %get3A = arith.constant 0 : index
      %get3A_28 = tpu.vector_load %arg7[%get3A] {strides = array<i32>} : memref<128xi32, #tpu.memory_space<vmem>>, vector<16xi32>,
      %get3A_29 = vector.shape_cast %get3A_28 : vector<16xi32> to vector<16xi32>
      %add3A_30 = vector.broadcast %mul3A_5 : i32 to vector<16xi32>
      %add3A_31 = arith.addi %get3A_29, %add3A_30 : vector<16xi32>
      %swap3A = arith.constant 0 : index
      %swap3A_32 = tpu.vector_load %arg7[%swap3A] {strides = array<i32>} : memref<128xi32, #tpu.memory_space<vmem>>, vector<16xi32>,
      %swap3A_33 = vector.shape_cast %swap3A_32 : vector<16xi32> to vector<16xi32>
      %swap3A_34 = vector.shape_cast %add3A_31 : vector<16xi32> to vector<16xi32>
      tpu.vector_store %arg7[%swap3A], %swap3A_34 {strides = array<i32>} : memref<128xi32, #tpu.memory_space<vmem>>, vector<16xi32>,
      %get3A_35 = arith.constant 16 : index
      %get3A_36 = tpu.vector_load %arg7[%get3A_35] {strides = array<i32>} : memref<128xi32, #tpu.memory_space<vmem>>, vector<16xi32>,
      %get3A_37 = vector.shape_cast %get3A_36 : vector<16xi32> to vector<16xi32>
      %add3A_38 = vector.broadcast %mul3A_5 : i32 to vector<16xi32>
      %add3A_39 = arith.addi %get3A_37, %add3A_38 : vector<16xi32>
      %swap3A_40 = arith.constant 16 : index
      %swap3A_41 = tpu.vector_load %arg7[%swap3A_40] {strides = array<i32>} : memref<128xi32, #tpu.memory_space<vmem>>, vector<16xi32>,
      %swap3A_42 = vector.shape_cast %swap3A_41 : vector<16xi32> to vector<16xi32>
      %swap3A_43 = vector.shape_cast %add3A_39 : vector<16xi32> to vector<16xi32>
      tpu.vector_store %arg7[%swap3A_40], %swap3A_43 {strides = array<i32>} : memref<128xi32, #tpu.memory_space<vmem>>, vector<16xi32>,
      %get3A_44 = arith.constant 32 : index
      %get3A_45 = tpu.vector_load %arg7[%get3A_44] {strides = array<i32>} : memref<128xi32, #tpu.memory_space<vmem>>, vector<16xi32>,
      %get3A_46 = vector.shape_cast %get3A_45 : vector<16xi32> to vector<16xi32>
      %add3A_47 = vector.broadcast %mul3A_5 : i32 to vector<16xi32>
      %add3A_48 = arith.addi %get3A_46, %add3A_47 : vector<16xi32>
      %swap3A_49 = arith.constant 32 : index
      %swap3A_50 = tpu.vector_load %arg7[%swap3A_49] {strides = array<i32>} : memref<128xi32, #tpu.memory_space<vmem>>, vector<16xi32>,
      %swap3A_51 = vector.shape_cast %swap3A_50 : vector<16xi32> to vector<16xi32>
      %swap3A_52 = vector.shape_cast %add3A_48 : vector<16xi32> to vector<16xi32>
      tpu.vector_store %arg7[%swap3A_49], %swap3A_52 {strides = array<i32>} : memref<128xi32, #tpu.memory_space<vmem>>, vector<16xi32>,
      %get3A_53 = arith.constant 48 : index
      %get3A_54 = tpu.vector_load %arg7[%get3A_53] {strides = array<i32>} : memref<128xi32, #tpu.memory_space<vmem>>, vector<16xi32>,
      %get3A_55 = vector.shape_cast %get3A_54 : vector<16xi32> to vector<16xi32>
      %add3A_56 = vector.broadcast %mul3A_5 : i32 to vector<16xi32>
      %add3A_57 = arith.addi %get3A_55, %add3A_56 : vector<16xi32>
      %swap3A_58 = arith.constant 48 : index
      %swap3A_59 = tpu.vector_load %arg7[%swap3A_58] {strides = array<i32>} : memref<128xi32, #tpu.memory_space<vmem>>, vector<16xi32>,
      %swap3A_60 = vector.shape_cast %swap3A_59 : vector<16xi32> to vector<16xi32>
      %swap3A_61 = vector.shape_cast %add3A_57 : vector<16xi32> to vector<16xi32>
      tpu.vector_store %arg7[%swap3A_58], %swap3A_61 {strides = array<i32>} : memref<128xi32, #tpu.memory_space<vmem>>, vector<16xi32>,
      %get3A_62 = arith.constant 64 : index
      %get3A_63 = tpu.vector_load %arg7[%get3A_62] {strides = array<i32>} : memref<128xi32, #tpu.memory_space<vmem>>, vector<16xi32>,
      %get3A_64 = vector.shape_cast %get3A_63 : vector<16xi32> to vector<16xi32>
      %add3A_65 = vector.broadcast %mul3A_5 : i32 to vector<16xi32>
      %add3A_66 = arith.addi %get3A_64, %add3A_65 : vector<16xi32>
      %swap3A_67 = arith.constant 64 : index
      %swap3A_68 = tpu.vector_load %arg7[%swap3A_67] {strides = array<i32>} : memref<128xi32, #tpu.memory_space<vmem>>, vector<16xi32>,
      %swap3A_69 = vector.shape_cast %swap3A_68 : vector<16xi32> to vector<16xi32>
      %swap3A_70 = vector.shape_cast %add3A_66 : vector<16xi32> to vector<16xi32>
      tpu.vector_store %arg7[%swap3A_67], %swap3A_70 {strides = array<i32>} : memref<128xi32, #tpu.memory_space<vmem>>, vector<16xi32>,
      %get3A_71 = arith.constant 80 : index
      %get3A_72 = tpu.vector_load %arg7[%get3A_71] {strides = array<i32>} : memref<128xi32, #tpu.memory_space<vmem>>, vector<16xi32>,
      %get3A_73 = vector.shape_cast %get3A_72 : vector<16xi32> to vector<16xi32>
      %add3A_74 = vector.broadcast %mul3A_5 : i32 to vector<16xi32>
      %add3A_75 = arith.addi %get3A_73, %add3A_74 : vector<16xi32>
      %swap3A_76 = arith.constant 80 : index
      %swap3A_77 = tpu.vector_load %arg7[%swap3A_76] {strides = array<i32>} : memref<128xi32, #tpu.memory_space<vmem>>, vector<16xi32>,
      %swap3A_78 = vector.shape_cast %swap3A_77 : vector<16xi32> to vector<16xi32>
      %swap3A_79 = vector.shape_cast %add3A_75 : vector<16xi32> to vector<16xi32>
      tpu.vector_store %arg7[%swap3A_76], %swap3A_79 {strides = array<i32>} : memref<128xi32, #tpu.memory_space<vmem>>, vector<16xi32>,
      %get3A_80 = arith.constant 96 : index
      %get3A_81 = tpu.vector_load %arg7[%get3A_80] {strides = array<i32>} : memref<128xi32, #tpu.memory_space<vmem>>, vector<16xi32>,
      %get3A_82 = vector.shape_cast %get3A_81 : vector<16xi32> to vector<16xi32>
      %add3A_83 = vector.broadcast %mul3A_5 : i32 to vector<16xi32>
      %add3A_84 = arith.addi %get3A_82, %add3A_83 : vector<16xi32>
      %swap3A_85 = arith.constant 96 : index
      %swap3A_86 = tpu.vector_load %arg7[%swap3A_85] {strides = array<i32>} : memref<128xi32, #tpu.memory_space<vmem>>, vector<16xi32>,
      %swap3A_87 = vector.shape_cast %swap3A_86 : vector<16xi32> to vector<16xi32>
      %swap3A_88 = vector.shape_cast %add3A_84 : vector<16xi32> to vector<16xi32>
      tpu.vector_store %arg7[%swap3A_85], %swap3A_88 {strides = array<i32>} : memref<128xi32, #tpu.memory_space<vmem>>, vector<16xi32>,
      %get3A_89 = arith.constant 112 : index
      %get3A_90 = tpu.vector_load %arg7[%get3A_89] {strides = array<i32>} : memref<128xi32, #tpu.memory_space<vmem>>, vector<16xi32>,
      %get3A_91 = vector.shape_cast %get3A_90 : vector<16xi32> to vector<16xi32>
      %add3A_92 = vector.broadcast %mul3A_5 : i32 to vector<16xi32>
      %add3A_93 = arith.addi %get3A_91, %add3A_92 : vector<16xi32>
      %swap3A_94 = arith.constant 112 : index
      %swap3A_95 = tpu.vector_load %arg7[%swap3A_94] {strides = array<i32>} : memref<128xi32, #tpu.memory_space<vmem>>, vector<16xi32>,
      %swap3A_96 = vector.shape_cast %swap3A_95 : vector<16xi32> to vector<16xi32>
      %swap3A_97 = vector.shape_cast %add3A_93 : vector<16xi32> to vector<16xi32>
      tpu.vector_store %arg7[%swap3A_94], %swap3A_97 {strides = array<i32>} : memref<128xi32, #tpu.memory_space<vmem>>, vector<16xi32>,
      %dma_start3A = arith.constant 0 : i32
      %dma_start3A_98 = arith.constant 0 : i32
      %dma_start3A_99 = tpu.memref_slice %arg2[%dma_start3A, %dma_start3A_98] : memref<20000x128xf32, #tpu.memory_space<hbm>> -> memref<20000x128xf32, #tpu.memory_space<hbm>>
      tpu.enqueue_indirect_dma source(%dma_start3A_99 : memref<20000x128xf32, #tpu.memory_space<hbm>>) target(%arg9 : memref<128x128xf32, #tpu.memory_space<vmem>>) offsets(%arg7 : memref<128xi32, #tpu.memory_space<vmem>>) semaphore(%arg11 : memref<!tpu.dma_semaphore, #tpu.memory_space<semaphore_mem>>)
      %dma_wait3A = arith.constant 0 : i32
      %dma_wait3A_100 = arith.constant 0 : i32
      %dma_wait3A_101 = tpu.memref_slice %arg2[%dma_wait3A, %dma_wait3A_100] : memref<20000x128xf32, #tpu.memory_space<hbm>> -> memref<20000x128xf32, #tpu.memory_space<hbm>>
      tpu.wait_indirect_dma semaphore(%arg11 : memref<!tpu.dma_semaphore, #tpu.memory_space<semaphore_mem>>) src(%dma_wait3A_101 : memref<20000x128xf32, #tpu.memory_space<hbm>>) dst(%arg9 : memref<128x128xf32, #tpu.memory_space<vmem>>)
      "tpu.region"() ({
        %run_scoped3A = tpu.sem_alloc : memref<!tpu.dma_semaphore, #tpu.memory_space<semaphore_mem>>
        %dma_start3A_102 = arith.constant 0 : i32
        %dma_start3A_103 = arith.constant 0 : i32
        %dma_start3A_104 = tpu.memref_slice %arg10[%dma_start3A_102, %dma_start3A_103] : memref<12800x128xf32, #tpu.memory_space<vmem_shared>> -> memref<12800x128xf32, #tpu.memory_space<vmem_shared>>
        tpu.enqueue_indirect_dma source(%arg9 : memref<128x128xf32, #tpu.memory_space<vmem>>) target(%dma_start3A_104 : memref<12800x128xf32, #tpu.memory_space<vmem_shared>>) offsets(%arg8 : memref<128xi32, #tpu.memory_space<vmem>>) semaphore(%run_scoped3A : memref<!tpu.dma_semaphore, #tpu.memory_space<semaphore_mem>>) {add = true}
        %dma_wait3A_105 = arith.constant 0 : i32
        %dma_wait3A_106 = arith.constant 0 : i32
        %dma_wait3A_107 = tpu.memref_slice %arg10[%dma_wait3A_105, %dma_wait3A_106] : memref<12800x128xf32, #tpu.memory_space<vmem_shared>> -> memref<12800x128xf32, #tpu.memory_space<vmem_shared>>
        tpu.wait_indirect_dma semaphore(%run_scoped3A : memref<!tpu.dma_semaphore, #tpu.memory_space<semaphore_mem>>) src(%arg9 : memref<128x128xf32, #tpu.memory_space<vmem>>) dst(%dma_wait3A_107 : memref<12800x128xf32, #tpu.memory_space<vmem_shared>>)
        tpu.yield
      }) : () -> ()
    }
    %scan3A_14 = arith.constant 79 : i32
    %barrier3A_15 = arith.constant 0 : index
    tpu.barrier barrier_id(%barrier3A_15)
    %mul3A_16 = arith.constant 800 : i32
    %mul3A_17 = arith.muli %arg1, %mul3A_16 : i32
    %mul3A_18 = arith.constant 12800 : i32
    %mul3A_19 = arith.muli %add3A_3, %mul3A_18 : i32
    %mul3A_20 = arith.constant 800 : i32
    %mul3A_21 = arith.muli %arg1, %mul3A_20 : i32
    %add3A_22 = arith.addi %mul3A_19, %mul3A_21 : i32
    "tpu.region"() ({
      %run_scoped3A = tpu.sem_alloc : memref<!tpu.dma_semaphore, #tpu.memory_space<semaphore_mem>>
      %dma_start3A = arith.constant 0 : i32
      %dma_start3A_24 = tpu.memref_slice %arg6[%add3A_22, %dma_start3A] : memref<25600x128xf32, #tpu.memory_space<hbm>> -> memref<800x128xf32, #tpu.memory_space<hbm>>
      %dma_start3A_25 = arith.constant 0 : i32
      %dma_start3A_26 = tpu.memref_slice %arg10[%mul3A_17, %dma_start3A_25] : memref<12800x128xf32, #tpu.memory_space<vmem_shared>> -> memref<800x128xf32, #tpu.memory_space<vmem_shared>>
      tpu.enqueue_dma source(%dma_start3A_26 : memref<800x128xf32, #tpu.memory_space<vmem_shared>>) target(%dma_start3A_24 : memref<800x128xf32, #tpu.memory_space<hbm>>) target_semaphore(%run_scoped3A : memref<!tpu.dma_semaphore, #tpu.memory_space<semaphore_mem>>)
      %dma_wait3A = arith.constant 0 : i32
      %dma_wait3A_27 = tpu.memref_slice %arg6[%add3A_22, %dma_wait3A] : memref<25600x128xf32, #tpu.memory_space<hbm>> -> memref<800x128xf32, #tpu.memory_space<hbm>>
      %dma_wait3A_28 = arith.constant 0 : i32
      %dma_wait3A_29 = tpu.memref_slice %arg10[%mul3A_17, %dma_wait3A_28] : memref<12800x128xf32, #tpu.memory_space<vmem_shared>> -> memref<800x128xf32, #tpu.memory_space<vmem_shared>>
      tpu.wait_dma2 semaphore(%run_scoped3A : memref<!tpu.dma_semaphore, #tpu.memory_space<semaphore_mem>>) src(%dma_wait3A_29 : memref<800x128xf32, #tpu.memory_space<vmem_shared>>) dst(%dma_wait3A_27 : memref<800x128xf32, #tpu.memory_space<hbm>>)
      tpu.yield
    }) : () -> ()
    %barrier3A_23 = arith.constant 0 : index
    tpu.barrier barrier_id(%barrier3A_23)
    return
  }
}

#map = affine_map<(d0, d1) -> (0, 0)>
#map1 = affine_map<(d0, d1) -> (0)>
module attributes {stable_mosaic.version = 14 : i64} {
  func.func @sc_kernel(%arg0: i32, %arg1: i32, %arg2: memref<40000x128xf32, #tpu.memory_space<hbm>>, %arg3: memref<161792xi32, #tpu.memory_space<hbm>>, %arg4: memref<161792xi32, #tpu.memory_space<hbm>>, %arg5: memref<12800x128xf32, #tpu.memory_space<hbm>>, %arg6: memref<51200x128xf32, #tpu.memory_space<hbm>>, %arg7: memref<128xi32, #tpu.memory_space<vmem>>, %arg8: memref<128xi32, #tpu.memory_space<vmem>>, %arg9: memref<128x128xf32, #tpu.memory_space<vmem>>, %arg10: memref<12800x128xf32, #tpu.memory_space<vmem_shared>>, %arg11: memref<!tpu.dma_semaphore, #tpu.memory_space<semaphore_mem>>) attributes {dimension_semantics = [#tpu.dimension_semantics<core_parallel>, #tpu.dimension_semantics<subcore_parallel>], iteration_bounds = array<i64: 2, 16>, scalar_prefetch = 0 : i64, scratch_operands = 5 : i64, tpu.core_type = #tpu.core_type<sc_vector_subcore>, window_params = [{transform_indices = #map}, {transform_indices = #map1}, {transform_indices = #map1}, {transform_indices = #map}, {transform_indices = #map}]} {
    %mul3A = arith.constant 10112 : i32
    %mul3A_0 = arith.muli %arg1, %mul3A : i32
    %mul3A_1 = arith.constant 2 : i32
    %mul3A_2 = arith.muli %arg0, %mul3A_1 : i32
    %add3A = arith.constant 0 : i32
    %add3A_3 = arith.addi %mul3A_2, %add3A : i32
    %mul3A_4 = arith.constant 10000 : i32
    %mul3A_5 = arith.muli %add3A_3, %mul3A_4 : i32
    %mul3A_6 = arith.constant 800 : i32
    %mul3A_7 = arith.muli %arg1, %mul3A_6 : i32
    %mul3A_8 = arith.constant 800 : i32
    %mul3A_9 = arith.muli %arg1, %mul3A_8 : i32
    "tpu.region"() ({
      %run_scoped3A = tpu.sem_alloc : memref<!tpu.dma_semaphore, #tpu.memory_space<semaphore_mem>>
      %dma_start3A = arith.constant 0 : i32
      %dma_start3A_50 = tpu.memref_slice %arg10[%mul3A_9, %dma_start3A] : memref<12800x128xf32, #tpu.memory_space<vmem_shared>> -> memref<800x128xf32, #tpu.memory_space<vmem_shared>>
      %dma_start3A_51 = arith.constant 0 : i32
      %dma_start3A_52 = tpu.memref_slice %arg5[%mul3A_7, %dma_start3A_51] : memref<12800x128xf32, #tpu.memory_space<hbm>> -> memref<800x128xf32, #tpu.memory_space<hbm>>
      tpu.enqueue_dma source(%dma_start3A_52 : memref<800x128xf32, #tpu.memory_space<hbm>>) target(%dma_start3A_50 : memref<800x128xf32, #tpu.memory_space<vmem_shared>>) target_semaphore(%run_scoped3A : memref<!tpu.dma_semaphore, #tpu.memory_space<semaphore_mem>>)
      %dma_wait3A = arith.constant 0 : i32
      %dma_wait3A_53 = tpu.memref_slice %arg10[%mul3A_9, %dma_wait3A] : memref<12800x128xf32, #tpu.memory_space<vmem_shared>> -> memref<800x128xf32, #tpu.memory_space<vmem_shared>>
      %dma_wait3A_54 = arith.constant 0 : i32
      %dma_wait3A_55 = tpu.memref_slice %arg5[%mul3A_7, %dma_wait3A_54] : memref<12800x128xf32, #tpu.memory_space<hbm>> -> memref<800x128xf32, #tpu.memory_space<hbm>>
      tpu.wait_dma2 semaphore(%run_scoped3A : memref<!tpu.dma_semaphore, #tpu.memory_space<semaphore_mem>>) src(%dma_wait3A_55 : memref<800x128xf32, #tpu.memory_space<hbm>>) dst(%dma_wait3A_53 : memref<800x128xf32, #tpu.memory_space<vmem_shared>>)
      tpu.yield
    }) : () -> ()
    %barrier3A = arith.constant 0 : index
    tpu.barrier barrier_id(%barrier3A)
    %scan3A = arith.constant 0 : i32
    %scan3A_10 = arith.constant 0 : i32
    %scan3A_11 = arith.constant 79 : i32
    %scan3A_12 = arith.addi %scan3A_10, %scan3A_11 : i32
    %scan3A_13 = arith.constant 1 : i32
    scf.for %scan3A_50 = %scan3A_10 to %scan3A_12 step %scan3A_13  : i32 {
      %mul3A_51 = arith.constant 128 : i32
      %mul3A_52 = arith.muli %scan3A_50, %mul3A_51 : i32
      %add3A_53 = arith.addi %mul3A_0, %mul3A_52 : i32
      "tpu.region"() ({
        %run_scoped3A = tpu.sem_alloc : memref<!tpu.dma_semaphore, #tpu.memory_space<semaphore_mem>>
        %dma_start3A_128 = tpu.memref_slice %arg3[%add3A_53] : memref<161792xi32, #tpu.memory_space<hbm>> -> memref<128xi32, #tpu.memory_space<hbm>>
        %dma_start3A_129 = tpu.memref_slice %arg3[%add3A_53] : memref<161792xi32, #tpu.memory_space<hbm>> -> memref<128xi32, #tpu.memory_space<hbm>>
        tpu.enqueue_dma source(%dma_start3A_129 : memref<128xi32, #tpu.memory_space<hbm>>) target(%arg7 : memref<128xi32, #tpu.memory_space<vmem>>) target_semaphore(%run_scoped3A : memref<!tpu.dma_semaphore, #tpu.memory_space<semaphore_mem>>)
        %dma_wait3A_130 = tpu.memref_slice %arg3[%add3A_53] : memref<161792xi32, #tpu.memory_space<hbm>> -> memref<128xi32, #tpu.memory_space<hbm>>
        %dma_wait3A_131 = tpu.memref_slice %arg3[%add3A_53] : memref<161792xi32, #tpu.memory_space<hbm>> -> memref<128xi32, #tpu.memory_space<hbm>>
        tpu.wait_dma2 semaphore(%run_scoped3A : memref<!tpu.dma_semaphore, #tpu.memory_space<semaphore_mem>>) src(%dma_wait3A_131 : memref<128xi32, #tpu.memory_space<hbm>>) dst(%arg7 : memref<128xi32, #tpu.memory_space<vmem>>)
        tpu.yield
      }) : () -> ()
      "tpu.region"() ({
        %run_scoped3A = tpu.sem_alloc : memref<!tpu.dma_semaphore, #tpu.memory_space<semaphore_mem>>
        %dma_start3A_128 = tpu.memref_slice %arg4[%add3A_53] : memref<161792xi32, #tpu.memory_space<hbm>> -> memref<128xi32, #tpu.memory_space<hbm>>
        %dma_start3A_129 = tpu.memref_slice %arg4[%add3A_53] : memref<161792xi32, #tpu.memory_space<hbm>> -> memref<128xi32, #tpu.memory_space<hbm>>
        tpu.enqueue_dma source(%dma_start3A_129 : memref<128xi32, #tpu.memory_space<hbm>>) target(%arg8 : memref<128xi32, #tpu.memory_space<vmem>>) target_semaphore(%run_scoped3A : memref<!tpu.dma_semaphore, #tpu.memory_space<semaphore_mem>>)
        %dma_wait3A_130 = tpu.memref_slice %arg4[%add3A_53] : memref<161792xi32, #tpu.memory_space<hbm>> -> memref<128xi32, #tpu.memory_space<hbm>>
        %dma_wait3A_131 = tpu.memref_slice %arg4[%add3A_53] : memref<161792xi32, #tpu.memory_space<hbm>> -> memref<128xi32, #tpu.memory_space<hbm>>
        tpu.wait_dma2 semaphore(%run_scoped3A : memref<!tpu.dma_semaphore, #tpu.memory_space<semaphore_mem>>) src(%dma_wait3A_131 : memref<128xi32, #tpu.memory_space<hbm>>) dst(%arg8 : memref<128xi32, #tpu.memory_space<vmem>>)
        tpu.yield
      }) : () -> ()
      %get3A = arith.constant 0 : index
      %get3A_54 = tpu.vector_load %arg7[%get3A] {strides = array<i32>} : memref<128xi32, #tpu.memory_space<vmem>>, vector<16xi32>,
      %get3A_55 = vector.shape_cast %get3A_54 : vector<16xi32> to vector<16xi32>
      %add3A_56 = vector.broadcast %mul3A_5 : i32 to vector<16xi32>
      %add3A_57 = arith.addi %get3A_55, %add3A_56 : vector<16xi32>
      %swap3A = arith.constant 0 : index
      %swap3A_58 = tpu.vector_load %arg7[%swap3A] {strides = array<i32>} : memref<128xi32, #tpu.memory_space<vmem>>, vector<16xi32>,
      %swap3A_59 = vector.shape_cast %swap3A_58 : vector<16xi32> to vector<16xi32>
      %swap3A_60 = vector.shape_cast %add3A_57 : vector<16xi32> to vector<16xi32>
      tpu.vector_store %arg7[%swap3A], %swap3A_60 {strides = array<i32>} : memref<128xi32, #tpu.memory_space<vmem>>, vector<16xi32>,
      %get3A_61 = arith.constant 16 : index
      %get3A_62 = tpu.vector_load %arg7[%get3A_61] {strides = array<i32>} : memref<128xi32, #tpu.memory_space<vmem>>, vector<16xi32>,
      %get3A_63 = vector.shape_cast %get3A_62 : vector<16xi32> to vector<16xi32>
      %add3A_64 = vector.broadcast %mul3A_5 : i32 to vector<16xi32>
      %add3A_65 = arith.addi %get3A_63, %add3A_64 : vector<16xi32>
      %swap3A_66 = arith.constant 16 : index
      %swap3A_67 = tpu.vector_load %arg7[%swap3A_66] {strides = array<i32>} : memref<128xi32, #tpu.memory_space<vmem>>, vector<16xi32>,
      %swap3A_68 = vector.shape_cast %swap3A_67 : vector<16xi32> to vector<16xi32>
      %swap3A_69 = vector.shape_cast %add3A_65 : vector<16xi32> to vector<16xi32>
      tpu.vector_store %arg7[%swap3A_66], %swap3A_69 {strides = array<i32>} : memref<128xi32, #tpu.memory_space<vmem>>, vector<16xi32>,
      %get3A_70 = arith.constant 32 : index
      %get3A_71 = tpu.vector_load %arg7[%get3A_70] {strides = array<i32>} : memref<128xi32, #tpu.memory_space<vmem>>, vector<16xi32>,
      %get3A_72 = vector.shape_cast %get3A_71 : vector<16xi32> to vector<16xi32>
      %add3A_73 = vector.broadcast %mul3A_5 : i32 to vector<16xi32>
      %add3A_74 = arith.addi %get3A_72, %add3A_73 : vector<16xi32>
      %swap3A_75 = arith.constant 32 : index
      %swap3A_76 = tpu.vector_load %arg7[%swap3A_75] {strides = array<i32>} : memref<128xi32, #tpu.memory_space<vmem>>, vector<16xi32>,
      %swap3A_77 = vector.shape_cast %swap3A_76 : vector<16xi32> to vector<16xi32>
      %swap3A_78 = vector.shape_cast %add3A_74 : vector<16xi32> to vector<16xi32>
      tpu.vector_store %arg7[%swap3A_75], %swap3A_78 {strides = array<i32>} : memref<128xi32, #tpu.memory_space<vmem>>, vector<16xi32>,
      %get3A_79 = arith.constant 48 : index
      %get3A_80 = tpu.vector_load %arg7[%get3A_79] {strides = array<i32>} : memref<128xi32, #tpu.memory_space<vmem>>, vector<16xi32>,
      %get3A_81 = vector.shape_cast %get3A_80 : vector<16xi32> to vector<16xi32>
      %add3A_82 = vector.broadcast %mul3A_5 : i32 to vector<16xi32>
      %add3A_83 = arith.addi %get3A_81, %add3A_82 : vector<16xi32>
      %swap3A_84 = arith.constant 48 : index
      %swap3A_85 = tpu.vector_load %arg7[%swap3A_84] {strides = array<i32>} : memref<128xi32, #tpu.memory_space<vmem>>, vector<16xi32>,
      %swap3A_86 = vector.shape_cast %swap3A_85 : vector<16xi32> to vector<16xi32>
      %swap3A_87 = vector.shape_cast %add3A_83 : vector<16xi32> to vector<16xi32>
      tpu.vector_store %arg7[%swap3A_84], %swap3A_87 {strides = array<i32>} : memref<128xi32, #tpu.memory_space<vmem>>, vector<16xi32>,
      %get3A_88 = arith.constant 64 : index
      %get3A_89 = tpu.vector_load %arg7[%get3A_88] {strides = array<i32>} : memref<128xi32, #tpu.memory_space<vmem>>, vector<16xi32>,
      %get3A_90 = vector.shape_cast %get3A_89 : vector<16xi32> to vector<16xi32>
      %add3A_91 = vector.broadcast %mul3A_5 : i32 to vector<16xi32>
      %add3A_92 = arith.addi %get3A_90, %add3A_91 : vector<16xi32>
      %swap3A_93 = arith.constant 64 : index
      %swap3A_94 = tpu.vector_load %arg7[%swap3A_93] {strides = array<i32>} : memref<128xi32, #tpu.memory_space<vmem>>, vector<16xi32>,
      %swap3A_95 = vector.shape_cast %swap3A_94 : vector<16xi32> to vector<16xi32>
      %swap3A_96 = vector.shape_cast %add3A_92 : vector<16xi32> to vector<16xi32>
      tpu.vector_store %arg7[%swap3A_93], %swap3A_96 {strides = array<i32>} : memref<128xi32, #tpu.memory_space<vmem>>, vector<16xi32>,
      %get3A_97 = arith.constant 80 : index
      %get3A_98 = tpu.vector_load %arg7[%get3A_97] {strides = array<i32>} : memref<128xi32, #tpu.memory_space<vmem>>, vector<16xi32>,
      %get3A_99 = vector.shape_cast %get3A_98 : vector<16xi32> to vector<16xi32>
      %add3A_100 = vector.broadcast %mul3A_5 : i32 to vector<16xi32>
      %add3A_101 = arith.addi %get3A_99, %add3A_100 : vector<16xi32>
      %swap3A_102 = arith.constant 80 : index
      %swap3A_103 = tpu.vector_load %arg7[%swap3A_102] {strides = array<i32>} : memref<128xi32, #tpu.memory_space<vmem>>, vector<16xi32>,
      %swap3A_104 = vector.shape_cast %swap3A_103 : vector<16xi32> to vector<16xi32>
      %swap3A_105 = vector.shape_cast %add3A_101 : vector<16xi32> to vector<16xi32>
      tpu.vector_store %arg7[%swap3A_102], %swap3A_105 {strides = array<i32>} : memref<128xi32, #tpu.memory_space<vmem>>, vector<16xi32>,
      %get3A_106 = arith.constant 96 : index
      %get3A_107 = tpu.vector_load %arg7[%get3A_106] {strides = array<i32>} : memref<128xi32, #tpu.memory_space<vmem>>, vector<16xi32>,
      %get3A_108 = vector.shape_cast %get3A_107 : vector<16xi32> to vector<16xi32>
      %add3A_109 = vector.broadcast %mul3A_5 : i32 to vector<16xi32>
      %add3A_110 = arith.addi %get3A_108, %add3A_109 : vector<16xi32>
      %swap3A_111 = arith.constant 96 : index
      %swap3A_112 = tpu.vector_load %arg7[%swap3A_111] {strides = array<i32>} : memref<128xi32, #tpu.memory_space<vmem>>, vector<16xi32>,
      %swap3A_113 = vector.shape_cast %swap3A_112 : vector<16xi32> to vector<16xi32>
      %swap3A_114 = vector.shape_cast %add3A_110 : vector<16xi32> to vector<16xi32>
      tpu.vector_store %arg7[%swap3A_111], %swap3A_114 {strides = array<i32>} : memref<128xi32, #tpu.memory_space<vmem>>, vector<16xi32>,
      %get3A_115 = arith.constant 112 : index
      %get3A_116 = tpu.vector_load %arg7[%get3A_115] {strides = array<i32>} : memref<128xi32, #tpu.memory_space<vmem>>, vector<16xi32>,
      %get3A_117 = vector.shape_cast %get3A_116 : vector<16xi32> to vector<16xi32>
      %add3A_118 = vector.broadcast %mul3A_5 : i32 to vector<16xi32>
      %add3A_119 = arith.addi %get3A_117, %add3A_118 : vector<16xi32>
      %swap3A_120 = arith.constant 112 : index
      %swap3A_121 = tpu.vector_load %arg7[%swap3A_120] {strides = array<i32>} : memref<128xi32, #tpu.memory_space<vmem>>, vector<16xi32>,
      %swap3A_122 = vector.shape_cast %swap3A_121 : vector<16xi32> to vector<16xi32>
      %swap3A_123 = vector.shape_cast %add3A_119 : vector<16xi32> to vector<16xi32>
      tpu.vector_store %arg7[%swap3A_120], %swap3A_123 {strides = array<i32>} : memref<128xi32, #tpu.memory_space<vmem>>, vector<16xi32>,
      %dma_start3A = arith.constant 0 : i32
      %dma_start3A_124 = arith.constant 0 : i32
      %dma_start3A_125 = tpu.memref_slice %arg2[%dma_start3A, %dma_start3A_124] : memref<40000x128xf32, #tpu.memory_space<hbm>> -> memref<40000x128xf32, #tpu.memory_space<hbm>>
      tpu.enqueue_indirect_dma source(%dma_start3A_125 : memref<40000x128xf32, #tpu.memory_space<hbm>>) target(%arg9 : memref<128x128xf32, #tpu.memory_space<vmem>>) offsets(%arg7 : memref<128xi32, #tpu.memory_space<vmem>>) semaphore(%arg11 : memref<!tpu.dma_semaphore, #tpu.memory_space<semaphore_mem>>)
      %dma_wait3A = arith.constant 0 : i32
      %dma_wait3A_126 = arith.constant 0 : i32
      %dma_wait3A_127 = tpu.memref_slice %arg2[%dma_wait3A, %dma_wait3A_126] : memref<40000x128xf32, #tpu.memory_space<hbm>> -> memref<40000x128xf32, #tpu.memory_space<hbm>>
      tpu.wait_indirect_dma semaphore(%arg11 : memref<!tpu.dma_semaphore, #tpu.memory_space<semaphore_mem>>) src(%dma_wait3A_127 : memref<40000x128xf32, #tpu.memory_space<hbm>>) dst(%arg9 : memref<128x128xf32, #tpu.memory_space<vmem>>)
      "tpu.region"() ({
        %run_scoped3A = tpu.sem_alloc : memref<!tpu.dma_semaphore, #tpu.memory_space<semaphore_mem>>
        %dma_start3A_128 = arith.constant 0 : i32
        %dma_start3A_129 = arith.constant 0 : i32
        %dma_start3A_130 = tpu.memref_slice %arg10[%dma_start3A_128, %dma_start3A_129] : memref<12800x128xf32, #tpu.memory_space<vmem_shared>> -> memref<12800x128xf32, #tpu.memory_space<vmem_shared>>
        tpu.enqueue_indirect_dma source(%arg9 : memref<128x128xf32, #tpu.memory_space<vmem>>) target(%dma_start3A_130 : memref<12800x128xf32, #tpu.memory_space<vmem_shared>>) offsets(%arg8 : memref<128xi32, #tpu.memory_space<vmem>>) semaphore(%run_scoped3A : memref<!tpu.dma_semaphore, #tpu.memory_space<semaphore_mem>>) {add = true}
        %dma_wait3A_131 = arith.constant 0 : i32
        %dma_wait3A_132 = arith.constant 0 : i32
        %dma_wait3A_133 = tpu.memref_slice %arg10[%dma_wait3A_131, %dma_wait3A_132] : memref<12800x128xf32, #tpu.memory_space<vmem_shared>> -> memref<12800x128xf32, #tpu.memory_space<vmem_shared>>
        tpu.wait_indirect_dma semaphore(%run_scoped3A : memref<!tpu.dma_semaphore, #tpu.memory_space<semaphore_mem>>) src(%arg9 : memref<128x128xf32, #tpu.memory_space<vmem>>) dst(%dma_wait3A_133 : memref<12800x128xf32, #tpu.memory_space<vmem_shared>>)
        tpu.yield
      }) : () -> ()
    }
    %scan3A_14 = arith.constant 79 : i32
    %barrier3A_15 = arith.constant 0 : index
    tpu.barrier barrier_id(%barrier3A_15)
    %mul3A_16 = arith.constant 800 : i32
    %mul3A_17 = arith.muli %arg1, %mul3A_16 : i32
    %mul3A_18 = arith.constant 12800 : i32
    %mul3A_19 = arith.muli %add3A_3, %mul3A_18 : i32
    %mul3A_20 = arith.constant 800 : i32
    %mul3A_21 = arith.muli %arg1, %mul3A_20 : i32
    %add3A_22 = arith.addi %mul3A_19, %mul3A_21 : i32
    "tpu.region"() ({
      %run_scoped3A = tpu.sem_alloc : memref<!tpu.dma_semaphore, #tpu.memory_space<semaphore_mem>>
      %dma_start3A = arith.constant 0 : i32
      %dma_start3A_50 = tpu.memref_slice %arg6[%add3A_22, %dma_start3A] : memref<51200x128xf32, #tpu.memory_space<hbm>> -> memref<800x128xf32, #tpu.memory_space<hbm>>
      %dma_start3A_51 = arith.constant 0 : i32
      %dma_start3A_52 = tpu.memref_slice %arg10[%mul3A_17, %dma_start3A_51] : memref<12800x128xf32, #tpu.memory_space<vmem_shared>> -> memref<800x128xf32, #tpu.memory_space<vmem_shared>>
      tpu.enqueue_dma source(%dma_start3A_52 : memref<800x128xf32, #tpu.memory_space<vmem_shared>>) target(%dma_start3A_50 : memref<800x128xf32, #tpu.memory_space<hbm>>) target_semaphore(%run_scoped3A : memref<!tpu.dma_semaphore, #tpu.memory_space<semaphore_mem>>)
      %dma_wait3A = arith.constant 0 : i32
      %dma_wait3A_53 = tpu.memref_slice %arg6[%add3A_22, %dma_wait3A] : memref<51200x128xf32, #tpu.memory_space<hbm>> -> memref<800x128xf32, #tpu.memory_space<hbm>>
      %dma_wait3A_54 = arith.constant 0 : i32
      %dma_wait3A_55 = tpu.memref_slice %arg10[%mul3A_17, %dma_wait3A_54] : memref<12800x128xf32, #tpu.memory_space<vmem_shared>> -> memref<800x128xf32, #tpu.memory_space<vmem_shared>>
      tpu.wait_dma2 semaphore(%run_scoped3A : memref<!tpu.dma_semaphore, #tpu.memory_space<semaphore_mem>>) src(%dma_wait3A_55 : memref<800x128xf32, #tpu.memory_space<vmem_shared>>) dst(%dma_wait3A_53 : memref<800x128xf32, #tpu.memory_space<hbm>>)
      tpu.yield
    }) : () -> ()
    %barrier3A_23 = arith.constant 0 : index
    tpu.barrier barrier_id(%barrier3A_23)
    %mul3A_24 = arith.constant 2 : i32
    %mul3A_25 = arith.muli %arg0, %mul3A_24 : i32
    %add3A_26 = arith.constant 1 : i32
    %add3A_27 = arith.addi %mul3A_25, %add3A_26 : i32
    %mul3A_28 = arith.constant 10000 : i32
    %mul3A_29 = arith.muli %add3A_27, %mul3A_28 : i32
    %mul3A_30 = arith.constant 800 : i32
    %mul3A_31 = arith.muli %arg1, %mul3A_30 : i32
    %mul3A_32 = arith.constant 800 : i32
    %mul3A_33 = arith.muli %arg1, %mul3A_32 : i32
    "tpu.region"() ({
      %run_scoped3A = tpu.sem_alloc : memref<!tpu.dma_semaphore, #tpu.memory_space<semaphore_mem>>
      %dma_start3A = arith.constant 0 : i32
      %dma_start3A_50 = tpu.memref_slice %arg10[%mul3A_33, %dma_start3A] : memref<12800x128xf32, #tpu.memory_space<vmem_shared>> -> memref<800x128xf32, #tpu.memory_space<vmem_shared>>
      %dma_start3A_51 = arith.constant 0 : i32
      %dma_start3A_52 = tpu.memref_slice %arg5[%mul3A_31, %dma_start3A_51] : memref<12800x128xf32, #tpu.memory_space<hbm>> -> memref<800x128xf32, #tpu.memory_space<hbm>>
      tpu.enqueue_dma source(%dma_start3A_52 : memref<800x128xf32, #tpu.memory_space<hbm>>) target(%dma_start3A_50 : memref<800x128xf32, #tpu.memory_space<vmem_shared>>) target_semaphore(%run_scoped3A : memref<!tpu.dma_semaphore, #tpu.memory_space<semaphore_mem>>)
      %dma_wait3A = arith.constant 0 : i32
      %dma_wait3A_53 = tpu.memref_slice %arg10[%mul3A_33, %dma_wait3A] : memref<12800x128xf32, #tpu.memory_space<vmem_shared>> -> memref<800x128xf32, #tpu.memory_space<vmem_shared>>
      %dma_wait3A_54 = arith.constant 0 : i32
      %dma_wait3A_55 = tpu.memref_slice %arg5[%mul3A_31, %dma_wait3A_54] : memref<12800x128xf32, #tpu.memory_space<hbm>> -> memref<800x128xf32, #tpu.memory_space<hbm>>
      tpu.wait_dma2 semaphore(%run_scoped3A : memref<!tpu.dma_semaphore, #tpu.memory_space<semaphore_mem>>) src(%dma_wait3A_55 : memref<800x128xf32, #tpu.memory_space<hbm>>) dst(%dma_wait3A_53 : memref<800x128xf32, #tpu.memory_space<vmem_shared>>)
      tpu.yield
    }) : () -> ()
    %barrier3A_34 = arith.constant 0 : index
    tpu.barrier barrier_id(%barrier3A_34)
    %scan3A_35 = arith.constant 0 : i32
    %scan3A_36 = arith.constant 0 : i32
    %scan3A_37 = arith.constant 79 : i32
    %scan3A_38 = arith.addi %scan3A_36, %scan3A_37 : i32
    %scan3A_39 = arith.constant 1 : i32
    scf.for %scan3A_50 = %scan3A_36 to %scan3A_38 step %scan3A_39  : i32 {
      %mul3A_51 = arith.constant 128 : i32
      %mul3A_52 = arith.muli %scan3A_50, %mul3A_51 : i32
      %add3A_53 = arith.addi %mul3A_0, %mul3A_52 : i32
      "tpu.region"() ({
        %run_scoped3A = tpu.sem_alloc : memref<!tpu.dma_semaphore, #tpu.memory_space<semaphore_mem>>
        %dma_start3A_128 = tpu.memref_slice %arg3[%add3A_53] : memref<161792xi32, #tpu.memory_space<hbm>> -> memref<128xi32, #tpu.memory_space<hbm>>
        %dma_start3A_129 = tpu.memref_slice %arg3[%add3A_53] : memref<161792xi32, #tpu.memory_space<hbm>> -> memref<128xi32, #tpu.memory_space<hbm>>
        tpu.enqueue_dma source(%dma_start3A_129 : memref<128xi32, #tpu.memory_space<hbm>>) target(%arg7 : memref<128xi32, #tpu.memory_space<vmem>>) target_semaphore(%run_scoped3A : memref<!tpu.dma_semaphore, #tpu.memory_space<semaphore_mem>>)
        %dma_wait3A_130 = tpu.memref_slice %arg3[%add3A_53] : memref<161792xi32, #tpu.memory_space<hbm>> -> memref<128xi32, #tpu.memory_space<hbm>>
        %dma_wait3A_131 = tpu.memref_slice %arg3[%add3A_53] : memref<161792xi32, #tpu.memory_space<hbm>> -> memref<128xi32, #tpu.memory_space<hbm>>
        tpu.wait_dma2 semaphore(%run_scoped3A : memref<!tpu.dma_semaphore, #tpu.memory_space<semaphore_mem>>) src(%dma_wait3A_131 : memref<128xi32, #tpu.memory_space<hbm>>) dst(%arg7 : memref<128xi32, #tpu.memory_space<vmem>>)
        tpu.yield
      }) : () -> ()
      "tpu.region"() ({
        %run_scoped3A = tpu.sem_alloc : memref<!tpu.dma_semaphore, #tpu.memory_space<semaphore_mem>>
        %dma_start3A_128 = tpu.memref_slice %arg4[%add3A_53] : memref<161792xi32, #tpu.memory_space<hbm>> -> memref<128xi32, #tpu.memory_space<hbm>>
        %dma_start3A_129 = tpu.memref_slice %arg4[%add3A_53] : memref<161792xi32, #tpu.memory_space<hbm>> -> memref<128xi32, #tpu.memory_space<hbm>>
        tpu.enqueue_dma source(%dma_start3A_129 : memref<128xi32, #tpu.memory_space<hbm>>) target(%arg8 : memref<128xi32, #tpu.memory_space<vmem>>) target_semaphore(%run_scoped3A : memref<!tpu.dma_semaphore, #tpu.memory_space<semaphore_mem>>)
        %dma_wait3A_130 = tpu.memref_slice %arg4[%add3A_53] : memref<161792xi32, #tpu.memory_space<hbm>> -> memref<128xi32, #tpu.memory_space<hbm>>
        %dma_wait3A_131 = tpu.memref_slice %arg4[%add3A_53] : memref<161792xi32, #tpu.memory_space<hbm>> -> memref<128xi32, #tpu.memory_space<hbm>>
        tpu.wait_dma2 semaphore(%run_scoped3A : memref<!tpu.dma_semaphore, #tpu.memory_space<semaphore_mem>>) src(%dma_wait3A_131 : memref<128xi32, #tpu.memory_space<hbm>>) dst(%arg8 : memref<128xi32, #tpu.memory_space<vmem>>)
        tpu.yield
      }) : () -> ()
      %get3A = arith.constant 0 : index
      %get3A_54 = tpu.vector_load %arg7[%get3A] {strides = array<i32>} : memref<128xi32, #tpu.memory_space<vmem>>, vector<16xi32>,
      %get3A_55 = vector.shape_cast %get3A_54 : vector<16xi32> to vector<16xi32>
      %add3A_56 = vector.broadcast %mul3A_29 : i32 to vector<16xi32>
      %add3A_57 = arith.addi %get3A_55, %add3A_56 : vector<16xi32>
      %swap3A = arith.constant 0 : index
      %swap3A_58 = tpu.vector_load %arg7[%swap3A] {strides = array<i32>} : memref<128xi32, #tpu.memory_space<vmem>>, vector<16xi32>,
      %swap3A_59 = vector.shape_cast %swap3A_58 : vector<16xi32> to vector<16xi32>
      %swap3A_60 = vector.shape_cast %add3A_57 : vector<16xi32> to vector<16xi32>
      tpu.vector_store %arg7[%swap3A], %swap3A_60 {strides = array<i32>} : memref<128xi32, #tpu.memory_space<vmem>>, vector<16xi32>,
      %get3A_61 = arith.constant 16 : index
      %get3A_62 = tpu.vector_load %arg7[%get3A_61] {strides = array<i32>} : memref<128xi32, #tpu.memory_space<vmem>>, vector<16xi32>,
      %get3A_63 = vector.shape_cast %get3A_62 : vector<16xi32> to vector<16xi32>
      %add3A_64 = vector.broadcast %mul3A_29 : i32 to vector<16xi32>
      %add3A_65 = arith.addi %get3A_63, %add3A_64 : vector<16xi32>
      %swap3A_66 = arith.constant 16 : index
      %swap3A_67 = tpu.vector_load %arg7[%swap3A_66] {strides = array<i32>} : memref<128xi32, #tpu.memory_space<vmem>>, vector<16xi32>,
      %swap3A_68 = vector.shape_cast %swap3A_67 : vector<16xi32> to vector<16xi32>
      %swap3A_69 = vector.shape_cast %add3A_65 : vector<16xi32> to vector<16xi32>
      tpu.vector_store %arg7[%swap3A_66], %swap3A_69 {strides = array<i32>} : memref<128xi32, #tpu.memory_space<vmem>>, vector<16xi32>,
      %get3A_70 = arith.constant 32 : index
      %get3A_71 = tpu.vector_load %arg7[%get3A_70] {strides = array<i32>} : memref<128xi32, #tpu.memory_space<vmem>>, vector<16xi32>,
      %get3A_72 = vector.shape_cast %get3A_71 : vector<16xi32> to vector<16xi32>
      %add3A_73 = vector.broadcast %mul3A_29 : i32 to vector<16xi32>
      %add3A_74 = arith.addi %get3A_72, %add3A_73 : vector<16xi32>
      %swap3A_75 = arith.constant 32 : index
      %swap3A_76 = tpu.vector_load %arg7[%swap3A_75] {strides = array<i32>} : memref<128xi32, #tpu.memory_space<vmem>>, vector<16xi32>,
      %swap3A_77 = vector.shape_cast %swap3A_76 : vector<16xi32> to vector<16xi32>
      %swap3A_78 = vector.shape_cast %add3A_74 : vector<16xi32> to vector<16xi32>
      tpu.vector_store %arg7[%swap3A_75], %swap3A_78 {strides = array<i32>} : memref<128xi32, #tpu.memory_space<vmem>>, vector<16xi32>,
      %get3A_79 = arith.constant 48 : index
      %get3A_80 = tpu.vector_load %arg7[%get3A_79] {strides = array<i32>} : memref<128xi32, #tpu.memory_space<vmem>>, vector<16xi32>,
      %get3A_81 = vector.shape_cast %get3A_80 : vector<16xi32> to vector<16xi32>
      %add3A_82 = vector.broadcast %mul3A_29 : i32 to vector<16xi32>
      %add3A_83 = arith.addi %get3A_81, %add3A_82 : vector<16xi32>
      %swap3A_84 = arith.constant 48 : index
      %swap3A_85 = tpu.vector_load %arg7[%swap3A_84] {strides = array<i32>} : memref<128xi32, #tpu.memory_space<vmem>>, vector<16xi32>,
      %swap3A_86 = vector.shape_cast %swap3A_85 : vector<16xi32> to vector<16xi32>
      %swap3A_87 = vector.shape_cast %add3A_83 : vector<16xi32> to vector<16xi32>
      tpu.vector_store %arg7[%swap3A_84], %swap3A_87 {strides = array<i32>} : memref<128xi32, #tpu.memory_space<vmem>>, vector<16xi32>,
      %get3A_88 = arith.constant 64 : index
      %get3A_89 = tpu.vector_load %arg7[%get3A_88] {strides = array<i32>} : memref<128xi32, #tpu.memory_space<vmem>>, vector<16xi32>,
      %get3A_90 = vector.shape_cast %get3A_89 : vector<16xi32> to vector<16xi32>
      %add3A_91 = vector.broadcast %mul3A_29 : i32 to vector<16xi32>
      %add3A_92 = arith.addi %get3A_90, %add3A_91 : vector<16xi32>
      %swap3A_93 = arith.constant 64 : index
      %swap3A_94 = tpu.vector_load %arg7[%swap3A_93] {strides = array<i32>} : memref<128xi32, #tpu.memory_space<vmem>>, vector<16xi32>,
      %swap3A_95 = vector.shape_cast %swap3A_94 : vector<16xi32> to vector<16xi32>
      %swap3A_96 = vector.shape_cast %add3A_92 : vector<16xi32> to vector<16xi32>
      tpu.vector_store %arg7[%swap3A_93], %swap3A_96 {strides = array<i32>} : memref<128xi32, #tpu.memory_space<vmem>>, vector<16xi32>,
      %get3A_97 = arith.constant 80 : index
      %get3A_98 = tpu.vector_load %arg7[%get3A_97] {strides = array<i32>} : memref<128xi32, #tpu.memory_space<vmem>>, vector<16xi32>,
      %get3A_99 = vector.shape_cast %get3A_98 : vector<16xi32> to vector<16xi32>
      %add3A_100 = vector.broadcast %mul3A_29 : i32 to vector<16xi32>
      %add3A_101 = arith.addi %get3A_99, %add3A_100 : vector<16xi32>
      %swap3A_102 = arith.constant 80 : index
      %swap3A_103 = tpu.vector_load %arg7[%swap3A_102] {strides = array<i32>} : memref<128xi32, #tpu.memory_space<vmem>>, vector<16xi32>,
      %swap3A_104 = vector.shape_cast %swap3A_103 : vector<16xi32> to vector<16xi32>
      %swap3A_105 = vector.shape_cast %add3A_101 : vector<16xi32> to vector<16xi32>
      tpu.vector_store %arg7[%swap3A_102], %swap3A_105 {strides = array<i32>} : memref<128xi32, #tpu.memory_space<vmem>>, vector<16xi32>,
      %get3A_106 = arith.constant 96 : index
      %get3A_107 = tpu.vector_load %arg7[%get3A_106] {strides = array<i32>} : memref<128xi32, #tpu.memory_space<vmem>>, vector<16xi32>,
      %get3A_108 = vector.shape_cast %get3A_107 : vector<16xi32> to vector<16xi32>
      %add3A_109 = vector.broadcast %mul3A_29 : i32 to vector<16xi32>
      %add3A_110 = arith.addi %get3A_108, %add3A_109 : vector<16xi32>
      %swap3A_111 = arith.constant 96 : index
      %swap3A_112 = tpu.vector_load %arg7[%swap3A_111] {strides = array<i32>} : memref<128xi32, #tpu.memory_space<vmem>>, vector<16xi32>,
      %swap3A_113 = vector.shape_cast %swap3A_112 : vector<16xi32> to vector<16xi32>
      %swap3A_114 = vector.shape_cast %add3A_110 : vector<16xi32> to vector<16xi32>
      tpu.vector_store %arg7[%swap3A_111], %swap3A_114 {strides = array<i32>} : memref<128xi32, #tpu.memory_space<vmem>>, vector<16xi32>,
      %get3A_115 = arith.constant 112 : index
      %get3A_116 = tpu.vector_load %arg7[%get3A_115] {strides = array<i32>} : memref<128xi32, #tpu.memory_space<vmem>>, vector<16xi32>,
      %get3A_117 = vector.shape_cast %get3A_116 : vector<16xi32> to vector<16xi32>
      %add3A_118 = vector.broadcast %mul3A_29 : i32 to vector<16xi32>
      %add3A_119 = arith.addi %get3A_117, %add3A_118 : vector<16xi32>
      %swap3A_120 = arith.constant 112 : index
      %swap3A_121 = tpu.vector_load %arg7[%swap3A_120] {strides = array<i32>} : memref<128xi32, #tpu.memory_space<vmem>>, vector<16xi32>,
      %swap3A_122 = vector.shape_cast %swap3A_121 : vector<16xi32> to vector<16xi32>
      %swap3A_123 = vector.shape_cast %add3A_119 : vector<16xi32> to vector<16xi32>
      tpu.vector_store %arg7[%swap3A_120], %swap3A_123 {strides = array<i32>} : memref<128xi32, #tpu.memory_space<vmem>>, vector<16xi32>,
      %dma_start3A = arith.constant 0 : i32
      %dma_start3A_124 = arith.constant 0 : i32
      %dma_start3A_125 = tpu.memref_slice %arg2[%dma_start3A, %dma_start3A_124] : memref<40000x128xf32, #tpu.memory_space<hbm>> -> memref<40000x128xf32, #tpu.memory_space<hbm>>
      tpu.enqueue_indirect_dma source(%dma_start3A_125 : memref<40000x128xf32, #tpu.memory_space<hbm>>) target(%arg9 : memref<128x128xf32, #tpu.memory_space<vmem>>) offsets(%arg7 : memref<128xi32, #tpu.memory_space<vmem>>) semaphore(%arg11 : memref<!tpu.dma_semaphore, #tpu.memory_space<semaphore_mem>>)
      %dma_wait3A = arith.constant 0 : i32
      %dma_wait3A_126 = arith.constant 0 : i32
      %dma_wait3A_127 = tpu.memref_slice %arg2[%dma_wait3A, %dma_wait3A_126] : memref<40000x128xf32, #tpu.memory_space<hbm>> -> memref<40000x128xf32, #tpu.memory_space<hbm>>
      tpu.wait_indirect_dma semaphore(%arg11 : memref<!tpu.dma_semaphore, #tpu.memory_space<semaphore_mem>>) src(%dma_wait3A_127 : memref<40000x128xf32, #tpu.memory_space<hbm>>) dst(%arg9 : memref<128x128xf32, #tpu.memory_space<vmem>>)
      "tpu.region"() ({
        %run_scoped3A = tpu.sem_alloc : memref<!tpu.dma_semaphore, #tpu.memory_space<semaphore_mem>>
        %dma_start3A_128 = arith.constant 0 : i32
        %dma_start3A_129 = arith.constant 0 : i32
        %dma_start3A_130 = tpu.memref_slice %arg10[%dma_start3A_128, %dma_start3A_129] : memref<12800x128xf32, #tpu.memory_space<vmem_shared>> -> memref<12800x128xf32, #tpu.memory_space<vmem_shared>>
        tpu.enqueue_indirect_dma source(%arg9 : memref<128x128xf32, #tpu.memory_space<vmem>>) target(%dma_start3A_130 : memref<12800x128xf32, #tpu.memory_space<vmem_shared>>) offsets(%arg8 : memref<128xi32, #tpu.memory_space<vmem>>) semaphore(%run_scoped3A : memref<!tpu.dma_semaphore, #tpu.memory_space<semaphore_mem>>) {add = true}
        %dma_wait3A_131 = arith.constant 0 : i32
        %dma_wait3A_132 = arith.constant 0 : i32
        %dma_wait3A_133 = tpu.memref_slice %arg10[%dma_wait3A_131, %dma_wait3A_132] : memref<12800x128xf32, #tpu.memory_space<vmem_shared>> -> memref<12800x128xf32, #tpu.memory_space<vmem_shared>>
        tpu.wait_indirect_dma semaphore(%run_scoped3A : memref<!tpu.dma_semaphore, #tpu.memory_space<semaphore_mem>>) src(%arg9 : memref<128x128xf32, #tpu.memory_space<vmem>>) dst(%dma_wait3A_133 : memref<12800x128xf32, #tpu.memory_space<vmem_shared>>)
        tpu.yield
      }) : () -> ()
    }
    %scan3A_40 = arith.constant 79 : i32
    %barrier3A_41 = arith.constant 0 : index
    tpu.barrier barrier_id(%barrier3A_41)
    %mul3A_42 = arith.constant 800 : i32
    %mul3A_43 = arith.muli %arg1, %mul3A_42 : i32
    %mul3A_44 = arith.constant 12800 : i32
    %mul3A_45 = arith.muli %add3A_27, %mul3A_44 : i32
    %mul3A_46 = arith.constant 800 : i32
    %mul3A_47 = arith.muli %arg1, %mul3A_46 : i32
    %add3A_48 = arith.addi %mul3A_45, %mul3A_47 : i32
    "tpu.region"() ({
      %run_scoped3A = tpu.sem_alloc : memref<!tpu.dma_semaphore, #tpu.memory_space<semaphore_mem>>
      %dma_start3A = arith.constant 0 : i32
      %dma_start3A_50 = tpu.memref_slice %arg6[%add3A_48, %dma_start3A] : memref<51200x128xf32, #tpu.memory_space<hbm>> -> memref<800x128xf32, #tpu.memory_space<hbm>>
      %dma_start3A_51 = arith.constant 0 : i32
      %dma_start3A_52 = tpu.memref_slice %arg10[%mul3A_43, %dma_start3A_51] : memref<12800x128xf32, #tpu.memory_space<vmem_shared>> -> memref<800x128xf32, #tpu.memory_space<vmem_shared>>
      tpu.enqueue_dma source(%dma_start3A_52 : memref<800x128xf32, #tpu.memory_space<vmem_shared>>) target(%dma_start3A_50 : memref<800x128xf32, #tpu.memory_space<hbm>>) target_semaphore(%run_scoped3A : memref<!tpu.dma_semaphore, #tpu.memory_space<semaphore_mem>>)
      %dma_wait3A = arith.constant 0 : i32
      %dma_wait3A_53 = tpu.memref_slice %arg6[%add3A_48, %dma_wait3A] : memref<51200x128xf32, #tpu.memory_space<hbm>> -> memref<800x128xf32, #tpu.memory_space<hbm>>
      %dma_wait3A_54 = arith.constant 0 : i32
      %dma_wait3A_55 = tpu.memref_slice %arg10[%mul3A_43, %dma_wait3A_54] : memref<12800x128xf32, #tpu.memory_space<vmem_shared>> -> memref<800x128xf32, #tpu.memory_space<vmem_shared>>
      tpu.wait_dma2 semaphore(%run_scoped3A : memref<!tpu.dma_semaphore, #tpu.memory_space<semaphore_mem>>) src(%dma_wait3A_55 : memref<800x128xf32, #tpu.memory_space<vmem_shared>>) dst(%dma_wait3A_53 : memref<800x128xf32, #tpu.memory_space<hbm>>)
      tpu.yield
    }) : () -> ()
    %barrier3A_49 = arith.constant 0 : index
    tpu.barrier barrier_id(%barrier3A_49)
    return
  }
}

#map = affine_map<(d0, d1) -> (0, 0)>
#map1 = affine_map<(d0, d1) -> (0)>
module attributes {stable_mosaic.version = 14 : i64} {
  func.func @sc_kernel(%arg0: i32, %arg1: i32, %arg2: memref<40000x128xf32, #tpu.memory_space<hbm>>, %arg3: memref<161792xi32, #tpu.memory_space<hbm>>, %arg4: memref<161792xi32, #tpu.memory_space<hbm>>, %arg5: memref<12800x128xf32, #tpu.memory_space<hbm>>, %arg6: memref<51200x128xf32, #tpu.memory_space<hbm>>, %arg7: memref<128xi32, #tpu.memory_space<vmem>>, %arg8: memref<128xi32, #tpu.memory_space<vmem>>, %arg9: memref<128x128xf32, #tpu.memory_space<vmem>>, %arg10: memref<12800x128xf32, #tpu.memory_space<vmem_shared>>, %arg11: memref<!tpu.dma_semaphore, #tpu.memory_space<semaphore_mem>>) attributes {dimension_semantics = [#tpu.dimension_semantics<core_parallel>, #tpu.dimension_semantics<subcore_parallel>], iteration_bounds = array<i64: 2, 16>, scalar_prefetch = 0 : i64, scratch_operands = 5 : i64, tpu.core_type = #tpu.core_type<sc_vector_subcore>, window_params = [{transform_indices = #map}, {transform_indices = #map1}, {transform_indices = #map1}, {transform_indices = #map}, {transform_indices = #map}]} {
    %mul3A = arith.constant 10112 : i32
    %mul3A_0 = arith.muli %arg1, %mul3A : i32
    %mul3A_1 = arith.constant 2 : i32
    %mul3A_2 = arith.muli %arg0, %mul3A_1 : i32
    %add3A = arith.constant 0 : i32
    %add3A_3 = arith.addi %mul3A_2, %add3A : i32
    %mul3A_4 = arith.constant 10000 : i32
    %mul3A_5 = arith.muli %add3A_3, %mul3A_4 : i32
    %mul3A_6 = arith.constant 800 : i32
    %mul3A_7 = arith.muli %arg1, %mul3A_6 : i32
    %mul3A_8 = arith.constant 800 : i32
    %mul3A_9 = arith.muli %arg1, %mul3A_8 : i32
    "tpu.region"() ({
      %run_scoped3A = tpu.sem_alloc : memref<!tpu.dma_semaphore, #tpu.memory_space<semaphore_mem>>
      %dma_start3A = arith.constant 0 : i32
      %dma_start3A_50 = tpu.memref_slice %arg10[%mul3A_9, %dma_start3A] : memref<12800x128xf32, #tpu.memory_space<vmem_shared>> -> memref<800x128xf32, #tpu.memory_space<vmem_shared>>
      %dma_start3A_51 = arith.constant 0 : i32
      %dma_start3A_52 = tpu.memref_slice %arg5[%mul3A_7, %dma_start3A_51] : memref<12800x128xf32, #tpu.memory_space<hbm>> -> memref<800x128xf32, #tpu.memory_space<hbm>>
      tpu.enqueue_dma source(%dma_start3A_52 : memref<800x128xf32, #tpu.memory_space<hbm>>) target(%dma_start3A_50 : memref<800x128xf32, #tpu.memory_space<vmem_shared>>) target_semaphore(%run_scoped3A : memref<!tpu.dma_semaphore, #tpu.memory_space<semaphore_mem>>)
      %dma_wait3A = arith.constant 0 : i32
      %dma_wait3A_53 = tpu.memref_slice %arg10[%mul3A_9, %dma_wait3A] : memref<12800x128xf32, #tpu.memory_space<vmem_shared>> -> memref<800x128xf32, #tpu.memory_space<vmem_shared>>
      %dma_wait3A_54 = arith.constant 0 : i32
      %dma_wait3A_55 = tpu.memref_slice %arg5[%mul3A_7, %dma_wait3A_54] : memref<12800x128xf32, #tpu.memory_space<hbm>> -> memref<800x128xf32, #tpu.memory_space<hbm>>
      tpu.wait_dma2 semaphore(%run_scoped3A : memref<!tpu.dma_semaphore, #tpu.memory_space<semaphore_mem>>) src(%dma_wait3A_55 : memref<800x128xf32, #tpu.memory_space<hbm>>) dst(%dma_wait3A_53 : memref<800x128xf32, #tpu.memory_space<vmem_shared>>)
      tpu.yield
    }) : () -> ()
    %barrier3A = arith.constant 0 : index
    tpu.barrier barrier_id(%barrier3A)
    %scan3A = arith.constant 0 : i32
    %scan3A_10 = arith.constant 0 : i32
    %scan3A_11 = arith.constant 79 : i32
    %scan3A_12 = arith.addi %scan3A_10, %scan3A_11 : i32
    %scan3A_13 = arith.constant 1 : i32
    scf.for %scan3A_50 = %scan3A_10 to %scan3A_12 step %scan3A_13  : i32 {
      %mul3A_51 = arith.constant 128 : i32
      %mul3A_52 = arith.muli %scan3A_50, %mul3A_51 : i32
      %add3A_53 = arith.addi %mul3A_0, %mul3A_52 : i32
      "tpu.region"() ({
        %run_scoped3A = tpu.sem_alloc : memref<!tpu.dma_semaphore, #tpu.memory_space<semaphore_mem>>
        %dma_start3A_128 = tpu.memref_slice %arg3[%add3A_53] : memref<161792xi32, #tpu.memory_space<hbm>> -> memref<128xi32, #tpu.memory_space<hbm>>
        %dma_start3A_129 = tpu.memref_slice %arg3[%add3A_53] : memref<161792xi32, #tpu.memory_space<hbm>> -> memref<128xi32, #tpu.memory_space<hbm>>
        tpu.enqueue_dma source(%dma_start3A_129 : memref<128xi32, #tpu.memory_space<hbm>>) target(%arg7 : memref<128xi32, #tpu.memory_space<vmem>>) target_semaphore(%run_scoped3A : memref<!tpu.dma_semaphore, #tpu.memory_space<semaphore_mem>>)
        %dma_wait3A_130 = tpu.memref_slice %arg3[%add3A_53] : memref<161792xi32, #tpu.memory_space<hbm>> -> memref<128xi32, #tpu.memory_space<hbm>>
        %dma_wait3A_131 = tpu.memref_slice %arg3[%add3A_53] : memref<161792xi32, #tpu.memory_space<hbm>> -> memref<128xi32, #tpu.memory_space<hbm>>
        tpu.wait_dma2 semaphore(%run_scoped3A : memref<!tpu.dma_semaphore, #tpu.memory_space<semaphore_mem>>) src(%dma_wait3A_131 : memref<128xi32, #tpu.memory_space<hbm>>) dst(%arg7 : memref<128xi32, #tpu.memory_space<vmem>>)
        tpu.yield
      }) : () -> ()
      "tpu.region"() ({
        %run_scoped3A = tpu.sem_alloc : memref<!tpu.dma_semaphore, #tpu.memory_space<semaphore_mem>>
        %dma_start3A_128 = tpu.memref_slice %arg4[%add3A_53] : memref<161792xi32, #tpu.memory_space<hbm>> -> memref<128xi32, #tpu.memory_space<hbm>>
        %dma_start3A_129 = tpu.memref_slice %arg4[%add3A_53] : memref<161792xi32, #tpu.memory_space<hbm>> -> memref<128xi32, #tpu.memory_space<hbm>>
        tpu.enqueue_dma source(%dma_start3A_129 : memref<128xi32, #tpu.memory_space<hbm>>) target(%arg8 : memref<128xi32, #tpu.memory_space<vmem>>) target_semaphore(%run_scoped3A : memref<!tpu.dma_semaphore, #tpu.memory_space<semaphore_mem>>)
        %dma_wait3A_130 = tpu.memref_slice %arg4[%add3A_53] : memref<161792xi32, #tpu.memory_space<hbm>> -> memref<128xi32, #tpu.memory_space<hbm>>
        %dma_wait3A_131 = tpu.memref_slice %arg4[%add3A_53] : memref<161792xi32, #tpu.memory_space<hbm>> -> memref<128xi32, #tpu.memory_space<hbm>>
        tpu.wait_dma2 semaphore(%run_scoped3A : memref<!tpu.dma_semaphore, #tpu.memory_space<semaphore_mem>>) src(%dma_wait3A_131 : memref<128xi32, #tpu.memory_space<hbm>>) dst(%arg8 : memref<128xi32, #tpu.memory_space<vmem>>)
        tpu.yield
      }) : () -> ()
      %get3A = arith.constant 0 : index
      %get3A_54 = tpu.vector_load %arg7[%get3A] {strides = array<i32>} : memref<128xi32, #tpu.memory_space<vmem>>, vector<16xi32>,
      %get3A_55 = vector.shape_cast %get3A_54 : vector<16xi32> to vector<16xi32>
      %add3A_56 = vector.broadcast %mul3A_5 : i32 to vector<16xi32>
      %add3A_57 = arith.addi %get3A_55, %add3A_56 : vector<16xi32>
      %swap3A = arith.constant 0 : index
      %swap3A_58 = tpu.vector_load %arg7[%swap3A] {strides = array<i32>} : memref<128xi32, #tpu.memory_space<vmem>>, vector<16xi32>,
      %swap3A_59 = vector.shape_cast %swap3A_58 : vector<16xi32> to vector<16xi32>
      %swap3A_60 = vector.shape_cast %add3A_57 : vector<16xi32> to vector<16xi32>
      tpu.vector_store %arg7[%swap3A], %swap3A_60 {strides = array<i32>} : memref<128xi32, #tpu.memory_space<vmem>>, vector<16xi32>,
      %get3A_61 = arith.constant 16 : index
      %get3A_62 = tpu.vector_load %arg7[%get3A_61] {strides = array<i32>} : memref<128xi32, #tpu.memory_space<vmem>>, vector<16xi32>,
      %get3A_63 = vector.shape_cast %get3A_62 : vector<16xi32> to vector<16xi32>
      %add3A_64 = vector.broadcast %mul3A_5 : i32 to vector<16xi32>
      %add3A_65 = arith.addi %get3A_63, %add3A_64 : vector<16xi32>
      %swap3A_66 = arith.constant 16 : index
      %swap3A_67 = tpu.vector_load %arg7[%swap3A_66] {strides = array<i32>} : memref<128xi32, #tpu.memory_space<vmem>>, vector<16xi32>,
      %swap3A_68 = vector.shape_cast %swap3A_67 : vector<16xi32> to vector<16xi32>
      %swap3A_69 = vector.shape_cast %add3A_65 : vector<16xi32> to vector<16xi32>
      tpu.vector_store %arg7[%swap3A_66], %swap3A_69 {strides = array<i32>} : memref<128xi32, #tpu.memory_space<vmem>>, vector<16xi32>,
      %get3A_70 = arith.constant 32 : index
      %get3A_71 = tpu.vector_load %arg7[%get3A_70] {strides = array<i32>} : memref<128xi32, #tpu.memory_space<vmem>>, vector<16xi32>,
      %get3A_72 = vector.shape_cast %get3A_71 : vector<16xi32> to vector<16xi32>
      %add3A_73 = vector.broadcast %mul3A_5 : i32 to vector<16xi32>
      %add3A_74 = arith.addi %get3A_72, %add3A_73 : vector<16xi32>
      %swap3A_75 = arith.constant 32 : index
      %swap3A_76 = tpu.vector_load %arg7[%swap3A_75] {strides = array<i32>} : memref<128xi32, #tpu.memory_space<vmem>>, vector<16xi32>,
      %swap3A_77 = vector.shape_cast %swap3A_76 : vector<16xi32> to vector<16xi32>
      %swap3A_78 = vector.shape_cast %add3A_74 : vector<16xi32> to vector<16xi32>
      tpu.vector_store %arg7[%swap3A_75], %swap3A_78 {strides = array<i32>} : memref<128xi32, #tpu.memory_space<vmem>>, vector<16xi32>,
      %get3A_79 = arith.constant 48 : index
      %get3A_80 = tpu.vector_load %arg7[%get3A_79] {strides = array<i32>} : memref<128xi32, #tpu.memory_space<vmem>>, vector<16xi32>,
      %get3A_81 = vector.shape_cast %get3A_80 : vector<16xi32> to vector<16xi32>
      %add3A_82 = vector.broadcast %mul3A_5 : i32 to vector<16xi32>
      %add3A_83 = arith.addi %get3A_81, %add3A_82 : vector<16xi32>
      %swap3A_84 = arith.constant 48 : index
      %swap3A_85 = tpu.vector_load %arg7[%swap3A_84] {strides = array<i32>} : memref<128xi32, #tpu.memory_space<vmem>>, vector<16xi32>,
      %swap3A_86 = vector.shape_cast %swap3A_85 : vector<16xi32> to vector<16xi32>
      %swap3A_87 = vector.shape_cast %add3A_83 : vector<16xi32> to vector<16xi32>
      tpu.vector_store %arg7[%swap3A_84], %swap3A_87 {strides = array<i32>} : memref<128xi32, #tpu.memory_space<vmem>>, vector<16xi32>,
      %get3A_88 = arith.constant 64 : index
      %get3A_89 = tpu.vector_load %arg7[%get3A_88] {strides = array<i32>} : memref<128xi32, #tpu.memory_space<vmem>>, vector<16xi32>,
      %get3A_90 = vector.shape_cast %get3A_89 : vector<16xi32> to vector<16xi32>
      %add3A_91 = vector.broadcast %mul3A_5 : i32 to vector<16xi32>
      %add3A_92 = arith.addi %get3A_90, %add3A_91 : vector<16xi32>
      %swap3A_93 = arith.constant 64 : index
      %swap3A_94 = tpu.vector_load %arg7[%swap3A_93] {strides = array<i32>} : memref<128xi32, #tpu.memory_space<vmem>>, vector<16xi32>,
      %swap3A_95 = vector.shape_cast %swap3A_94 : vector<16xi32> to vector<16xi32>
      %swap3A_96 = vector.shape_cast %add3A_92 : vector<16xi32> to vector<16xi32>
      tpu.vector_store %arg7[%swap3A_93], %swap3A_96 {strides = array<i32>} : memref<128xi32, #tpu.memory_space<vmem>>, vector<16xi32>,
      %get3A_97 = arith.constant 80 : index
      %get3A_98 = tpu.vector_load %arg7[%get3A_97] {strides = array<i32>} : memref<128xi32, #tpu.memory_space<vmem>>, vector<16xi32>,
      %get3A_99 = vector.shape_cast %get3A_98 : vector<16xi32> to vector<16xi32>
      %add3A_100 = vector.broadcast %mul3A_5 : i32 to vector<16xi32>
      %add3A_101 = arith.addi %get3A_99, %add3A_100 : vector<16xi32>
      %swap3A_102 = arith.constant 80 : index
      %swap3A_103 = tpu.vector_load %arg7[%swap3A_102] {strides = array<i32>} : memref<128xi32, #tpu.memory_space<vmem>>, vector<16xi32>,
      %swap3A_104 = vector.shape_cast %swap3A_103 : vector<16xi32> to vector<16xi32>
      %swap3A_105 = vector.shape_cast %add3A_101 : vector<16xi32> to vector<16xi32>
      tpu.vector_store %arg7[%swap3A_102], %swap3A_105 {strides = array<i32>} : memref<128xi32, #tpu.memory_space<vmem>>, vector<16xi32>,
      %get3A_106 = arith.constant 96 : index
      %get3A_107 = tpu.vector_load %arg7[%get3A_106] {strides = array<i32>} : memref<128xi32, #tpu.memory_space<vmem>>, vector<16xi32>,
      %get3A_108 = vector.shape_cast %get3A_107 : vector<16xi32> to vector<16xi32>
      %add3A_109 = vector.broadcast %mul3A_5 : i32 to vector<16xi32>
      %add3A_110 = arith.addi %get3A_108, %add3A_109 : vector<16xi32>
      %swap3A_111 = arith.constant 96 : index
      %swap3A_112 = tpu.vector_load %arg7[%swap3A_111] {strides = array<i32>} : memref<128xi32, #tpu.memory_space<vmem>>, vector<16xi32>,
      %swap3A_113 = vector.shape_cast %swap3A_112 : vector<16xi32> to vector<16xi32>
      %swap3A_114 = vector.shape_cast %add3A_110 : vector<16xi32> to vector<16xi32>
      tpu.vector_store %arg7[%swap3A_111], %swap3A_114 {strides = array<i32>} : memref<128xi32, #tpu.memory_space<vmem>>, vector<16xi32>,
      %get3A_115 = arith.constant 112 : index
      %get3A_116 = tpu.vector_load %arg7[%get3A_115] {strides = array<i32>} : memref<128xi32, #tpu.memory_space<vmem>>, vector<16xi32>,
      %get3A_117 = vector.shape_cast %get3A_116 : vector<16xi32> to vector<16xi32>
      %add3A_118 = vector.broadcast %mul3A_5 : i32 to vector<16xi32>
      %add3A_119 = arith.addi %get3A_117, %add3A_118 : vector<16xi32>
      %swap3A_120 = arith.constant 112 : index
      %swap3A_121 = tpu.vector_load %arg7[%swap3A_120] {strides = array<i32>} : memref<128xi32, #tpu.memory_space<vmem>>, vector<16xi32>,
      %swap3A_122 = vector.shape_cast %swap3A_121 : vector<16xi32> to vector<16xi32>
      %swap3A_123 = vector.shape_cast %add3A_119 : vector<16xi32> to vector<16xi32>
      tpu.vector_store %arg7[%swap3A_120], %swap3A_123 {strides = array<i32>} : memref<128xi32, #tpu.memory_space<vmem>>, vector<16xi32>,
      %dma_start3A = arith.constant 0 : i32
      %dma_start3A_124 = arith.constant 0 : i32
      %dma_start3A_125 = tpu.memref_slice %arg2[%dma_start3A, %dma_start3A_124] : memref<40000x128xf32, #tpu.memory_space<hbm>> -> memref<40000x128xf32, #tpu.memory_space<hbm>>
      tpu.enqueue_indirect_dma source(%dma_start3A_125 : memref<40000x128xf32, #tpu.memory_space<hbm>>) target(%arg9 : memref<128x128xf32, #tpu.memory_space<vmem>>) offsets(%arg7 : memref<128xi32, #tpu.memory_space<vmem>>) semaphore(%arg11 : memref<!tpu.dma_semaphore, #tpu.memory_space<semaphore_mem>>)
      %dma_wait3A = arith.constant 0 : i32
      %dma_wait3A_126 = arith.constant 0 : i32
      %dma_wait3A_127 = tpu.memref_slice %arg2[%dma_wait3A, %dma_wait3A_126] : memref<40000x128xf32, #tpu.memory_space<hbm>> -> memref<40000x128xf32, #tpu.memory_space<hbm>>
      tpu.wait_indirect_dma semaphore(%arg11 : memref<!tpu.dma_semaphore, #tpu.memory_space<semaphore_mem>>) src(%dma_wait3A_127 : memref<40000x128xf32, #tpu.memory_space<hbm>>) dst(%arg9 : memref<128x128xf32, #tpu.memory_space<vmem>>)
      "tpu.region"() ({
        %run_scoped3A = tpu.sem_alloc : memref<!tpu.dma_semaphore, #tpu.memory_space<semaphore_mem>>
        %dma_start3A_128 = arith.constant 0 : i32
        %dma_start3A_129 = arith.constant 0 : i32
        %dma_start3A_130 = tpu.memref_slice %arg10[%dma_start3A_128, %dma_start3A_129] : memref<12800x128xf32, #tpu.memory_space<vmem_shared>> -> memref<12800x128xf32, #tpu.memory_space<vmem_shared>>
        tpu.enqueue_indirect_dma source(%arg9 : memref<128x128xf32, #tpu.memory_space<vmem>>) target(%dma_start3A_130 : memref<12800x128xf32, #tpu.memory_space<vmem_shared>>) offsets(%arg8 : memref<128xi32, #tpu.memory_space<vmem>>) semaphore(%run_scoped3A : memref<!tpu.dma_semaphore, #tpu.memory_space<semaphore_mem>>) {add = true}
        %dma_wait3A_131 = arith.constant 0 : i32
        %dma_wait3A_132 = arith.constant 0 : i32
        %dma_wait3A_133 = tpu.memref_slice %arg10[%dma_wait3A_131, %dma_wait3A_132] : memref<12800x128xf32, #tpu.memory_space<vmem_shared>> -> memref<12800x128xf32, #tpu.memory_space<vmem_shared>>
        tpu.wait_indirect_dma semaphore(%run_scoped3A : memref<!tpu.dma_semaphore, #tpu.memory_space<semaphore_mem>>) src(%arg9 : memref<128x128xf32, #tpu.memory_space<vmem>>) dst(%dma_wait3A_133 : memref<12800x128xf32, #tpu.memory_space<vmem_shared>>)
        tpu.yield
      }) : () -> ()
    }
    %scan3A_14 = arith.constant 79 : i32
    %barrier3A_15 = arith.constant 0 : index
    tpu.barrier barrier_id(%barrier3A_15)
    %mul3A_16 = arith.constant 800 : i32
    %mul3A_17 = arith.muli %arg1, %mul3A_16 : i32
    %mul3A_18 = arith.constant 12800 : i32
    %mul3A_19 = arith.muli %add3A_3, %mul3A_18 : i32
    %mul3A_20 = arith.constant 800 : i32
    %mul3A_21 = arith.muli %arg1, %mul3A_20 : i32
    %add3A_22 = arith.addi %mul3A_19, %mul3A_21 : i32
    "tpu.region"() ({
      %run_scoped3A = tpu.sem_alloc : memref<!tpu.dma_semaphore, #tpu.memory_space<semaphore_mem>>
      %dma_start3A = arith.constant 0 : i32
      %dma_start3A_50 = tpu.memref_slice %arg6[%add3A_22, %dma_start3A] : memref<51200x128xf32, #tpu.memory_space<hbm>> -> memref<800x128xf32, #tpu.memory_space<hbm>>
      %dma_start3A_51 = arith.constant 0 : i32
      %dma_start3A_52 = tpu.memref_slice %arg10[%mul3A_17, %dma_start3A_51] : memref<12800x128xf32, #tpu.memory_space<vmem_shared>> -> memref<800x128xf32, #tpu.memory_space<vmem_shared>>
      tpu.enqueue_dma source(%dma_start3A_52 : memref<800x128xf32, #tpu.memory_space<vmem_shared>>) target(%dma_start3A_50 : memref<800x128xf32, #tpu.memory_space<hbm>>) target_semaphore(%run_scoped3A : memref<!tpu.dma_semaphore, #tpu.memory_space<semaphore_mem>>)
      %dma_wait3A = arith.constant 0 : i32
      %dma_wait3A_53 = tpu.memref_slice %arg6[%add3A_22, %dma_wait3A] : memref<51200x128xf32, #tpu.memory_space<hbm>> -> memref<800x128xf32, #tpu.memory_space<hbm>>
      %dma_wait3A_54 = arith.constant 0 : i32
      %dma_wait3A_55 = tpu.memref_slice %arg10[%mul3A_17, %dma_wait3A_54] : memref<12800x128xf32, #tpu.memory_space<vmem_shared>> -> memref<800x128xf32, #tpu.memory_space<vmem_shared>>
      tpu.wait_dma2 semaphore(%run_scoped3A : memref<!tpu.dma_semaphore, #tpu.memory_space<semaphore_mem>>) src(%dma_wait3A_55 : memref<800x128xf32, #tpu.memory_space<vmem_shared>>) dst(%dma_wait3A_53 : memref<800x128xf32, #tpu.memory_space<hbm>>)
      tpu.yield
    }) : () -> ()
    %barrier3A_23 = arith.constant 0 : index
    tpu.barrier barrier_id(%barrier3A_23)
    %mul3A_24 = arith.constant 2 : i32
    %mul3A_25 = arith.muli %arg0, %mul3A_24 : i32
    %add3A_26 = arith.constant 1 : i32
    %add3A_27 = arith.addi %mul3A_25, %add3A_26 : i32
    %mul3A_28 = arith.constant 10000 : i32
    %mul3A_29 = arith.muli %add3A_27, %mul3A_28 : i32
    %mul3A_30 = arith.constant 800 : i32
    %mul3A_31 = arith.muli %arg1, %mul3A_30 : i32
    %mul3A_32 = arith.constant 800 : i32
    %mul3A_33 = arith.muli %arg1, %mul3A_32 : i32
    "tpu.region"() ({
      %run_scoped3A = tpu.sem_alloc : memref<!tpu.dma_semaphore, #tpu.memory_space<semaphore_mem>>
      %dma_start3A = arith.constant 0 : i32
      %dma_start3A_50 = tpu.memref_slice %arg10[%mul3A_33, %dma_start3A] : memref<12800x128xf32, #tpu.memory_space<vmem_shared>> -> memref<800x128xf32, #tpu.memory_space<vmem_shared>>
      %dma_start3A_51 = arith.constant 0 : i32
      %dma_start3A_52 = tpu.memref_slice %arg5[%mul3A_31, %dma_start3A_51] : memref<12800x128xf32, #tpu.memory_space<hbm>> -> memref<800x128xf32, #tpu.memory_space<hbm>>
      tpu.enqueue_dma source(%dma_start3A_52 : memref<800x128xf32, #tpu.memory_space<hbm>>) target(%dma_start3A_50 : memref<800x128xf32, #tpu.memory_space<vmem_shared>>) target_semaphore(%run_scoped3A : memref<!tpu.dma_semaphore, #tpu.memory_space<semaphore_mem>>)
      %dma_wait3A = arith.constant 0 : i32
      %dma_wait3A_53 = tpu.memref_slice %arg10[%mul3A_33, %dma_wait3A] : memref<12800x128xf32, #tpu.memory_space<vmem_shared>> -> memref<800x128xf32, #tpu.memory_space<vmem_shared>>
      %dma_wait3A_54 = arith.constant 0 : i32
      %dma_wait3A_55 = tpu.memref_slice %arg5[%mul3A_31, %dma_wait3A_54] : memref<12800x128xf32, #tpu.memory_space<hbm>> -> memref<800x128xf32, #tpu.memory_space<hbm>>
      tpu.wait_dma2 semaphore(%run_scoped3A : memref<!tpu.dma_semaphore, #tpu.memory_space<semaphore_mem>>) src(%dma_wait3A_55 : memref<800x128xf32, #tpu.memory_space<hbm>>) dst(%dma_wait3A_53 : memref<800x128xf32, #tpu.memory_space<vmem_shared>>)
      tpu.yield
    }) : () -> ()
    %barrier3A_34 = arith.constant 0 : index
    tpu.barrier barrier_id(%barrier3A_34)
    %scan3A_35 = arith.constant 0 : i32
    %scan3A_36 = arith.constant 0 : i32
    %scan3A_37 = arith.constant 79 : i32
    %scan3A_38 = arith.addi %scan3A_36, %scan3A_37 : i32
    %scan3A_39 = arith.constant 1 : i32
    scf.for %scan3A_50 = %scan3A_36 to %scan3A_38 step %scan3A_39  : i32 {
      %mul3A_51 = arith.constant 128 : i32
      %mul3A_52 = arith.muli %scan3A_50, %mul3A_51 : i32
      %add3A_53 = arith.addi %mul3A_0, %mul3A_52 : i32
      "tpu.region"() ({
        %run_scoped3A = tpu.sem_alloc : memref<!tpu.dma_semaphore, #tpu.memory_space<semaphore_mem>>
        %dma_start3A_128 = tpu.memref_slice %arg3[%add3A_53] : memref<161792xi32, #tpu.memory_space<hbm>> -> memref<128xi32, #tpu.memory_space<hbm>>
        %dma_start3A_129 = tpu.memref_slice %arg3[%add3A_53] : memref<161792xi32, #tpu.memory_space<hbm>> -> memref<128xi32, #tpu.memory_space<hbm>>
        tpu.enqueue_dma source(%dma_start3A_129 : memref<128xi32, #tpu.memory_space<hbm>>) target(%arg7 : memref<128xi32, #tpu.memory_space<vmem>>) target_semaphore(%run_scoped3A : memref<!tpu.dma_semaphore, #tpu.memory_space<semaphore_mem>>)
        %dma_wait3A_130 = tpu.memref_slice %arg3[%add3A_53] : memref<161792xi32, #tpu.memory_space<hbm>> -> memref<128xi32, #tpu.memory_space<hbm>>
        %dma_wait3A_131 = tpu.memref_slice %arg3[%add3A_53] : memref<161792xi32, #tpu.memory_space<hbm>> -> memref<128xi32, #tpu.memory_space<hbm>>
        tpu.wait_dma2 semaphore(%run_scoped3A : memref<!tpu.dma_semaphore, #tpu.memory_space<semaphore_mem>>) src(%dma_wait3A_131 : memref<128xi32, #tpu.memory_space<hbm>>) dst(%arg7 : memref<128xi32, #tpu.memory_space<vmem>>)
        tpu.yield
      }) : () -> ()
      "tpu.region"() ({
        %run_scoped3A = tpu.sem_alloc : memref<!tpu.dma_semaphore, #tpu.memory_space<semaphore_mem>>
        %dma_start3A_128 = tpu.memref_slice %arg4[%add3A_53] : memref<161792xi32, #tpu.memory_space<hbm>> -> memref<128xi32, #tpu.memory_space<hbm>>
        %dma_start3A_129 = tpu.memref_slice %arg4[%add3A_53] : memref<161792xi32, #tpu.memory_space<hbm>> -> memref<128xi32, #tpu.memory_space<hbm>>
        tpu.enqueue_dma source(%dma_start3A_129 : memref<128xi32, #tpu.memory_space<hbm>>) target(%arg8 : memref<128xi32, #tpu.memory_space<vmem>>) target_semaphore(%run_scoped3A : memref<!tpu.dma_semaphore, #tpu.memory_space<semaphore_mem>>)
        %dma_wait3A_130 = tpu.memref_slice %arg4[%add3A_53] : memref<161792xi32, #tpu.memory_space<hbm>> -> memref<128xi32, #tpu.memory_space<hbm>>
        %dma_wait3A_131 = tpu.memref_slice %arg4[%add3A_53] : memref<161792xi32, #tpu.memory_space<hbm>> -> memref<128xi32, #tpu.memory_space<hbm>>
        tpu.wait_dma2 semaphore(%run_scoped3A : memref<!tpu.dma_semaphore, #tpu.memory_space<semaphore_mem>>) src(%dma_wait3A_131 : memref<128xi32, #tpu.memory_space<hbm>>) dst(%arg8 : memref<128xi32, #tpu.memory_space<vmem>>)
        tpu.yield
      }) : () -> ()
      %get3A = arith.constant 0 : index
      %get3A_54 = tpu.vector_load %arg7[%get3A] {strides = array<i32>} : memref<128xi32, #tpu.memory_space<vmem>>, vector<16xi32>,
      %get3A_55 = vector.shape_cast %get3A_54 : vector<16xi32> to vector<16xi32>
      %add3A_56 = vector.broadcast %mul3A_29 : i32 to vector<16xi32>
      %add3A_57 = arith.addi %get3A_55, %add3A_56 : vector<16xi32>
      %swap3A = arith.constant 0 : index
      %swap3A_58 = tpu.vector_load %arg7[%swap3A] {strides = array<i32>} : memref<128xi32, #tpu.memory_space<vmem>>, vector<16xi32>,
      %swap3A_59 = vector.shape_cast %swap3A_58 : vector<16xi32> to vector<16xi32>
      %swap3A_60 = vector.shape_cast %add3A_57 : vector<16xi32> to vector<16xi32>
      tpu.vector_store %arg7[%swap3A], %swap3A_60 {strides = array<i32>} : memref<128xi32, #tpu.memory_space<vmem>>, vector<16xi32>,
      %get3A_61 = arith.constant 16 : index
      %get3A_62 = tpu.vector_load %arg7[%get3A_61] {strides = array<i32>} : memref<128xi32, #tpu.memory_space<vmem>>, vector<16xi32>,
      %get3A_63 = vector.shape_cast %get3A_62 : vector<16xi32> to vector<16xi32>
      %add3A_64 = vector.broadcast %mul3A_29 : i32 to vector<16xi32>
      %add3A_65 = arith.addi %get3A_63, %add3A_64 : vector<16xi32>
      %swap3A_66 = arith.constant 16 : index
      %swap3A_67 = tpu.vector_load %arg7[%swap3A_66] {strides = array<i32>} : memref<128xi32, #tpu.memory_space<vmem>>, vector<16xi32>,
      %swap3A_68 = vector.shape_cast %swap3A_67 : vector<16xi32> to vector<16xi32>
      %swap3A_69 = vector.shape_cast %add3A_65 : vector<16xi32> to vector<16xi32>
      tpu.vector_store %arg7[%swap3A_66], %swap3A_69 {strides = array<i32>} : memref<128xi32, #tpu.memory_space<vmem>>, vector<16xi32>,
      %get3A_70 = arith.constant 32 : index
      %get3A_71 = tpu.vector_load %arg7[%get3A_70] {strides = array<i32>} : memref<128xi32, #tpu.memory_space<vmem>>, vector<16xi32>,
      %get3A_72 = vector.shape_cast %get3A_71 : vector<16xi32> to vector<16xi32>
      %add3A_73 = vector.broadcast %mul3A_29 : i32 to vector<16xi32>
      %add3A_74 = arith.addi %get3A_72, %add3A_73 : vector<16xi32>
      %swap3A_75 = arith.constant 32 : index
      %swap3A_76 = tpu.vector_load %arg7[%swap3A_75] {strides = array<i32>} : memref<128xi32, #tpu.memory_space<vmem>>, vector<16xi32>,
      %swap3A_77 = vector.shape_cast %swap3A_76 : vector<16xi32> to vector<16xi32>
      %swap3A_78 = vector.shape_cast %add3A_74 : vector<16xi32> to vector<16xi32>
      tpu.vector_store %arg7[%swap3A_75], %swap3A_78 {strides = array<i32>} : memref<128xi32, #tpu.memory_space<vmem>>, vector<16xi32>,
      %get3A_79 = arith.constant 48 : index
      %get3A_80 = tpu.vector_load %arg7[%get3A_79] {strides = array<i32>} : memref<128xi32, #tpu.memory_space<vmem>>, vector<16xi32>,
      %get3A_81 = vector.shape_cast %get3A_80 : vector<16xi32> to vector<16xi32>
      %add3A_82 = vector.broadcast %mul3A_29 : i32 to vector<16xi32>
      %add3A_83 = arith.addi %get3A_81, %add3A_82 : vector<16xi32>
      %swap3A_84 = arith.constant 48 : index
      %swap3A_85 = tpu.vector_load %arg7[%swap3A_84] {strides = array<i32>} : memref<128xi32, #tpu.memory_space<vmem>>, vector<16xi32>,
      %swap3A_86 = vector.shape_cast %swap3A_85 : vector<16xi32> to vector<16xi32>
      %swap3A_87 = vector.shape_cast %add3A_83 : vector<16xi32> to vector<16xi32>
      tpu.vector_store %arg7[%swap3A_84], %swap3A_87 {strides = array<i32>} : memref<128xi32, #tpu.memory_space<vmem>>, vector<16xi32>,
      %get3A_88 = arith.constant 64 : index
      %get3A_89 = tpu.vector_load %arg7[%get3A_88] {strides = array<i32>} : memref<128xi32, #tpu.memory_space<vmem>>, vector<16xi32>,
      %get3A_90 = vector.shape_cast %get3A_89 : vector<16xi32> to vector<16xi32>
      %add3A_91 = vector.broadcast %mul3A_29 : i32 to vector<16xi32>
      %add3A_92 = arith.addi %get3A_90, %add3A_91 : vector<16xi32>
      %swap3A_93 = arith.constant 64 : index
      %swap3A_94 = tpu.vector_load %arg7[%swap3A_93] {strides = array<i32>} : memref<128xi32, #tpu.memory_space<vmem>>, vector<16xi32>,
      %swap3A_95 = vector.shape_cast %swap3A_94 : vector<16xi32> to vector<16xi32>
      %swap3A_96 = vector.shape_cast %add3A_92 : vector<16xi32> to vector<16xi32>
      tpu.vector_store %arg7[%swap3A_93], %swap3A_96 {strides = array<i32>} : memref<128xi32, #tpu.memory_space<vmem>>, vector<16xi32>,
      %get3A_97 = arith.constant 80 : index
      %get3A_98 = tpu.vector_load %arg7[%get3A_97] {strides = array<i32>} : memref<128xi32, #tpu.memory_space<vmem>>, vector<16xi32>,
      %get3A_99 = vector.shape_cast %get3A_98 : vector<16xi32> to vector<16xi32>
      %add3A_100 = vector.broadcast %mul3A_29 : i32 to vector<16xi32>
      %add3A_101 = arith.addi %get3A_99, %add3A_100 : vector<16xi32>
      %swap3A_102 = arith.constant 80 : index
      %swap3A_103 = tpu.vector_load %arg7[%swap3A_102] {strides = array<i32>} : memref<128xi32, #tpu.memory_space<vmem>>, vector<16xi32>,
      %swap3A_104 = vector.shape_cast %swap3A_103 : vector<16xi32> to vector<16xi32>
      %swap3A_105 = vector.shape_cast %add3A_101 : vector<16xi32> to vector<16xi32>
      tpu.vector_store %arg7[%swap3A_102], %swap3A_105 {strides = array<i32>} : memref<128xi32, #tpu.memory_space<vmem>>, vector<16xi32>,
      %get3A_106 = arith.constant 96 : index
      %get3A_107 = tpu.vector_load %arg7[%get3A_106] {strides = array<i32>} : memref<128xi32, #tpu.memory_space<vmem>>, vector<16xi32>,
      %get3A_108 = vector.shape_cast %get3A_107 : vector<16xi32> to vector<16xi32>
      %add3A_109 = vector.broadcast %mul3A_29 : i32 to vector<16xi32>
      %add3A_110 = arith.addi %get3A_108, %add3A_109 : vector<16xi32>
      %swap3A_111 = arith.constant 96 : index
      %swap3A_112 = tpu.vector_load %arg7[%swap3A_111] {strides = array<i32>} : memref<128xi32, #tpu.memory_space<vmem>>, vector<16xi32>,
      %swap3A_113 = vector.shape_cast %swap3A_112 : vector<16xi32> to vector<16xi32>
      %swap3A_114 = vector.shape_cast %add3A_110 : vector<16xi32> to vector<16xi32>
      tpu.vector_store %arg7[%swap3A_111], %swap3A_114 {strides = array<i32>} : memref<128xi32, #tpu.memory_space<vmem>>, vector<16xi32>,
      %get3A_115 = arith.constant 112 : index
      %get3A_116 = tpu.vector_load %arg7[%get3A_115] {strides = array<i32>} : memref<128xi32, #tpu.memory_space<vmem>>, vector<16xi32>,
      %get3A_117 = vector.shape_cast %get3A_116 : vector<16xi32> to vector<16xi32>
      %add3A_118 = vector.broadcast %mul3A_29 : i32 to vector<16xi32>
      %add3A_119 = arith.addi %get3A_117, %add3A_118 : vector<16xi32>
      %swap3A_120 = arith.constant 112 : index
      %swap3A_121 = tpu.vector_load %arg7[%swap3A_120] {strides = array<i32>} : memref<128xi32, #tpu.memory_space<vmem>>, vector<16xi32>,
      %swap3A_122 = vector.shape_cast %swap3A_121 : vector<16xi32> to vector<16xi32>
      %swap3A_123 = vector.shape_cast %add3A_119 : vector<16xi32> to vector<16xi32>
      tpu.vector_store %arg7[%swap3A_120], %swap3A_123 {strides = array<i32>} : memref<128xi32, #tpu.memory_space<vmem>>, vector<16xi32>,
      %dma_start3A = arith.constant 0 : i32
      %dma_start3A_124 = arith.constant 0 : i32
      %dma_start3A_125 = tpu.memref_slice %arg2[%dma_start3A, %dma_start3A_124] : memref<40000x128xf32, #tpu.memory_space<hbm>> -> memref<40000x128xf32, #tpu.memory_space<hbm>>
      tpu.enqueue_indirect_dma source(%dma_start3A_125 : memref<40000x128xf32, #tpu.memory_space<hbm>>) target(%arg9 : memref<128x128xf32, #tpu.memory_space<vmem>>) offsets(%arg7 : memref<128xi32, #tpu.memory_space<vmem>>) semaphore(%arg11 : memref<!tpu.dma_semaphore, #tpu.memory_space<semaphore_mem>>)
      %dma_wait3A = arith.constant 0 : i32
      %dma_wait3A_126 = arith.constant 0 : i32
      %dma_wait3A_127 = tpu.memref_slice %arg2[%dma_wait3A, %dma_wait3A_126] : memref<40000x128xf32, #tpu.memory_space<hbm>> -> memref<40000x128xf32, #tpu.memory_space<hbm>>
      tpu.wait_indirect_dma semaphore(%arg11 : memref<!tpu.dma_semaphore, #tpu.memory_space<semaphore_mem>>) src(%dma_wait3A_127 : memref<40000x128xf32, #tpu.memory_space<hbm>>) dst(%arg9 : memref<128x128xf32, #tpu.memory_space<vmem>>)
      "tpu.region"() ({
        %run_scoped3A = tpu.sem_alloc : memref<!tpu.dma_semaphore, #tpu.memory_space<semaphore_mem>>
        %dma_start3A_128 = arith.constant 0 : i32
        %dma_start3A_129 = arith.constant 0 : i32
        %dma_start3A_130 = tpu.memref_slice %arg10[%dma_start3A_128, %dma_start3A_129] : memref<12800x128xf32, #tpu.memory_space<vmem_shared>> -> memref<12800x128xf32, #tpu.memory_space<vmem_shared>>
        tpu.enqueue_indirect_dma source(%arg9 : memref<128x128xf32, #tpu.memory_space<vmem>>) target(%dma_start3A_130 : memref<12800x128xf32, #tpu.memory_space<vmem_shared>>) offsets(%arg8 : memref<128xi32, #tpu.memory_space<vmem>>) semaphore(%run_scoped3A : memref<!tpu.dma_semaphore, #tpu.memory_space<semaphore_mem>>) {add = true}
        %dma_wait3A_131 = arith.constant 0 : i32
        %dma_wait3A_132 = arith.constant 0 : i32
        %dma_wait3A_133 = tpu.memref_slice %arg10[%dma_wait3A_131, %dma_wait3A_132] : memref<12800x128xf32, #tpu.memory_space<vmem_shared>> -> memref<12800x128xf32, #tpu.memory_space<vmem_shared>>
        tpu.wait_indirect_dma semaphore(%run_scoped3A : memref<!tpu.dma_semaphore, #tpu.memory_space<semaphore_mem>>) src(%arg9 : memref<128x128xf32, #tpu.memory_space<vmem>>) dst(%dma_wait3A_133 : memref<12800x128xf32, #tpu.memory_space<vmem_shared>>)
        tpu.yield
      }) : () -> ()
    }
    %scan3A_40 = arith.constant 79 : i32
    %barrier3A_41 = arith.constant 0 : index
    tpu.barrier barrier_id(%barrier3A_41)
    %mul3A_42 = arith.constant 800 : i32
    %mul3A_43 = arith.muli %arg1, %mul3A_42 : i32
    %mul3A_44 = arith.constant 12800 : i32
    %mul3A_45 = arith.muli %add3A_27, %mul3A_44 : i32
    %mul3A_46 = arith.constant 800 : i32
    %mul3A_47 = arith.muli %arg1, %mul3A_46 : i32
    %add3A_48 = arith.addi %mul3A_45, %mul3A_47 : i32
    "tpu.region"() ({
      %run_scoped3A = tpu.sem_alloc : memref<!tpu.dma_semaphore, #tpu.memory_space<semaphore_mem>>
      %dma_start3A = arith.constant 0 : i32
      %dma_start3A_50 = tpu.memref_slice %arg6[%add3A_48, %dma_start3A] : memref<51200x128xf32, #tpu.memory_space<hbm>> -> memref<800x128xf32, #tpu.memory_space<hbm>>
      %dma_start3A_51 = arith.constant 0 : i32
      %dma_start3A_52 = tpu.memref_slice %arg10[%mul3A_43, %dma_start3A_51] : memref<12800x128xf32, #tpu.memory_space<vmem_shared>> -> memref<800x128xf32, #tpu.memory_space<vmem_shared>>
      tpu.enqueue_dma source(%dma_start3A_52 : memref<800x128xf32, #tpu.memory_space<vmem_shared>>) target(%dma_start3A_50 : memref<800x128xf32, #tpu.memory_space<hbm>>) target_semaphore(%run_scoped3A : memref<!tpu.dma_semaphore, #tpu.memory_space<semaphore_mem>>)
      %dma_wait3A = arith.constant 0 : i32
      %dma_wait3A_53 = tpu.memref_slice %arg6[%add3A_48, %dma_wait3A] : memref<51200x128xf32, #tpu.memory_space<hbm>> -> memref<800x128xf32, #tpu.memory_space<hbm>>
      %dma_wait3A_54 = arith.constant 0 : i32
      %dma_wait3A_55 = tpu.memref_slice %arg10[%mul3A_43, %dma_wait3A_54] : memref<12800x128xf32, #tpu.memory_space<vmem_shared>> -> memref<800x128xf32, #tpu.memory_space<vmem_shared>>
      tpu.wait_dma2 semaphore(%run_scoped3A : memref<!tpu.dma_semaphore, #tpu.memory_space<semaphore_mem>>) src(%dma_wait3A_55 : memref<800x128xf32, #tpu.memory_space<vmem_shared>>) dst(%dma_wait3A_53 : memref<800x128xf32, #tpu.memory_space<hbm>>)
      tpu.yield
    }) : () -> ()
    %barrier3A_49 = arith.constant 0 : index
    tpu.barrier barrier_id(%barrier3A_49)
    return
  }
}

#map = affine_map<(d0, d1) -> (0, 0)>
#map1 = affine_map<(d0, d1) -> (0)>
module attributes {stable_mosaic.version = 14 : i64} {
  func.func @sc_kernel(%arg0: i32, %arg1: i32, %arg2: memref<40000x128xf32, #tpu.memory_space<hbm>>, %arg3: memref<161792xi32, #tpu.memory_space<hbm>>, %arg4: memref<161792xi32, #tpu.memory_space<hbm>>, %arg5: memref<12800x128xf32, #tpu.memory_space<hbm>>, %arg6: memref<51200x128xf32, #tpu.memory_space<hbm>>, %arg7: memref<128xi32, #tpu.memory_space<vmem>>, %arg8: memref<128xi32, #tpu.memory_space<vmem>>, %arg9: memref<128x128xf32, #tpu.memory_space<vmem>>, %arg10: memref<12800x128xf32, #tpu.memory_space<vmem_shared>>, %arg11: memref<!tpu.dma_semaphore, #tpu.memory_space<semaphore_mem>>) attributes {dimension_semantics = [#tpu.dimension_semantics<core_parallel>, #tpu.dimension_semantics<subcore_parallel>], iteration_bounds = array<i64: 2, 16>, scalar_prefetch = 0 : i64, scratch_operands = 5 : i64, tpu.core_type = #tpu.core_type<sc_vector_subcore>, window_params = [{transform_indices = #map}, {transform_indices = #map1}, {transform_indices = #map1}, {transform_indices = #map}, {transform_indices = #map}]} {
    %mul3A = arith.constant 10112 : i32
    %mul3A_0 = arith.muli %arg1, %mul3A : i32
    %mul3A_1 = arith.constant 2 : i32
    %mul3A_2 = arith.muli %arg0, %mul3A_1 : i32
    %add3A = arith.constant 0 : i32
    %add3A_3 = arith.addi %mul3A_2, %add3A : i32
    %mul3A_4 = arith.constant 10000 : i32
    %mul3A_5 = arith.muli %add3A_3, %mul3A_4 : i32
    %mul3A_6 = arith.constant 800 : i32
    %mul3A_7 = arith.muli %arg1, %mul3A_6 : i32
    %mul3A_8 = arith.constant 800 : i32
    %mul3A_9 = arith.muli %arg1, %mul3A_8 : i32
    "tpu.region"() ({
      %run_scoped3A = tpu.sem_alloc : memref<!tpu.dma_semaphore, #tpu.memory_space<semaphore_mem>>
      %dma_start3A = arith.constant 0 : i32
      %dma_start3A_50 = tpu.memref_slice %arg10[%mul3A_9, %dma_start3A] : memref<12800x128xf32, #tpu.memory_space<vmem_shared>> -> memref<800x128xf32, #tpu.memory_space<vmem_shared>>
      %dma_start3A_51 = arith.constant 0 : i32
      %dma_start3A_52 = tpu.memref_slice %arg5[%mul3A_7, %dma_start3A_51] : memref<12800x128xf32, #tpu.memory_space<hbm>> -> memref<800x128xf32, #tpu.memory_space<hbm>>
      tpu.enqueue_dma source(%dma_start3A_52 : memref<800x128xf32, #tpu.memory_space<hbm>>) target(%dma_start3A_50 : memref<800x128xf32, #tpu.memory_space<vmem_shared>>) target_semaphore(%run_scoped3A : memref<!tpu.dma_semaphore, #tpu.memory_space<semaphore_mem>>)
      %dma_wait3A = arith.constant 0 : i32
      %dma_wait3A_53 = tpu.memref_slice %arg10[%mul3A_9, %dma_wait3A] : memref<12800x128xf32, #tpu.memory_space<vmem_shared>> -> memref<800x128xf32, #tpu.memory_space<vmem_shared>>
      %dma_wait3A_54 = arith.constant 0 : i32
      %dma_wait3A_55 = tpu.memref_slice %arg5[%mul3A_7, %dma_wait3A_54] : memref<12800x128xf32, #tpu.memory_space<hbm>> -> memref<800x128xf32, #tpu.memory_space<hbm>>
      tpu.wait_dma2 semaphore(%run_scoped3A : memref<!tpu.dma_semaphore, #tpu.memory_space<semaphore_mem>>) src(%dma_wait3A_55 : memref<800x128xf32, #tpu.memory_space<hbm>>) dst(%dma_wait3A_53 : memref<800x128xf32, #tpu.memory_space<vmem_shared>>)
      tpu.yield
    }) : () -> ()
    %barrier3A = arith.constant 0 : index
    tpu.barrier barrier_id(%barrier3A)
    %scan3A = arith.constant 0 : i32
    %scan3A_10 = arith.constant 0 : i32
    %scan3A_11 = arith.constant 79 : i32
    %scan3A_12 = arith.addi %scan3A_10, %scan3A_11 : i32
    %scan3A_13 = arith.constant 1 : i32
    scf.for %scan3A_50 = %scan3A_10 to %scan3A_12 step %scan3A_13  : i32 {
      %mul3A_51 = arith.constant 128 : i32
      %mul3A_52 = arith.muli %scan3A_50, %mul3A_51 : i32
      %add3A_53 = arith.addi %mul3A_0, %mul3A_52 : i32
      "tpu.region"() ({
        %run_scoped3A = tpu.sem_alloc : memref<!tpu.dma_semaphore, #tpu.memory_space<semaphore_mem>>
        %dma_start3A_128 = tpu.memref_slice %arg3[%add3A_53] : memref<161792xi32, #tpu.memory_space<hbm>> -> memref<128xi32, #tpu.memory_space<hbm>>
        %dma_start3A_129 = tpu.memref_slice %arg3[%add3A_53] : memref<161792xi32, #tpu.memory_space<hbm>> -> memref<128xi32, #tpu.memory_space<hbm>>
        tpu.enqueue_dma source(%dma_start3A_129 : memref<128xi32, #tpu.memory_space<hbm>>) target(%arg7 : memref<128xi32, #tpu.memory_space<vmem>>) target_semaphore(%run_scoped3A : memref<!tpu.dma_semaphore, #tpu.memory_space<semaphore_mem>>)
        %dma_wait3A_130 = tpu.memref_slice %arg3[%add3A_53] : memref<161792xi32, #tpu.memory_space<hbm>> -> memref<128xi32, #tpu.memory_space<hbm>>
        %dma_wait3A_131 = tpu.memref_slice %arg3[%add3A_53] : memref<161792xi32, #tpu.memory_space<hbm>> -> memref<128xi32, #tpu.memory_space<hbm>>
        tpu.wait_dma2 semaphore(%run_scoped3A : memref<!tpu.dma_semaphore, #tpu.memory_space<semaphore_mem>>) src(%dma_wait3A_131 : memref<128xi32, #tpu.memory_space<hbm>>) dst(%arg7 : memref<128xi32, #tpu.memory_space<vmem>>)
        tpu.yield
      }) : () -> ()
      "tpu.region"() ({
        %run_scoped3A = tpu.sem_alloc : memref<!tpu.dma_semaphore, #tpu.memory_space<semaphore_mem>>
        %dma_start3A_128 = tpu.memref_slice %arg4[%add3A_53] : memref<161792xi32, #tpu.memory_space<hbm>> -> memref<128xi32, #tpu.memory_space<hbm>>
        %dma_start3A_129 = tpu.memref_slice %arg4[%add3A_53] : memref<161792xi32, #tpu.memory_space<hbm>> -> memref<128xi32, #tpu.memory_space<hbm>>
        tpu.enqueue_dma source(%dma_start3A_129 : memref<128xi32, #tpu.memory_space<hbm>>) target(%arg8 : memref<128xi32, #tpu.memory_space<vmem>>) target_semaphore(%run_scoped3A : memref<!tpu.dma_semaphore, #tpu.memory_space<semaphore_mem>>)
        %dma_wait3A_130 = tpu.memref_slice %arg4[%add3A_53] : memref<161792xi32, #tpu.memory_space<hbm>> -> memref<128xi32, #tpu.memory_space<hbm>>
        %dma_wait3A_131 = tpu.memref_slice %arg4[%add3A_53] : memref<161792xi32, #tpu.memory_space<hbm>> -> memref<128xi32, #tpu.memory_space<hbm>>
        tpu.wait_dma2 semaphore(%run_scoped3A : memref<!tpu.dma_semaphore, #tpu.memory_space<semaphore_mem>>) src(%dma_wait3A_131 : memref<128xi32, #tpu.memory_space<hbm>>) dst(%arg8 : memref<128xi32, #tpu.memory_space<vmem>>)
        tpu.yield
      }) : () -> ()
      %get3A = arith.constant 0 : index
      %get3A_54 = tpu.vector_load %arg7[%get3A] {strides = array<i32>} : memref<128xi32, #tpu.memory_space<vmem>>, vector<16xi32>,
      %get3A_55 = vector.shape_cast %get3A_54 : vector<16xi32> to vector<16xi32>
      %add3A_56 = vector.broadcast %mul3A_5 : i32 to vector<16xi32>
      %add3A_57 = arith.addi %get3A_55, %add3A_56 : vector<16xi32>
      %swap3A = arith.constant 0 : index
      %swap3A_58 = tpu.vector_load %arg7[%swap3A] {strides = array<i32>} : memref<128xi32, #tpu.memory_space<vmem>>, vector<16xi32>,
      %swap3A_59 = vector.shape_cast %swap3A_58 : vector<16xi32> to vector<16xi32>
      %swap3A_60 = vector.shape_cast %add3A_57 : vector<16xi32> to vector<16xi32>
      tpu.vector_store %arg7[%swap3A], %swap3A_60 {strides = array<i32>} : memref<128xi32, #tpu.memory_space<vmem>>, vector<16xi32>,
      %get3A_61 = arith.constant 16 : index
      %get3A_62 = tpu.vector_load %arg7[%get3A_61] {strides = array<i32>} : memref<128xi32, #tpu.memory_space<vmem>>, vector<16xi32>,
      %get3A_63 = vector.shape_cast %get3A_62 : vector<16xi32> to vector<16xi32>
      %add3A_64 = vector.broadcast %mul3A_5 : i32 to vector<16xi32>
      %add3A_65 = arith.addi %get3A_63, %add3A_64 : vector<16xi32>
      %swap3A_66 = arith.constant 16 : index
      %swap3A_67 = tpu.vector_load %arg7[%swap3A_66] {strides = array<i32>} : memref<128xi32, #tpu.memory_space<vmem>>, vector<16xi32>,
      %swap3A_68 = vector.shape_cast %swap3A_67 : vector<16xi32> to vector<16xi32>
      %swap3A_69 = vector.shape_cast %add3A_65 : vector<16xi32> to vector<16xi32>
      tpu.vector_store %arg7[%swap3A_66], %swap3A_69 {strides = array<i32>} : memref<128xi32, #tpu.memory_space<vmem>>, vector<16xi32>,
      %get3A_70 = arith.constant 32 : index
      %get3A_71 = tpu.vector_load %arg7[%get3A_70] {strides = array<i32>} : memref<128xi32, #tpu.memory_space<vmem>>, vector<16xi32>,
      %get3A_72 = vector.shape_cast %get3A_71 : vector<16xi32> to vector<16xi32>
      %add3A_73 = vector.broadcast %mul3A_5 : i32 to vector<16xi32>
      %add3A_74 = arith.addi %get3A_72, %add3A_73 : vector<16xi32>
      %swap3A_75 = arith.constant 32 : index
      %swap3A_76 = tpu.vector_load %arg7[%swap3A_75] {strides = array<i32>} : memref<128xi32, #tpu.memory_space<vmem>>, vector<16xi32>,
      %swap3A_77 = vector.shape_cast %swap3A_76 : vector<16xi32> to vector<16xi32>
      %swap3A_78 = vector.shape_cast %add3A_74 : vector<16xi32> to vector<16xi32>
      tpu.vector_store %arg7[%swap3A_75], %swap3A_78 {strides = array<i32>} : memref<128xi32, #tpu.memory_space<vmem>>, vector<16xi32>,
      %get3A_79 = arith.constant 48 : index
      %get3A_80 = tpu.vector_load %arg7[%get3A_79] {strides = array<i32>} : memref<128xi32, #tpu.memory_space<vmem>>, vector<16xi32>,
      %get3A_81 = vector.shape_cast %get3A_80 : vector<16xi32> to vector<16xi32>
      %add3A_82 = vector.broadcast %mul3A_5 : i32 to vector<16xi32>
      %add3A_83 = arith.addi %get3A_81, %add3A_82 : vector<16xi32>
      %swap3A_84 = arith.constant 48 : index
      %swap3A_85 = tpu.vector_load %arg7[%swap3A_84] {strides = array<i32>} : memref<128xi32, #tpu.memory_space<vmem>>, vector<16xi32>,
      %swap3A_86 = vector.shape_cast %swap3A_85 : vector<16xi32> to vector<16xi32>
      %swap3A_87 = vector.shape_cast %add3A_83 : vector<16xi32> to vector<16xi32>
      tpu.vector_store %arg7[%swap3A_84], %swap3A_87 {strides = array<i32>} : memref<128xi32, #tpu.memory_space<vmem>>, vector<16xi32>,
      %get3A_88 = arith.constant 64 : index
      %get3A_89 = tpu.vector_load %arg7[%get3A_88] {strides = array<i32>} : memref<128xi32, #tpu.memory_space<vmem>>, vector<16xi32>,
      %get3A_90 = vector.shape_cast %get3A_89 : vector<16xi32> to vector<16xi32>
      %add3A_91 = vector.broadcast %mul3A_5 : i32 to vector<16xi32>
      %add3A_92 = arith.addi %get3A_90, %add3A_91 : vector<16xi32>
      %swap3A_93 = arith.constant 64 : index
      %swap3A_94 = tpu.vector_load %arg7[%swap3A_93] {strides = array<i32>} : memref<128xi32, #tpu.memory_space<vmem>>, vector<16xi32>,
      %swap3A_95 = vector.shape_cast %swap3A_94 : vector<16xi32> to vector<16xi32>
      %swap3A_96 = vector.shape_cast %add3A_92 : vector<16xi32> to vector<16xi32>
      tpu.vector_store %arg7[%swap3A_93], %swap3A_96 {strides = array<i32>} : memref<128xi32, #tpu.memory_space<vmem>>, vector<16xi32>,
      %get3A_97 = arith.constant 80 : index
      %get3A_98 = tpu.vector_load %arg7[%get3A_97] {strides = array<i32>} : memref<128xi32, #tpu.memory_space<vmem>>, vector<16xi32>,
      %get3A_99 = vector.shape_cast %get3A_98 : vector<16xi32> to vector<16xi32>
      %add3A_100 = vector.broadcast %mul3A_5 : i32 to vector<16xi32>
      %add3A_101 = arith.addi %get3A_99, %add3A_100 : vector<16xi32>
      %swap3A_102 = arith.constant 80 : index
      %swap3A_103 = tpu.vector_load %arg7[%swap3A_102] {strides = array<i32>} : memref<128xi32, #tpu.memory_space<vmem>>, vector<16xi32>,
      %swap3A_104 = vector.shape_cast %swap3A_103 : vector<16xi32> to vector<16xi32>
      %swap3A_105 = vector.shape_cast %add3A_101 : vector<16xi32> to vector<16xi32>
      tpu.vector_store %arg7[%swap3A_102], %swap3A_105 {strides = array<i32>} : memref<128xi32, #tpu.memory_space<vmem>>, vector<16xi32>,
      %get3A_106 = arith.constant 96 : index
      %get3A_107 = tpu.vector_load %arg7[%get3A_106] {strides = array<i32>} : memref<128xi32, #tpu.memory_space<vmem>>, vector<16xi32>,
      %get3A_108 = vector.shape_cast %get3A_107 : vector<16xi32> to vector<16xi32>
      %add3A_109 = vector.broadcast %mul3A_5 : i32 to vector<16xi32>
      %add3A_110 = arith.addi %get3A_108, %add3A_109 : vector<16xi32>
      %swap3A_111 = arith.constant 96 : index
      %swap3A_112 = tpu.vector_load %arg7[%swap3A_111] {strides = array<i32>} : memref<128xi32, #tpu.memory_space<vmem>>, vector<16xi32>,
      %swap3A_113 = vector.shape_cast %swap3A_112 : vector<16xi32> to vector<16xi32>
      %swap3A_114 = vector.shape_cast %add3A_110 : vector<16xi32> to vector<16xi32>
      tpu.vector_store %arg7[%swap3A_111], %swap3A_114 {strides = array<i32>} : memref<128xi32, #tpu.memory_space<vmem>>, vector<16xi32>,
      %get3A_115 = arith.constant 112 : index
      %get3A_116 = tpu.vector_load %arg7[%get3A_115] {strides = array<i32>} : memref<128xi32, #tpu.memory_space<vmem>>, vector<16xi32>,
      %get3A_117 = vector.shape_cast %get3A_116 : vector<16xi32> to vector<16xi32>
      %add3A_118 = vector.broadcast %mul3A_5 : i32 to vector<16xi32>
      %add3A_119 = arith.addi %get3A_117, %add3A_118 : vector<16xi32>
      %swap3A_120 = arith.constant 112 : index
      %swap3A_121 = tpu.vector_load %arg7[%swap3A_120] {strides = array<i32>} : memref<128xi32, #tpu.memory_space<vmem>>, vector<16xi32>,
      %swap3A_122 = vector.shape_cast %swap3A_121 : vector<16xi32> to vector<16xi32>
      %swap3A_123 = vector.shape_cast %add3A_119 : vector<16xi32> to vector<16xi32>
      tpu.vector_store %arg7[%swap3A_120], %swap3A_123 {strides = array<i32>} : memref<128xi32, #tpu.memory_space<vmem>>, vector<16xi32>,
      %dma_start3A = arith.constant 0 : i32
      %dma_start3A_124 = arith.constant 0 : i32
      %dma_start3A_125 = tpu.memref_slice %arg2[%dma_start3A, %dma_start3A_124] : memref<40000x128xf32, #tpu.memory_space<hbm>> -> memref<40000x128xf32, #tpu.memory_space<hbm>>
      tpu.enqueue_indirect_dma source(%dma_start3A_125 : memref<40000x128xf32, #tpu.memory_space<hbm>>) target(%arg9 : memref<128x128xf32, #tpu.memory_space<vmem>>) offsets(%arg7 : memref<128xi32, #tpu.memory_space<vmem>>) semaphore(%arg11 : memref<!tpu.dma_semaphore, #tpu.memory_space<semaphore_mem>>)
      %dma_wait3A = arith.constant 0 : i32
      %dma_wait3A_126 = arith.constant 0 : i32
      %dma_wait3A_127 = tpu.memref_slice %arg2[%dma_wait3A, %dma_wait3A_126] : memref<40000x128xf32, #tpu.memory_space<hbm>> -> memref<40000x128xf32, #tpu.memory_space<hbm>>
      tpu.wait_indirect_dma semaphore(%arg11 : memref<!tpu.dma_semaphore, #tpu.memory_space<semaphore_mem>>) src(%dma_wait3A_127 : memref<40000x128xf32, #tpu.memory_space<hbm>>) dst(%arg9 : memref<128x128xf32, #tpu.memory_space<vmem>>)
      "tpu.region"() ({
        %run_scoped3A = tpu.sem_alloc : memref<!tpu.dma_semaphore, #tpu.memory_space<semaphore_mem>>
        %dma_start3A_128 = arith.constant 0 : i32
        %dma_start3A_129 = arith.constant 0 : i32
        %dma_start3A_130 = tpu.memref_slice %arg10[%dma_start3A_128, %dma_start3A_129] : memref<12800x128xf32, #tpu.memory_space<vmem_shared>> -> memref<12800x128xf32, #tpu.memory_space<vmem_shared>>
        tpu.enqueue_indirect_dma source(%arg9 : memref<128x128xf32, #tpu.memory_space<vmem>>) target(%dma_start3A_130 : memref<12800x128xf32, #tpu.memory_space<vmem_shared>>) offsets(%arg8 : memref<128xi32, #tpu.memory_space<vmem>>) semaphore(%run_scoped3A : memref<!tpu.dma_semaphore, #tpu.memory_space<semaphore_mem>>) {add = true}
        %dma_wait3A_131 = arith.constant 0 : i32
        %dma_wait3A_132 = arith.constant 0 : i32
        %dma_wait3A_133 = tpu.memref_slice %arg10[%dma_wait3A_131, %dma_wait3A_132] : memref<12800x128xf32, #tpu.memory_space<vmem_shared>> -> memref<12800x128xf32, #tpu.memory_space<vmem_shared>>
        tpu.wait_indirect_dma semaphore(%run_scoped3A : memref<!tpu.dma_semaphore, #tpu.memory_space<semaphore_mem>>) src(%arg9 : memref<128x128xf32, #tpu.memory_space<vmem>>) dst(%dma_wait3A_133 : memref<12800x128xf32, #tpu.memory_space<vmem_shared>>)
        tpu.yield
      }) : () -> ()
    }
    %scan3A_14 = arith.constant 79 : i32
    %barrier3A_15 = arith.constant 0 : index
    tpu.barrier barrier_id(%barrier3A_15)
    %mul3A_16 = arith.constant 800 : i32
    %mul3A_17 = arith.muli %arg1, %mul3A_16 : i32
    %mul3A_18 = arith.constant 12800 : i32
    %mul3A_19 = arith.muli %add3A_3, %mul3A_18 : i32
    %mul3A_20 = arith.constant 800 : i32
    %mul3A_21 = arith.muli %arg1, %mul3A_20 : i32
    %add3A_22 = arith.addi %mul3A_19, %mul3A_21 : i32
    "tpu.region"() ({
      %run_scoped3A = tpu.sem_alloc : memref<!tpu.dma_semaphore, #tpu.memory_space<semaphore_mem>>
      %dma_start3A = arith.constant 0 : i32
      %dma_start3A_50 = tpu.memref_slice %arg6[%add3A_22, %dma_start3A] : memref<51200x128xf32, #tpu.memory_space<hbm>> -> memref<800x128xf32, #tpu.memory_space<hbm>>
      %dma_start3A_51 = arith.constant 0 : i32
      %dma_start3A_52 = tpu.memref_slice %arg10[%mul3A_17, %dma_start3A_51] : memref<12800x128xf32, #tpu.memory_space<vmem_shared>> -> memref<800x128xf32, #tpu.memory_space<vmem_shared>>
      tpu.enqueue_dma source(%dma_start3A_52 : memref<800x128xf32, #tpu.memory_space<vmem_shared>>) target(%dma_start3A_50 : memref<800x128xf32, #tpu.memory_space<hbm>>) target_semaphore(%run_scoped3A : memref<!tpu.dma_semaphore, #tpu.memory_space<semaphore_mem>>)
      %dma_wait3A = arith.constant 0 : i32
      %dma_wait3A_53 = tpu.memref_slice %arg6[%add3A_22, %dma_wait3A] : memref<51200x128xf32, #tpu.memory_space<hbm>> -> memref<800x128xf32, #tpu.memory_space<hbm>>
      %dma_wait3A_54 = arith.constant 0 : i32
      %dma_wait3A_55 = tpu.memref_slice %arg10[%mul3A_17, %dma_wait3A_54] : memref<12800x128xf32, #tpu.memory_space<vmem_shared>> -> memref<800x128xf32, #tpu.memory_space<vmem_shared>>
      tpu.wait_dma2 semaphore(%run_scoped3A : memref<!tpu.dma_semaphore, #tpu.memory_space<semaphore_mem>>) src(%dma_wait3A_55 : memref<800x128xf32, #tpu.memory_space<vmem_shared>>) dst(%dma_wait3A_53 : memref<800x128xf32, #tpu.memory_space<hbm>>)
      tpu.yield
    }) : () -> ()
    %barrier3A_23 = arith.constant 0 : index
    tpu.barrier barrier_id(%barrier3A_23)
    %mul3A_24 = arith.constant 2 : i32
    %mul3A_25 = arith.muli %arg0, %mul3A_24 : i32
    %add3A_26 = arith.constant 1 : i32
    %add3A_27 = arith.addi %mul3A_25, %add3A_26 : i32
    %mul3A_28 = arith.constant 10000 : i32
    %mul3A_29 = arith.muli %add3A_27, %mul3A_28 : i32
    %mul3A_30 = arith.constant 800 : i32
    %mul3A_31 = arith.muli %arg1, %mul3A_30 : i32
    %mul3A_32 = arith.constant 800 : i32
    %mul3A_33 = arith.muli %arg1, %mul3A_32 : i32
    "tpu.region"() ({
      %run_scoped3A = tpu.sem_alloc : memref<!tpu.dma_semaphore, #tpu.memory_space<semaphore_mem>>
      %dma_start3A = arith.constant 0 : i32
      %dma_start3A_50 = tpu.memref_slice %arg10[%mul3A_33, %dma_start3A] : memref<12800x128xf32, #tpu.memory_space<vmem_shared>> -> memref<800x128xf32, #tpu.memory_space<vmem_shared>>
      %dma_start3A_51 = arith.constant 0 : i32
      %dma_start3A_52 = tpu.memref_slice %arg5[%mul3A_31, %dma_start3A_51] : memref<12800x128xf32, #tpu.memory_space<hbm>> -> memref<800x128xf32, #tpu.memory_space<hbm>>
      tpu.enqueue_dma source(%dma_start3A_52 : memref<800x128xf32, #tpu.memory_space<hbm>>) target(%dma_start3A_50 : memref<800x128xf32, #tpu.memory_space<vmem_shared>>) target_semaphore(%run_scoped3A : memref<!tpu.dma_semaphore, #tpu.memory_space<semaphore_mem>>)
      %dma_wait3A = arith.constant 0 : i32
      %dma_wait3A_53 = tpu.memref_slice %arg10[%mul3A_33, %dma_wait3A] : memref<12800x128xf32, #tpu.memory_space<vmem_shared>> -> memref<800x128xf32, #tpu.memory_space<vmem_shared>>
      %dma_wait3A_54 = arith.constant 0 : i32
      %dma_wait3A_55 = tpu.memref_slice %arg5[%mul3A_31, %dma_wait3A_54] : memref<12800x128xf32, #tpu.memory_space<hbm>> -> memref<800x128xf32, #tpu.memory_space<hbm>>
      tpu.wait_dma2 semaphore(%run_scoped3A : memref<!tpu.dma_semaphore, #tpu.memory_space<semaphore_mem>>) src(%dma_wait3A_55 : memref<800x128xf32, #tpu.memory_space<hbm>>) dst(%dma_wait3A_53 : memref<800x128xf32, #tpu.memory_space<vmem_shared>>)
      tpu.yield
    }) : () -> ()
    %barrier3A_34 = arith.constant 0 : index
    tpu.barrier barrier_id(%barrier3A_34)
    %scan3A_35 = arith.constant 0 : i32
    %scan3A_36 = arith.constant 0 : i32
    %scan3A_37 = arith.constant 79 : i32
    %scan3A_38 = arith.addi %scan3A_36, %scan3A_37 : i32
    %scan3A_39 = arith.constant 1 : i32
    scf.for %scan3A_50 = %scan3A_36 to %scan3A_38 step %scan3A_39  : i32 {
      %mul3A_51 = arith.constant 128 : i32
      %mul3A_52 = arith.muli %scan3A_50, %mul3A_51 : i32
      %add3A_53 = arith.addi %mul3A_0, %mul3A_52 : i32
      "tpu.region"() ({
        %run_scoped3A = tpu.sem_alloc : memref<!tpu.dma_semaphore, #tpu.memory_space<semaphore_mem>>
        %dma_start3A_128 = tpu.memref_slice %arg3[%add3A_53] : memref<161792xi32, #tpu.memory_space<hbm>> -> memref<128xi32, #tpu.memory_space<hbm>>
        %dma_start3A_129 = tpu.memref_slice %arg3[%add3A_53] : memref<161792xi32, #tpu.memory_space<hbm>> -> memref<128xi32, #tpu.memory_space<hbm>>
        tpu.enqueue_dma source(%dma_start3A_129 : memref<128xi32, #tpu.memory_space<hbm>>) target(%arg7 : memref<128xi32, #tpu.memory_space<vmem>>) target_semaphore(%run_scoped3A : memref<!tpu.dma_semaphore, #tpu.memory_space<semaphore_mem>>)
        %dma_wait3A_130 = tpu.memref_slice %arg3[%add3A_53] : memref<161792xi32, #tpu.memory_space<hbm>> -> memref<128xi32, #tpu.memory_space<hbm>>
        %dma_wait3A_131 = tpu.memref_slice %arg3[%add3A_53] : memref<161792xi32, #tpu.memory_space<hbm>> -> memref<128xi32, #tpu.memory_space<hbm>>
        tpu.wait_dma2 semaphore(%run_scoped3A : memref<!tpu.dma_semaphore, #tpu.memory_space<semaphore_mem>>) src(%dma_wait3A_131 : memref<128xi32, #tpu.memory_space<hbm>>) dst(%arg7 : memref<128xi32, #tpu.memory_space<vmem>>)
        tpu.yield
      }) : () -> ()
      "tpu.region"() ({
        %run_scoped3A = tpu.sem_alloc : memref<!tpu.dma_semaphore, #tpu.memory_space<semaphore_mem>>
        %dma_start3A_128 = tpu.memref_slice %arg4[%add3A_53] : memref<161792xi32, #tpu.memory_space<hbm>> -> memref<128xi32, #tpu.memory_space<hbm>>
        %dma_start3A_129 = tpu.memref_slice %arg4[%add3A_53] : memref<161792xi32, #tpu.memory_space<hbm>> -> memref<128xi32, #tpu.memory_space<hbm>>
        tpu.enqueue_dma source(%dma_start3A_129 : memref<128xi32, #tpu.memory_space<hbm>>) target(%arg8 : memref<128xi32, #tpu.memory_space<vmem>>) target_semaphore(%run_scoped3A : memref<!tpu.dma_semaphore, #tpu.memory_space<semaphore_mem>>)
        %dma_wait3A_130 = tpu.memref_slice %arg4[%add3A_53] : memref<161792xi32, #tpu.memory_space<hbm>> -> memref<128xi32, #tpu.memory_space<hbm>>
        %dma_wait3A_131 = tpu.memref_slice %arg4[%add3A_53] : memref<161792xi32, #tpu.memory_space<hbm>> -> memref<128xi32, #tpu.memory_space<hbm>>
        tpu.wait_dma2 semaphore(%run_scoped3A : memref<!tpu.dma_semaphore, #tpu.memory_space<semaphore_mem>>) src(%dma_wait3A_131 : memref<128xi32, #tpu.memory_space<hbm>>) dst(%arg8 : memref<128xi32, #tpu.memory_space<vmem>>)
        tpu.yield
      }) : () -> ()
      %get3A = arith.constant 0 : index
      %get3A_54 = tpu.vector_load %arg7[%get3A] {strides = array<i32>} : memref<128xi32, #tpu.memory_space<vmem>>, vector<16xi32>,
      %get3A_55 = vector.shape_cast %get3A_54 : vector<16xi32> to vector<16xi32>
      %add3A_56 = vector.broadcast %mul3A_29 : i32 to vector<16xi32>
      %add3A_57 = arith.addi %get3A_55, %add3A_56 : vector<16xi32>
      %swap3A = arith.constant 0 : index
      %swap3A_58 = tpu.vector_load %arg7[%swap3A] {strides = array<i32>} : memref<128xi32, #tpu.memory_space<vmem>>, vector<16xi32>,
      %swap3A_59 = vector.shape_cast %swap3A_58 : vector<16xi32> to vector<16xi32>
      %swap3A_60 = vector.shape_cast %add3A_57 : vector<16xi32> to vector<16xi32>
      tpu.vector_store %arg7[%swap3A], %swap3A_60 {strides = array<i32>} : memref<128xi32, #tpu.memory_space<vmem>>, vector<16xi32>,
      %get3A_61 = arith.constant 16 : index
      %get3A_62 = tpu.vector_load %arg7[%get3A_61] {strides = array<i32>} : memref<128xi32, #tpu.memory_space<vmem>>, vector<16xi32>,
      %get3A_63 = vector.shape_cast %get3A_62 : vector<16xi32> to vector<16xi32>
      %add3A_64 = vector.broadcast %mul3A_29 : i32 to vector<16xi32>
      %add3A_65 = arith.addi %get3A_63, %add3A_64 : vector<16xi32>
      %swap3A_66 = arith.constant 16 : index
      %swap3A_67 = tpu.vector_load %arg7[%swap3A_66] {strides = array<i32>} : memref<128xi32, #tpu.memory_space<vmem>>, vector<16xi32>,
      %swap3A_68 = vector.shape_cast %swap3A_67 : vector<16xi32> to vector<16xi32>
      %swap3A_69 = vector.shape_cast %add3A_65 : vector<16xi32> to vector<16xi32>
      tpu.vector_store %arg7[%swap3A_66], %swap3A_69 {strides = array<i32>} : memref<128xi32, #tpu.memory_space<vmem>>, vector<16xi32>,
      %get3A_70 = arith.constant 32 : index
      %get3A_71 = tpu.vector_load %arg7[%get3A_70] {strides = array<i32>} : memref<128xi32, #tpu.memory_space<vmem>>, vector<16xi32>,
      %get3A_72 = vector.shape_cast %get3A_71 : vector<16xi32> to vector<16xi32>
      %add3A_73 = vector.broadcast %mul3A_29 : i32 to vector<16xi32>
      %add3A_74 = arith.addi %get3A_72, %add3A_73 : vector<16xi32>
      %swap3A_75 = arith.constant 32 : index
      %swap3A_76 = tpu.vector_load %arg7[%swap3A_75] {strides = array<i32>} : memref<128xi32, #tpu.memory_space<vmem>>, vector<16xi32>,
      %swap3A_77 = vector.shape_cast %swap3A_76 : vector<16xi32> to vector<16xi32>
      %swap3A_78 = vector.shape_cast %add3A_74 : vector<16xi32> to vector<16xi32>
      tpu.vector_store %arg7[%swap3A_75], %swap3A_78 {strides = array<i32>} : memref<128xi32, #tpu.memory_space<vmem>>, vector<16xi32>,
      %get3A_79 = arith.constant 48 : index
      %get3A_80 = tpu.vector_load %arg7[%get3A_79] {strides = array<i32>} : memref<128xi32, #tpu.memory_space<vmem>>, vector<16xi32>,
      %get3A_81 = vector.shape_cast %get3A_80 : vector<16xi32> to vector<16xi32>
      %add3A_82 = vector.broadcast %mul3A_29 : i32 to vector<16xi32>
      %add3A_83 = arith.addi %get3A_81, %add3A_82 : vector<16xi32>
      %swap3A_84 = arith.constant 48 : index
      %swap3A_85 = tpu.vector_load %arg7[%swap3A_84] {strides = array<i32>} : memref<128xi32, #tpu.memory_space<vmem>>, vector<16xi32>,
      %swap3A_86 = vector.shape_cast %swap3A_85 : vector<16xi32> to vector<16xi32>
      %swap3A_87 = vector.shape_cast %add3A_83 : vector<16xi32> to vector<16xi32>
      tpu.vector_store %arg7[%swap3A_84], %swap3A_87 {strides = array<i32>} : memref<128xi32, #tpu.memory_space<vmem>>, vector<16xi32>,
      %get3A_88 = arith.constant 64 : index
      %get3A_89 = tpu.vector_load %arg7[%get3A_88] {strides = array<i32>} : memref<128xi32, #tpu.memory_space<vmem>>, vector<16xi32>,
      %get3A_90 = vector.shape_cast %get3A_89 : vector<16xi32> to vector<16xi32>
      %add3A_91 = vector.broadcast %mul3A_29 : i32 to vector<16xi32>
      %add3A_92 = arith.addi %get3A_90, %add3A_91 : vector<16xi32>
      %swap3A_93 = arith.constant 64 : index
      %swap3A_94 = tpu.vector_load %arg7[%swap3A_93] {strides = array<i32>} : memref<128xi32, #tpu.memory_space<vmem>>, vector<16xi32>,
      %swap3A_95 = vector.shape_cast %swap3A_94 : vector<16xi32> to vector<16xi32>
      %swap3A_96 = vector.shape_cast %add3A_92 : vector<16xi32> to vector<16xi32>
      tpu.vector_store %arg7[%swap3A_93], %swap3A_96 {strides = array<i32>} : memref<128xi32, #tpu.memory_space<vmem>>, vector<16xi32>,
      %get3A_97 = arith.constant 80 : index
      %get3A_98 = tpu.vector_load %arg7[%get3A_97] {strides = array<i32>} : memref<128xi32, #tpu.memory_space<vmem>>, vector<16xi32>,
      %get3A_99 = vector.shape_cast %get3A_98 : vector<16xi32> to vector<16xi32>
      %add3A_100 = vector.broadcast %mul3A_29 : i32 to vector<16xi32>
      %add3A_101 = arith.addi %get3A_99, %add3A_100 : vector<16xi32>
      %swap3A_102 = arith.constant 80 : index
      %swap3A_103 = tpu.vector_load %arg7[%swap3A_102] {strides = array<i32>} : memref<128xi32, #tpu.memory_space<vmem>>, vector<16xi32>,
      %swap3A_104 = vector.shape_cast %swap3A_103 : vector<16xi32> to vector<16xi32>
      %swap3A_105 = vector.shape_cast %add3A_101 : vector<16xi32> to vector<16xi32>
      tpu.vector_store %arg7[%swap3A_102], %swap3A_105 {strides = array<i32>} : memref<128xi32, #tpu.memory_space<vmem>>, vector<16xi32>,
      %get3A_106 = arith.constant 96 : index
      %get3A_107 = tpu.vector_load %arg7[%get3A_106] {strides = array<i32>} : memref<128xi32, #tpu.memory_space<vmem>>, vector<16xi32>,
      %get3A_108 = vector.shape_cast %get3A_107 : vector<16xi32> to vector<16xi32>
      %add3A_109 = vector.broadcast %mul3A_29 : i32 to vector<16xi32>
      %add3A_110 = arith.addi %get3A_108, %add3A_109 : vector<16xi32>
      %swap3A_111 = arith.constant 96 : index
      %swap3A_112 = tpu.vector_load %arg7[%swap3A_111] {strides = array<i32>} : memref<128xi32, #tpu.memory_space<vmem>>, vector<16xi32>,
      %swap3A_113 = vector.shape_cast %swap3A_112 : vector<16xi32> to vector<16xi32>
      %swap3A_114 = vector.shape_cast %add3A_110 : vector<16xi32> to vector<16xi32>
      tpu.vector_store %arg7[%swap3A_111], %swap3A_114 {strides = array<i32>} : memref<128xi32, #tpu.memory_space<vmem>>, vector<16xi32>,
      %get3A_115 = arith.constant 112 : index
      %get3A_116 = tpu.vector_load %arg7[%get3A_115] {strides = array<i32>} : memref<128xi32, #tpu.memory_space<vmem>>, vector<16xi32>,
      %get3A_117 = vector.shape_cast %get3A_116 : vector<16xi32> to vector<16xi32>
      %add3A_118 = vector.broadcast %mul3A_29 : i32 to vector<16xi32>
      %add3A_119 = arith.addi %get3A_117, %add3A_118 : vector<16xi32>
      %swap3A_120 = arith.constant 112 : index
      %swap3A_121 = tpu.vector_load %arg7[%swap3A_120] {strides = array<i32>} : memref<128xi32, #tpu.memory_space<vmem>>, vector<16xi32>,
      %swap3A_122 = vector.shape_cast %swap3A_121 : vector<16xi32> to vector<16xi32>
      %swap3A_123 = vector.shape_cast %add3A_119 : vector<16xi32> to vector<16xi32>
      tpu.vector_store %arg7[%swap3A_120], %swap3A_123 {strides = array<i32>} : memref<128xi32, #tpu.memory_space<vmem>>, vector<16xi32>,
      %dma_start3A = arith.constant 0 : i32
      %dma_start3A_124 = arith.constant 0 : i32
      %dma_start3A_125 = tpu.memref_slice %arg2[%dma_start3A, %dma_start3A_124] : memref<40000x128xf32, #tpu.memory_space<hbm>> -> memref<40000x128xf32, #tpu.memory_space<hbm>>
      tpu.enqueue_indirect_dma source(%dma_start3A_125 : memref<40000x128xf32, #tpu.memory_space<hbm>>) target(%arg9 : memref<128x128xf32, #tpu.memory_space<vmem>>) offsets(%arg7 : memref<128xi32, #tpu.memory_space<vmem>>) semaphore(%arg11 : memref<!tpu.dma_semaphore, #tpu.memory_space<semaphore_mem>>)
      %dma_wait3A = arith.constant 0 : i32
      %dma_wait3A_126 = arith.constant 0 : i32
      %dma_wait3A_127 = tpu.memref_slice %arg2[%dma_wait3A, %dma_wait3A_126] : memref<40000x128xf32, #tpu.memory_space<hbm>> -> memref<40000x128xf32, #tpu.memory_space<hbm>>
      tpu.wait_indirect_dma semaphore(%arg11 : memref<!tpu.dma_semaphore, #tpu.memory_space<semaphore_mem>>) src(%dma_wait3A_127 : memref<40000x128xf32, #tpu.memory_space<hbm>>) dst(%arg9 : memref<128x128xf32, #tpu.memory_space<vmem>>)
      "tpu.region"() ({
        %run_scoped3A = tpu.sem_alloc : memref<!tpu.dma_semaphore, #tpu.memory_space<semaphore_mem>>
        %dma_start3A_128 = arith.constant 0 : i32
        %dma_start3A_129 = arith.constant 0 : i32
        %dma_start3A_130 = tpu.memref_slice %arg10[%dma_start3A_128, %dma_start3A_129] : memref<12800x128xf32, #tpu.memory_space<vmem_shared>> -> memref<12800x128xf32, #tpu.memory_space<vmem_shared>>
        tpu.enqueue_indirect_dma source(%arg9 : memref<128x128xf32, #tpu.memory_space<vmem>>) target(%dma_start3A_130 : memref<12800x128xf32, #tpu.memory_space<vmem_shared>>) offsets(%arg8 : memref<128xi32, #tpu.memory_space<vmem>>) semaphore(%run_scoped3A : memref<!tpu.dma_semaphore, #tpu.memory_space<semaphore_mem>>) {add = true}
        %dma_wait3A_131 = arith.constant 0 : i32
        %dma_wait3A_132 = arith.constant 0 : i32
        %dma_wait3A_133 = tpu.memref_slice %arg10[%dma_wait3A_131, %dma_wait3A_132] : memref<12800x128xf32, #tpu.memory_space<vmem_shared>> -> memref<12800x128xf32, #tpu.memory_space<vmem_shared>>
        tpu.wait_indirect_dma semaphore(%run_scoped3A : memref<!tpu.dma_semaphore, #tpu.memory_space<semaphore_mem>>) src(%arg9 : memref<128x128xf32, #tpu.memory_space<vmem>>) dst(%dma_wait3A_133 : memref<12800x128xf32, #tpu.memory_space<vmem_shared>>)
        tpu.yield
      }) : () -> ()
    }
    %scan3A_40 = arith.constant 79 : i32
    %barrier3A_41 = arith.constant 0 : index
    tpu.barrier barrier_id(%barrier3A_41)
    %mul3A_42 = arith.constant 800 : i32
    %mul3A_43 = arith.muli %arg1, %mul3A_42 : i32
    %mul3A_44 = arith.constant 12800 : i32
    %mul3A_45 = arith.muli %add3A_27, %mul3A_44 : i32
    %mul3A_46 = arith.constant 800 : i32
    %mul3A_47 = arith.muli %arg1, %mul3A_46 : i32
    %add3A_48 = arith.addi %mul3A_45, %mul3A_47 : i32
    "tpu.region"() ({
      %run_scoped3A = tpu.sem_alloc : memref<!tpu.dma_semaphore, #tpu.memory_space<semaphore_mem>>
      %dma_start3A = arith.constant 0 : i32
      %dma_start3A_50 = tpu.memref_slice %arg6[%add3A_48, %dma_start3A] : memref<51200x128xf32, #tpu.memory_space<hbm>> -> memref<800x128xf32, #tpu.memory_space<hbm>>
      %dma_start3A_51 = arith.constant 0 : i32
      %dma_start3A_52 = tpu.memref_slice %arg10[%mul3A_43, %dma_start3A_51] : memref<12800x128xf32, #tpu.memory_space<vmem_shared>> -> memref<800x128xf32, #tpu.memory_space<vmem_shared>>
      tpu.enqueue_dma source(%dma_start3A_52 : memref<800x128xf32, #tpu.memory_space<vmem_shared>>) target(%dma_start3A_50 : memref<800x128xf32, #tpu.memory_space<hbm>>) target_semaphore(%run_scoped3A : memref<!tpu.dma_semaphore, #tpu.memory_space<semaphore_mem>>)
      %dma_wait3A = arith.constant 0 : i32
      %dma_wait3A_53 = tpu.memref_slice %arg6[%add3A_48, %dma_wait3A] : memref<51200x128xf32, #tpu.memory_space<hbm>> -> memref<800x128xf32, #tpu.memory_space<hbm>>
      %dma_wait3A_54 = arith.constant 0 : i32
      %dma_wait3A_55 = tpu.memref_slice %arg10[%mul3A_43, %dma_wait3A_54] : memref<12800x128xf32, #tpu.memory_space<vmem_shared>> -> memref<800x128xf32, #tpu.memory_space<vmem_shared>>
      tpu.wait_dma2 semaphore(%run_scoped3A : memref<!tpu.dma_semaphore, #tpu.memory_space<semaphore_mem>>) src(%dma_wait3A_55 : memref<800x128xf32, #tpu.memory_space<vmem_shared>>) dst(%dma_wait3A_53 : memref<800x128xf32, #tpu.memory_space<hbm>>)
      tpu.yield
    }) : () -> ()
    %barrier3A_49 = arith.constant 0 : index
    tpu.barrier barrier_id(%barrier3A_49)
    return
  }
}

module attributes {stable_mosaic.version = 14 : i64} {
  func.func @body(%arg0: i32, %arg1: i32, %arg2: memref<400x128xf32, #tpu.memory_space<vmem>>, %arg3: memref<1x400x128xf32, #tpu.memory_space<vmem>>) attributes {dimension_semantics = [#tpu.dimension_semantics<arbitrary>, #tpu.dimension_semantics<arbitrary>], iteration_bounds = array<i64: 25, 2>, scalar_prefetch = 0 : i64, scratch_operands = 0 : i64, tpu.core_type = #tpu.core_type<tc>, window_params = [{transform_indices = @transform_0, window_bounds = array<i64: 400, 128>}, {transform_indices = @transform_1, window_bounds = array<i64: 1, 400, 128>}]} {
    %get3A = arith.constant 0 : index
    %get3A_0 = arith.constant 0 : index
    %get3A_1 = vector.load %arg2[%get3A, %get3A_0] : memref<400x128xf32, #tpu.memory_space<vmem>>, vector<400x128xf32>
    %swap3A = arith.constant 0 : index
    %swap3A_2 = arith.constant 0 : index
    %swap3A_3 = arith.constant 0 : index
    %swap3A_4 = vector.load %arg3[%swap3A, %swap3A_2, %swap3A_3] : memref<1x400x128xf32, #tpu.memory_space<vmem>>, vector<1x400x128xf32>
    %swap3A_5 = vector.shape_cast %swap3A_4 : vector<1x400x128xf32> to vector<400x128xf32>
    %swap3A_6 = vector.shape_cast %get3A_1 : vector<400x128xf32> to vector<1x400x128xf32>
    tpu.vector_store %arg3[%swap3A, %swap3A_2, %swap3A_3], %swap3A_6 {strides = array<i32>} : memref<1x400x128xf32, #tpu.memory_space<vmem>>, vector<1x400x128xf32>,
    return
  }
  func.func @transform_0(%arg0: i32, %arg1: i32) -> (i32, i32) {
    %c0_i32 = arith.constant 0 : i32
    return %arg0, %arg1 : i32, i32
  }
  func.func @transform_1(%arg0: i32, %arg1: i32) -> (i32, i32, i32) {
    %c0_i32 = arith.constant 0 : i32
    %c0_i32_0 = arith.constant 0 : i32
    return %arg1, %arg0, %c0_i32 : i32, i32, i32
  }
}

module attributes {stable_mosaic.version = 14 : i64} {
  func.func @body(%arg0: i32, %arg1: memref<2x400x128xf32, #tpu.memory_space<vmem>>, %arg2: memref<2x400x128xf32, #tpu.memory_space<vmem>>, %arg3: memref<2x128x512xf32, #tpu.memory_space<vmem>>, %arg4: memref<4x128xf32, #tpu.memory_space<vmem>>, %arg5: memref<4x400x128xf32, #tpu.memory_space<vmem>>) attributes {dimension_semantics = [#tpu.dimension_semantics<arbitrary>], iteration_bounds = array<i64: 25>, scalar_prefetch = 0 : i64, scratch_operands = 0 : i64, tpu.core_type = #tpu.core_type<tc>, window_params = [{transform_indices = @transform_0, window_bounds = array<i64: 2, 400, 128>}, {transform_indices = @transform_1, window_bounds = array<i64: 2, 400, 128>}, {pipeline_mode = #tpu.pipeline_mode<synchronous>, transform_indices = @transform_2, window_bounds = array<i64: 2, 128, 512>}, {pipeline_mode = #tpu.pipeline_mode<synchronous>, transform_indices = @transform_3, window_bounds = array<i64: 4, 128>}, {transform_indices = @transform_4, window_bounds = array<i64: 4, 400, 128>}]} {
    %get3A = arith.constant 0 : index
    %get3A_0 = arith.constant 0 : index
    %get3A_1 = arith.constant 0 : index
    %get3A_2 = vector.load %arg1[%get3A, %get3A_0, %get3A_1] : memref<2x400x128xf32, #tpu.memory_space<vmem>>, vector<1x400x128xf32>
    %get3A_3 = vector.shape_cast %get3A_2 : vector<1x400x128xf32> to vector<400x128xf32>
    %get3A_4 = arith.constant 0 : index
    %get3A_5 = arith.constant 0 : index
    %get3A_6 = arith.constant 0 : index
    %get3A_7 = vector.load %arg2[%get3A_4, %get3A_5, %get3A_6] : memref<2x400x128xf32, #tpu.memory_space<vmem>>, vector<1x400x128xf32>
    %get3A_8 = vector.shape_cast %get3A_7 : vector<1x400x128xf32> to vector<400x128xf32>
    %add3A = arith.addf %get3A_3, %get3A_8 : vector<400x128xf32>
    %get3A_9 = arith.constant 1 : index
    %get3A_10 = arith.constant 0 : index
    %get3A_11 = arith.constant 0 : index
    %get3A_12 = vector.load %arg1[%get3A_9, %get3A_10, %get3A_11] : memref<2x400x128xf32, #tpu.memory_space<vmem>>, vector<1x400x128xf32>
    %get3A_13 = vector.shape_cast %get3A_12 : vector<1x400x128xf32> to vector<400x128xf32>
    %get3A_14 = arith.constant 1 : index
    %get3A_15 = arith.constant 0 : index
    %get3A_16 = arith.constant 0 : index
    %get3A_17 = vector.load %arg2[%get3A_14, %get3A_15, %get3A_16] : memref<2x400x128xf32, #tpu.memory_space<vmem>>, vector<1x400x128xf32>
    %get3A_18 = vector.shape_cast %get3A_17 : vector<1x400x128xf32> to vector<400x128xf32>
    %add3A_19 = arith.addf %get3A_13, %get3A_18 : vector<400x128xf32>
    %concatenate3A = tpu.concatenate %add3A, %add3A_19 in 1 : vector<400x128xf32>, vector<400x128xf32> -> vector<400x256xf32>
    %get3A_20 = arith.constant 0 : index
    %get3A_21 = arith.constant 0 : index
    %get3A_22 = arith.constant 0 : index
    %get3A_23 = vector.load %arg3[%get3A_20, %get3A_21, %get3A_22] : memref<2x128x512xf32, #tpu.memory_space<vmem>>, vector<2x128x512xf32>
    %reshape3A = vector.shape_cast %get3A_23 : vector<2x128x512xf32> to vector<256x512xf32>
    %dot_general3A = arith.constant dense<0.000000e+00> : vector<400x512xf32>
    %dot_general3A_24 = tpu.matmul %concatenate3A, %reshape3A, %dot_general3A {dimension_numbers = #tpu.dot_dimension_numbers<[1], [0], [0], [1], [0, 0, 1, 1], [], []>, transpose_lhs_hint = false} : vector<400x256xf32>, vector<256x512xf32>, vector<400x512xf32> -> vector<400x512xf32>
    %slice3A = vector.extract_strided_slice %dot_general3A_24 {offsets = [0, 0], sizes = [400, 128], strides = [1, 1]} : vector<400x512xf32> to vector<400x128xf32>
    %get3A_25 = arith.constant 0 : index
    %get3A_26 = arith.constant 0 : index
    %get3A_27 = vector.load %arg4[%get3A_25, %get3A_26] : memref<4x128xf32, #tpu.memory_space<vmem>>, vector<1x128xf32>
    %get3A_28 = vector.shape_cast %get3A_27 : vector<1x128xf32> to vector<128xf32>
    %broadcast_in_dim3A = vector.shape_cast %get3A_28 : vector<128xf32> to vector<1x128xf32>
    %add3A_29 = vector.broadcast %broadcast_in_dim3A : vector<1x128xf32> to vector<400x128xf32>
    %add3A_30 = arith.addf %slice3A, %add3A_29 : vector<400x128xf32>
    %max3A = arith.constant 0.000000e+00 : f32
    %max3A_31 = vector.broadcast %max3A : f32 to vector<400x128xf32>
    %max3A_32 = arith.maximumf %add3A_30, %max3A_31 : vector<400x128xf32>
    %swap3A = arith.constant 0 : index
    %swap3A_33 = arith.constant 0 : index
    %swap3A_34 = arith.constant 0 : index
    %swap3A_35 = vector.load %arg5[%swap3A, %swap3A_33, %swap3A_34] : memref<4x400x128xf32, #tpu.memory_space<vmem>>, vector<1x400x128xf32>
    %swap3A_36 = vector.shape_cast %swap3A_35 : vector<1x400x128xf32> to vector<400x128xf32>
    %swap3A_37 = vector.shape_cast %max3A_32 : vector<400x128xf32> to vector<1x400x128xf32>
    tpu.vector_store %arg5[%swap3A, %swap3A_33, %swap3A_34], %swap3A_37 {strides = array<i32>} : memref<4x400x128xf32, #tpu.memory_space<vmem>>, vector<1x400x128xf32>,
    %slice3A_38 = vector.extract_strided_slice %dot_general3A_24 {offsets = [0, 128], sizes = [400, 128], strides = [1, 1]} : vector<400x512xf32> to vector<400x128xf32>
    %get3A_39 = arith.constant 1 : index
    %get3A_40 = arith.constant 0 : index
    %get3A_41 = vector.load %arg4[%get3A_39, %get3A_40] : memref<4x128xf32, #tpu.memory_space<vmem>>, vector<1x128xf32>
    %get3A_42 = vector.shape_cast %get3A_41 : vector<1x128xf32> to vector<128xf32>
    %broadcast_in_dim3A_43 = vector.shape_cast %get3A_42 : vector<128xf32> to vector<1x128xf32>
    %add3A_44 = vector.broadcast %broadcast_in_dim3A_43 : vector<1x128xf32> to vector<400x128xf32>
    %add3A_45 = arith.addf %slice3A_38, %add3A_44 : vector<400x128xf32>
    %max3A_46 = arith.constant 0.000000e+00 : f32
    %max3A_47 = vector.broadcast %max3A_46 : f32 to vector<400x128xf32>
    %max3A_48 = arith.maximumf %add3A_45, %max3A_47 : vector<400x128xf32>
    %swap3A_49 = arith.constant 1 : index
    %swap3A_50 = arith.constant 0 : index
    %swap3A_51 = arith.constant 0 : index
    %swap3A_52 = vector.load %arg5[%swap3A_49, %swap3A_50, %swap3A_51] : memref<4x400x128xf32, #tpu.memory_space<vmem>>, vector<1x400x128xf32>
    %swap3A_53 = vector.shape_cast %swap3A_52 : vector<1x400x128xf32> to vector<400x128xf32>
    %swap3A_54 = vector.shape_cast %max3A_48 : vector<400x128xf32> to vector<1x400x128xf32>
    tpu.vector_store %arg5[%swap3A_49, %swap3A_50, %swap3A_51], %swap3A_54 {strides = array<i32>} : memref<4x400x128xf32, #tpu.memory_space<vmem>>, vector<1x400x128xf32>,
    %slice3A_55 = vector.extract_strided_slice %dot_general3A_24 {offsets = [0, 256], sizes = [400, 128], strides = [1, 1]} : vector<400x512xf32> to vector<400x128xf32>
    %get3A_56 = arith.constant 2 : index
    %get3A_57 = arith.constant 0 : index
    %get3A_58 = vector.load %arg4[%get3A_56, %get3A_57] : memref<4x128xf32, #tpu.memory_space<vmem>>, vector<1x128xf32>
    %get3A_59 = vector.shape_cast %get3A_58 : vector<1x128xf32> to vector<128xf32>
    %broadcast_in_dim3A_60 = vector.shape_cast %get3A_59 : vector<128xf32> to vector<1x128xf32>
    %add3A_61 = vector.broadcast %broadcast_in_dim3A_60 : vector<1x128xf32> to vector<400x128xf32>
    %add3A_62 = arith.addf %slice3A_55, %add3A_61 : vector<400x128xf32>
    %max3A_63 = arith.constant 0.000000e+00 : f32
    %max3A_64 = vector.broadcast %max3A_63 : f32 to vector<400x128xf32>
    %max3A_65 = arith.maximumf %add3A_62, %max3A_64 : vector<400x128xf32>
    %swap3A_66 = arith.constant 2 : index
    %swap3A_67 = arith.constant 0 : index
    %swap3A_68 = arith.constant 0 : index
    %swap3A_69 = vector.load %arg5[%swap3A_66, %swap3A_67, %swap3A_68] : memref<4x400x128xf32, #tpu.memory_space<vmem>>, vector<1x400x128xf32>
    %swap3A_70 = vector.shape_cast %swap3A_69 : vector<1x400x128xf32> to vector<400x128xf32>
    %swap3A_71 = vector.shape_cast %max3A_65 : vector<400x128xf32> to vector<1x400x128xf32>
    tpu.vector_store %arg5[%swap3A_66, %swap3A_67, %swap3A_68], %swap3A_71 {strides = array<i32>} : memref<4x400x128xf32, #tpu.memory_space<vmem>>, vector<1x400x128xf32>,
    %slice3A_72 = vector.extract_strided_slice %dot_general3A_24 {offsets = [0, 384], sizes = [400, 128], strides = [1, 1]} : vector<400x512xf32> to vector<400x128xf32>
    %get3A_73 = arith.constant 3 : index
    %get3A_74 = arith.constant 0 : index
    %get3A_75 = vector.load %arg4[%get3A_73, %get3A_74] : memref<4x128xf32, #tpu.memory_space<vmem>>, vector<1x128xf32>
    %get3A_76 = vector.shape_cast %get3A_75 : vector<1x128xf32> to vector<128xf32>
    %broadcast_in_dim3A_77 = vector.shape_cast %get3A_76 : vector<128xf32> to vector<1x128xf32>
    %add3A_78 = vector.broadcast %broadcast_in_dim3A_77 : vector<1x128xf32> to vector<400x128xf32>
    %add3A_79 = arith.addf %slice3A_72, %add3A_78 : vector<400x128xf32>
    %max3A_80 = arith.constant 0.000000e+00 : f32
    %max3A_81 = vector.broadcast %max3A_80 : f32 to vector<400x128xf32>
    %max3A_82 = arith.maximumf %add3A_79, %max3A_81 : vector<400x128xf32>
    %swap3A_83 = arith.constant 3 : index
    %swap3A_84 = arith.constant 0 : index
    %swap3A_85 = arith.constant 0 : index
    %swap3A_86 = vector.load %arg5[%swap3A_83, %swap3A_84, %swap3A_85] : memref<4x400x128xf32, #tpu.memory_space<vmem>>, vector<1x400x128xf32>
    %swap3A_87 = vector.shape_cast %swap3A_86 : vector<1x400x128xf32> to vector<400x128xf32>
    %swap3A_88 = vector.shape_cast %max3A_82 : vector<400x128xf32> to vector<1x400x128xf32>
    tpu.vector_store %arg5[%swap3A_83, %swap3A_84, %swap3A_85], %swap3A_88 {strides = array<i32>} : memref<4x400x128xf32, #tpu.memory_space<vmem>>, vector<1x400x128xf32>,
    return
  }
  func.func @transform_0(%arg0: i32) -> (i32, i32, i32) {
    %c0_i32 = arith.constant 0 : i32
    %c0_i32_0 = arith.constant 0 : i32
    %c0_i32_1 = arith.constant 0 : i32
    return %c0_i32, %arg0, %c0_i32_0 : i32, i32, i32
  }
  func.func @transform_1(%arg0: i32) -> (i32, i32, i32) {
    %c0_i32 = arith.constant 0 : i32
    %c0_i32_0 = arith.constant 0 : i32
    %c0_i32_1 = arith.constant 0 : i32
    return %c0_i32, %arg0, %c0_i32_0 : i32, i32, i32
  }
  func.func @transform_2(%arg0: i32) -> (i32, i32, i32) {
    %c0_i32 = arith.constant 0 : i32
    %c0_i32_0 = arith.constant 0 : i32
    %c0_i32_1 = arith.constant 0 : i32
    %c0_i32_2 = arith.constant 0 : i32
    return %c0_i32, %c0_i32_0, %c0_i32_1 : i32, i32, i32
  }
  func.func @transform_3(%arg0: i32) -> (i32, i32) {
    %c0_i32 = arith.constant 0 : i32
    %c0_i32_0 = arith.constant 0 : i32
    %c0_i32_1 = arith.constant 0 : i32
    return %c0_i32, %c0_i32_0 : i32, i32
  }
  func.func @transform_4(%arg0: i32) -> (i32, i32, i32) {
    %c0_i32 = arith.constant 0 : i32
    %c0_i32_0 = arith.constant 0 : i32
    %c0_i32_1 = arith.constant 0 : i32
    return %c0_i32, %arg0, %c0_i32_0 : i32, i32, i32
  }
}

module attributes {stable_mosaic.version = 14 : i64} {
  func.func @body(%arg0: i32, %arg1: memref<4x400x128xf32, #tpu.memory_space<vmem>>, %arg2: memref<4x400x128xf32, #tpu.memory_space<vmem>>, %arg3: memref<4x128x512xf32, #tpu.memory_space<vmem>>, %arg4: memref<4x128xf32, #tpu.memory_space<vmem>>, %arg5: memref<4x400x128xf32, #tpu.memory_space<vmem>>) attributes {dimension_semantics = [#tpu.dimension_semantics<arbitrary>], iteration_bounds = array<i64: 25>, scalar_prefetch = 0 : i64, scratch_operands = 0 : i64, tpu.core_type = #tpu.core_type<tc>, window_params = [{transform_indices = @transform_0, window_bounds = array<i64: 4, 400, 128>}, {transform_indices = @transform_1, window_bounds = array<i64: 4, 400, 128>}, {pipeline_mode = #tpu.pipeline_mode<synchronous>, transform_indices = @transform_2, window_bounds = array<i64: 4, 128, 512>}, {pipeline_mode = #tpu.pipeline_mode<synchronous>, transform_indices = @transform_3, window_bounds = array<i64: 4, 128>}, {transform_indices = @transform_4, window_bounds = array<i64: 4, 400, 128>}]} {
    %get3A = arith.constant 0 : index
    %get3A_0 = arith.constant 0 : index
    %get3A_1 = arith.constant 0 : index
    %get3A_2 = vector.load %arg1[%get3A, %get3A_0, %get3A_1] : memref<4x400x128xf32, #tpu.memory_space<vmem>>, vector<1x400x128xf32>
    %get3A_3 = vector.shape_cast %get3A_2 : vector<1x400x128xf32> to vector<400x128xf32>
    %get3A_4 = arith.constant 0 : index
    %get3A_5 = arith.constant 0 : index
    %get3A_6 = arith.constant 0 : index
    %get3A_7 = vector.load %arg2[%get3A_4, %get3A_5, %get3A_6] : memref<4x400x128xf32, #tpu.memory_space<vmem>>, vector<1x400x128xf32>
    %get3A_8 = vector.shape_cast %get3A_7 : vector<1x400x128xf32> to vector<400x128xf32>
    %add3A = arith.addf %get3A_3, %get3A_8 : vector<400x128xf32>
    %get3A_9 = arith.constant 1 : index
    %get3A_10 = arith.constant 0 : index
    %get3A_11 = arith.constant 0 : index
    %get3A_12 = vector.load %arg1[%get3A_9, %get3A_10, %get3A_11] : memref<4x400x128xf32, #tpu.memory_space<vmem>>, vector<1x400x128xf32>
    %get3A_13 = vector.shape_cast %get3A_12 : vector<1x400x128xf32> to vector<400x128xf32>
    %get3A_14 = arith.constant 1 : index
    %get3A_15 = arith.constant 0 : index
    %get3A_16 = arith.constant 0 : index
    %get3A_17 = vector.load %arg2[%get3A_14, %get3A_15, %get3A_16] : memref<4x400x128xf32, #tpu.memory_space<vmem>>, vector<1x400x128xf32>
    %get3A_18 = vector.shape_cast %get3A_17 : vector<1x400x128xf32> to vector<400x128xf32>
    %add3A_19 = arith.addf %get3A_13, %get3A_18 : vector<400x128xf32>
    %get3A_20 = arith.constant 2 : index
    %get3A_21 = arith.constant 0 : index
    %get3A_22 = arith.constant 0 : index
    %get3A_23 = vector.load %arg1[%get3A_20, %get3A_21, %get3A_22] : memref<4x400x128xf32, #tpu.memory_space<vmem>>, vector<1x400x128xf32>
    %get3A_24 = vector.shape_cast %get3A_23 : vector<1x400x128xf32> to vector<400x128xf32>
    %get3A_25 = arith.constant 2 : index
    %get3A_26 = arith.constant 0 : index
    %get3A_27 = arith.constant 0 : index
    %get3A_28 = vector.load %arg2[%get3A_25, %get3A_26, %get3A_27] : memref<4x400x128xf32, #tpu.memory_space<vmem>>, vector<1x400x128xf32>
    %get3A_29 = vector.shape_cast %get3A_28 : vector<1x400x128xf32> to vector<400x128xf32>
    %add3A_30 = arith.addf %get3A_24, %get3A_29 : vector<400x128xf32>
    %get3A_31 = arith.constant 3 : index
    %get3A_32 = arith.constant 0 : index
    %get3A_33 = arith.constant 0 : index
    %get3A_34 = vector.load %arg1[%get3A_31, %get3A_32, %get3A_33] : memref<4x400x128xf32, #tpu.memory_space<vmem>>, vector<1x400x128xf32>
    %get3A_35 = vector.shape_cast %get3A_34 : vector<1x400x128xf32> to vector<400x128xf32>
    %get3A_36 = arith.constant 3 : index
    %get3A_37 = arith.constant 0 : index
    %get3A_38 = arith.constant 0 : index
    %get3A_39 = vector.load %arg2[%get3A_36, %get3A_37, %get3A_38] : memref<4x400x128xf32, #tpu.memory_space<vmem>>, vector<1x400x128xf32>
    %get3A_40 = vector.shape_cast %get3A_39 : vector<1x400x128xf32> to vector<400x128xf32>
    %add3A_41 = arith.addf %get3A_35, %get3A_40 : vector<400x128xf32>
    %concatenate3A = tpu.concatenate %add3A, %add3A_19, %add3A_30, %add3A_41 in 1 : vector<400x128xf32>, vector<400x128xf32>, vector<400x128xf32>, vector<400x128xf32> -> vector<400x512xf32>
    %get3A_42 = arith.constant 0 : index
    %get3A_43 = arith.constant 0 : index
    %get3A_44 = arith.constant 0 : index
    %get3A_45 = vector.load %arg3[%get3A_42, %get3A_43, %get3A_44] : memref<4x128x512xf32, #tpu.memory_space<vmem>>, vector<4x128x512xf32>
    %reshape3A = vector.shape_cast %get3A_45 : vector<4x128x512xf32> to vector<512x512xf32>
    %dot_general3A = arith.constant dense<0.000000e+00> : vector<400x512xf32>
    %dot_general3A_46 = tpu.matmul %concatenate3A, %reshape3A, %dot_general3A {dimension_numbers = #tpu.dot_dimension_numbers<[1], [0], [0], [1], [0, 0, 1, 1], [], []>, transpose_lhs_hint = false} : vector<400x512xf32>, vector<512x512xf32>, vector<400x512xf32> -> vector<400x512xf32>
    %slice3A = vector.extract_strided_slice %dot_general3A_46 {offsets = [0, 0], sizes = [400, 128], strides = [1, 1]} : vector<400x512xf32> to vector<400x128xf32>
    %get3A_47 = arith.constant 0 : index
    %get3A_48 = arith.constant 0 : index
    %get3A_49 = vector.load %arg4[%get3A_47, %get3A_48] : memref<4x128xf32, #tpu.memory_space<vmem>>, vector<1x128xf32>
    %get3A_50 = vector.shape_cast %get3A_49 : vector<1x128xf32> to vector<128xf32>
    %broadcast_in_dim3A = vector.shape_cast %get3A_50 : vector<128xf32> to vector<1x128xf32>
    %add3A_51 = vector.broadcast %broadcast_in_dim3A : vector<1x128xf32> to vector<400x128xf32>
    %add3A_52 = arith.addf %slice3A, %add3A_51 : vector<400x128xf32>
    %max3A = arith.constant 0.000000e+00 : f32
    %max3A_53 = vector.broadcast %max3A : f32 to vector<400x128xf32>
    %max3A_54 = arith.maximumf %add3A_52, %max3A_53 : vector<400x128xf32>
    %swap3A = arith.constant 0 : index
    %swap3A_55 = arith.constant 0 : index
    %swap3A_56 = arith.constant 0 : index
    %swap3A_57 = vector.load %arg5[%swap3A, %swap3A_55, %swap3A_56] : memref<4x400x128xf32, #tpu.memory_space<vmem>>, vector<1x400x128xf32>
    %swap3A_58 = vector.shape_cast %swap3A_57 : vector<1x400x128xf32> to vector<400x128xf32>
    %swap3A_59 = vector.shape_cast %max3A_54 : vector<400x128xf32> to vector<1x400x128xf32>
    tpu.vector_store %arg5[%swap3A, %swap3A_55, %swap3A_56], %swap3A_59 {strides = array<i32>} : memref<4x400x128xf32, #tpu.memory_space<vmem>>, vector<1x400x128xf32>,
    %slice3A_60 = vector.extract_strided_slice %dot_general3A_46 {offsets = [0, 128], sizes = [400, 128], strides = [1, 1]} : vector<400x512xf32> to vector<400x128xf32>
    %get3A_61 = arith.constant 1 : index
    %get3A_62 = arith.constant 0 : index
    %get3A_63 = vector.load %arg4[%get3A_61, %get3A_62] : memref<4x128xf32, #tpu.memory_space<vmem>>, vector<1x128xf32>
    %get3A_64 = vector.shape_cast %get3A_63 : vector<1x128xf32> to vector<128xf32>
    %broadcast_in_dim3A_65 = vector.shape_cast %get3A_64 : vector<128xf32> to vector<1x128xf32>
    %add3A_66 = vector.broadcast %broadcast_in_dim3A_65 : vector<1x128xf32> to vector<400x128xf32>
    %add3A_67 = arith.addf %slice3A_60, %add3A_66 : vector<400x128xf32>
    %max3A_68 = arith.constant 0.000000e+00 : f32
    %max3A_69 = vector.broadcast %max3A_68 : f32 to vector<400x128xf32>
    %max3A_70 = arith.maximumf %add3A_67, %max3A_69 : vector<400x128xf32>
    %swap3A_71 = arith.constant 1 : index
    %swap3A_72 = arith.constant 0 : index
    %swap3A_73 = arith.constant 0 : index
    %swap3A_74 = vector.load %arg5[%swap3A_71, %swap3A_72, %swap3A_73] : memref<4x400x128xf32, #tpu.memory_space<vmem>>, vector<1x400x128xf32>
    %swap3A_75 = vector.shape_cast %swap3A_74 : vector<1x400x128xf32> to vector<400x128xf32>
    %swap3A_76 = vector.shape_cast %max3A_70 : vector<400x128xf32> to vector<1x400x128xf32>
    tpu.vector_store %arg5[%swap3A_71, %swap3A_72, %swap3A_73], %swap3A_76 {strides = array<i32>} : memref<4x400x128xf32, #tpu.memory_space<vmem>>, vector<1x400x128xf32>,
    %slice3A_77 = vector.extract_strided_slice %dot_general3A_46 {offsets = [0, 256], sizes = [400, 128], strides = [1, 1]} : vector<400x512xf32> to vector<400x128xf32>
    %get3A_78 = arith.constant 2 : index
    %get3A_79 = arith.constant 0 : index
    %get3A_80 = vector.load %arg4[%get3A_78, %get3A_79] : memref<4x128xf32, #tpu.memory_space<vmem>>, vector<1x128xf32>
    %get3A_81 = vector.shape_cast %get3A_80 : vector<1x128xf32> to vector<128xf32>
    %broadcast_in_dim3A_82 = vector.shape_cast %get3A_81 : vector<128xf32> to vector<1x128xf32>
    %add3A_83 = vector.broadcast %broadcast_in_dim3A_82 : vector<1x128xf32> to vector<400x128xf32>
    %add3A_84 = arith.addf %slice3A_77, %add3A_83 : vector<400x128xf32>
    %max3A_85 = arith.constant 0.000000e+00 : f32
    %max3A_86 = vector.broadcast %max3A_85 : f32 to vector<400x128xf32>
    %max3A_87 = arith.maximumf %add3A_84, %max3A_86 : vector<400x128xf32>
    %swap3A_88 = arith.constant 2 : index
    %swap3A_89 = arith.constant 0 : index
    %swap3A_90 = arith.constant 0 : index
    %swap3A_91 = vector.load %arg5[%swap3A_88, %swap3A_89, %swap3A_90] : memref<4x400x128xf32, #tpu.memory_space<vmem>>, vector<1x400x128xf32>
    %swap3A_92 = vector.shape_cast %swap3A_91 : vector<1x400x128xf32> to vector<400x128xf32>
    %swap3A_93 = vector.shape_cast %max3A_87 : vector<400x128xf32> to vector<1x400x128xf32>
    tpu.vector_store %arg5[%swap3A_88, %swap3A_89, %swap3A_90], %swap3A_93 {strides = array<i32>} : memref<4x400x128xf32, #tpu.memory_space<vmem>>, vector<1x400x128xf32>,
    %slice3A_94 = vector.extract_strided_slice %dot_general3A_46 {offsets = [0, 384], sizes = [400, 128], strides = [1, 1]} : vector<400x512xf32> to vector<400x128xf32>
    %get3A_95 = arith.constant 3 : index
    %get3A_96 = arith.constant 0 : index
    %get3A_97 = vector.load %arg4[%get3A_95, %get3A_96] : memref<4x128xf32, #tpu.memory_space<vmem>>, vector<1x128xf32>
    %get3A_98 = vector.shape_cast %get3A_97 : vector<1x128xf32> to vector<128xf32>
    %broadcast_in_dim3A_99 = vector.shape_cast %get3A_98 : vector<128xf32> to vector<1x128xf32>
    %add3A_100 = vector.broadcast %broadcast_in_dim3A_99 : vector<1x128xf32> to vector<400x128xf32>
    %add3A_101 = arith.addf %slice3A_94, %add3A_100 : vector<400x128xf32>
    %max3A_102 = arith.constant 0.000000e+00 : f32
    %max3A_103 = vector.broadcast %max3A_102 : f32 to vector<400x128xf32>
    %max3A_104 = arith.maximumf %add3A_101, %max3A_103 : vector<400x128xf32>
    %swap3A_105 = arith.constant 3 : index
    %swap3A_106 = arith.constant 0 : index
    %swap3A_107 = arith.constant 0 : index
    %swap3A_108 = vector.load %arg5[%swap3A_105, %swap3A_106, %swap3A_107] : memref<4x400x128xf32, #tpu.memory_space<vmem>>, vector<1x400x128xf32>
    %swap3A_109 = vector.shape_cast %swap3A_108 : vector<1x400x128xf32> to vector<400x128xf32>
    %swap3A_110 = vector.shape_cast %max3A_104 : vector<400x128xf32> to vector<1x400x128xf32>
    tpu.vector_store %arg5[%swap3A_105, %swap3A_106, %swap3A_107], %swap3A_110 {strides = array<i32>} : memref<4x400x128xf32, #tpu.memory_space<vmem>>, vector<1x400x128xf32>,
    return
  }
  func.func @transform_0(%arg0: i32) -> (i32, i32, i32) {
    %c0_i32 = arith.constant 0 : i32
    %c0_i32_0 = arith.constant 0 : i32
    %c0_i32_1 = arith.constant 0 : i32
    return %c0_i32, %arg0, %c0_i32_0 : i32, i32, i32
  }
  func.func @transform_1(%arg0: i32) -> (i32, i32, i32) {
    %c0_i32 = arith.constant 0 : i32
    %c0_i32_0 = arith.constant 0 : i32
    %c0_i32_1 = arith.constant 0 : i32
    return %c0_i32, %arg0, %c0_i32_0 : i32, i32, i32
  }
  func.func @transform_2(%arg0: i32) -> (i32, i32, i32) {
    %c0_i32 = arith.constant 0 : i32
    %c0_i32_0 = arith.constant 0 : i32
    %c0_i32_1 = arith.constant 0 : i32
    %c0_i32_2 = arith.constant 0 : i32
    return %c0_i32, %c0_i32_0, %c0_i32_1 : i32, i32, i32
  }
  func.func @transform_3(%arg0: i32) -> (i32, i32) {
    %c0_i32 = arith.constant 0 : i32
    %c0_i32_0 = arith.constant 0 : i32
    %c0_i32_1 = arith.constant 0 : i32
    return %c0_i32, %c0_i32_0 : i32, i32
  }
  func.func @transform_4(%arg0: i32) -> (i32, i32, i32) {
    %c0_i32 = arith.constant 0 : i32
    %c0_i32_0 = arith.constant 0 : i32
    %c0_i32_1 = arith.constant 0 : i32
    return %c0_i32, %arg0, %c0_i32_0 : i32, i32, i32
  }
}

module attributes {stable_mosaic.version = 14 : i64} {
  func.func @body(%arg0: i32, %arg1: memref<4x400x128xf32, #tpu.memory_space<vmem>>, %arg2: memref<4x400x128xf32, #tpu.memory_space<vmem>>, %arg3: memref<4x128x512xf32, #tpu.memory_space<vmem>>, %arg4: memref<4x128xf32, #tpu.memory_space<vmem>>, %arg5: memref<1x1x400xi32, #tpu.memory_space<vmem>>, %arg6: memref<512x512xf32, #tpu.memory_space<vmem>>, %arg7: memref<1x512xf32, #tpu.memory_space<vmem>>, %arg8: memref<1x512xf32, #tpu.memory_space<vmem>>, %arg9: memref<64x128xf32, #tpu.memory_space<vmem>>, %arg10: memref<64x512xf32, #tpu.memory_space<vmem>>) attributes {dimension_semantics = [#tpu.dimension_semantics<arbitrary>], iteration_bounds = array<i64: 25>, scalar_prefetch = 0 : i64, scratch_operands = 1 : i64, tpu.core_type = #tpu.core_type<tc>, window_params = [{transform_indices = @transform_0, window_bounds = array<i64: 4, 400, 128>}, {transform_indices = @transform_1, window_bounds = array<i64: 4, 400, 128>}, {pipeline_mode = #tpu.pipeline_mode<synchronous>, transform_indices = @transform_2, window_bounds = array<i64: 4, 128, 512>}, {pipeline_mode = #tpu.pipeline_mode<synchronous>, transform_indices = @transform_3, window_bounds = array<i64: 4, 128>}, {transform_indices = @transform_4, window_bounds = array<i64: 1, 1, 400>}, {pipeline_mode = #tpu.pipeline_mode<synchronous>, transform_indices = @transform_5, window_bounds = array<i64: 512, 512>}, {pipeline_mode = #tpu.pipeline_mode<synchronous>, transform_indices = @transform_6, window_bounds = array<i64: 1, 512>}, {pipeline_mode = #tpu.pipeline_mode<synchronous>, transform_indices = @transform_7, window_bounds = array<i64: 1, 512>}, {pipeline_mode = #tpu.pipeline_mode<synchronous>, transform_indices = @transform_8, window_bounds = array<i64: 64, 128>}]} {
    %eq3A = arith.constant 0 : i32
    %eq3A_0 = arith.cmpi eq, %arg0, %eq3A : i32
    %convert_element_type3A = arith.extui %eq3A_0 : i1 to i32
    %cond3A = arith.constant 0 : i32
    %cond3A_1 = arith.cmpi ne, %convert_element_type3A, %cond3A : i32
    scf.if %cond3A_1 {
      %broadcast_in_dim3A_96 = arith.constant 0.000000e+00 : f32
      %broadcast_in_dim3A_97 = vector.broadcast %broadcast_in_dim3A_96 : f32 to vector<64x512xf32>
      %swap3A_98 = arith.constant 0 : index
      %swap3A_99 = arith.constant 0 : index
      %swap3A_100 = vector.load %arg10[%swap3A_98, %swap3A_99] : memref<64x512xf32, #tpu.memory_space<vmem>>, vector<64x512xf32>
      tpu.vector_store %arg10[%swap3A_98, %swap3A_99], %broadcast_in_dim3A_97 {strides = array<i32>} : memref<64x512xf32, #tpu.memory_space<vmem>>, vector<64x512xf32>,
    } else {
    }
    %get3A = arith.constant 0 : index
    %get3A_2 = arith.constant 0 : index
    %get3A_3 = arith.constant 0 : index
    %get3A_4 = vector.load %arg5[%get3A, %get3A_2, %get3A_3] : memref<1x1x400xi32, #tpu.memory_space<vmem>>, vector<1x1x400xi32>
    %get3A_5 = vector.shape_cast %get3A_4 : vector<1x1x400xi32> to vector<400xi32>
    %iota3A = tpu.iota {dimensions = array<i32: 0>} : vector<64x400xi32>
    %broadcast_in_dim3A = vector.shape_cast %get3A_5 : vector<400xi32> to vector<1x400xi32>
    %eq3A_6 = vector.broadcast %broadcast_in_dim3A : vector<1x400xi32> to vector<64x400xi32>
    %eq3A_7 = arith.cmpi eq, %iota3A, %eq3A_6 : vector<64x400xi32>
    %convert_element_type3A_8 = arith.extui %eq3A_7 : vector<64x400xi1> to vector<64x400xi32>
    %convert_element_type3A_9 = arith.sitofp %convert_element_type3A_8 : vector<64x400xi32> to vector<64x400xf32>
    %get3A_10 = arith.constant 0 : index
    %get3A_11 = arith.constant 0 : index
    %get3A_12 = arith.constant 0 : index
    %get3A_13 = vector.load %arg1[%get3A_10, %get3A_11, %get3A_12] : memref<4x400x128xf32, #tpu.memory_space<vmem>>, vector<1x400x128xf32>
    %get3A_14 = vector.shape_cast %get3A_13 : vector<1x400x128xf32> to vector<400x128xf32>
    %get3A_15 = arith.constant 0 : index
    %get3A_16 = arith.constant 0 : index
    %get3A_17 = arith.constant 0 : index
    %get3A_18 = vector.load %arg2[%get3A_15, %get3A_16, %get3A_17] : memref<4x400x128xf32, #tpu.memory_space<vmem>>, vector<1x400x128xf32>
    %get3A_19 = vector.shape_cast %get3A_18 : vector<1x400x128xf32> to vector<400x128xf32>
    %add3A = arith.addf %get3A_14, %get3A_19 : vector<400x128xf32>
    %get3A_20 = arith.constant 1 : index
    %get3A_21 = arith.constant 0 : index
    %get3A_22 = arith.constant 0 : index
    %get3A_23 = vector.load %arg1[%get3A_20, %get3A_21, %get3A_22] : memref<4x400x128xf32, #tpu.memory_space<vmem>>, vector<1x400x128xf32>
    %get3A_24 = vector.shape_cast %get3A_23 : vector<1x400x128xf32> to vector<400x128xf32>
    %get3A_25 = arith.constant 1 : index
    %get3A_26 = arith.constant 0 : index
    %get3A_27 = arith.constant 0 : index
    %get3A_28 = vector.load %arg2[%get3A_25, %get3A_26, %get3A_27] : memref<4x400x128xf32, #tpu.memory_space<vmem>>, vector<1x400x128xf32>
    %get3A_29 = vector.shape_cast %get3A_28 : vector<1x400x128xf32> to vector<400x128xf32>
    %add3A_30 = arith.addf %get3A_24, %get3A_29 : vector<400x128xf32>
    %get3A_31 = arith.constant 2 : index
    %get3A_32 = arith.constant 0 : index
    %get3A_33 = arith.constant 0 : index
    %get3A_34 = vector.load %arg1[%get3A_31, %get3A_32, %get3A_33] : memref<4x400x128xf32, #tpu.memory_space<vmem>>, vector<1x400x128xf32>
    %get3A_35 = vector.shape_cast %get3A_34 : vector<1x400x128xf32> to vector<400x128xf32>
    %get3A_36 = arith.constant 2 : index
    %get3A_37 = arith.constant 0 : index
    %get3A_38 = arith.constant 0 : index
    %get3A_39 = vector.load %arg2[%get3A_36, %get3A_37, %get3A_38] : memref<4x400x128xf32, #tpu.memory_space<vmem>>, vector<1x400x128xf32>
    %get3A_40 = vector.shape_cast %get3A_39 : vector<1x400x128xf32> to vector<400x128xf32>
    %add3A_41 = arith.addf %get3A_35, %get3A_40 : vector<400x128xf32>
    %get3A_42 = arith.constant 3 : index
    %get3A_43 = arith.constant 0 : index
    %get3A_44 = arith.constant 0 : index
    %get3A_45 = vector.load %arg1[%get3A_42, %get3A_43, %get3A_44] : memref<4x400x128xf32, #tpu.memory_space<vmem>>, vector<1x400x128xf32>
    %get3A_46 = vector.shape_cast %get3A_45 : vector<1x400x128xf32> to vector<400x128xf32>
    %get3A_47 = arith.constant 3 : index
    %get3A_48 = arith.constant 0 : index
    %get3A_49 = arith.constant 0 : index
    %get3A_50 = vector.load %arg2[%get3A_47, %get3A_48, %get3A_49] : memref<4x400x128xf32, #tpu.memory_space<vmem>>, vector<1x400x128xf32>
    %get3A_51 = vector.shape_cast %get3A_50 : vector<1x400x128xf32> to vector<400x128xf32>
    %add3A_52 = arith.addf %get3A_46, %get3A_51 : vector<400x128xf32>
    %concatenate3A = tpu.concatenate %add3A, %add3A_30, %add3A_41, %add3A_52 in 1 : vector<400x128xf32>, vector<400x128xf32>, vector<400x128xf32>, vector<400x128xf32> -> vector<400x512xf32>
    %get3A_53 = arith.constant 0 : index
    %get3A_54 = arith.constant 0 : index
    %get3A_55 = arith.constant 0 : index
    %get3A_56 = vector.load %arg3[%get3A_53, %get3A_54, %get3A_55] : memref<4x128x512xf32, #tpu.memory_space<vmem>>, vector<4x128x512xf32>
    %reshape3A = vector.shape_cast %get3A_56 : vector<4x128x512xf32> to vector<512x512xf32>
    %dot_general3A = arith.constant dense<0.000000e+00> : vector<400x512xf32>
    %dot_general3A_57 = tpu.matmul %concatenate3A, %reshape3A, %dot_general3A {dimension_numbers = #tpu.dot_dimension_numbers<[1], [0], [0], [1], [0, 0, 1, 1], [], []>, transpose_lhs_hint = false} : vector<400x512xf32>, vector<512x512xf32>, vector<400x512xf32> -> vector<400x512xf32>
    %get3A_58 = arith.constant 0 : index
    %get3A_59 = arith.constant 0 : index
    %get3A_60 = vector.load %arg4[%get3A_58, %get3A_59] : memref<4x128xf32, #tpu.memory_space<vmem>>, vector<1x128xf32>
    %get3A_61 = vector.shape_cast %get3A_60 : vector<1x128xf32> to vector<128xf32>
    %broadcast_in_dim3A_62 = vector.shape_cast %get3A_61 : vector<128xf32> to vector<1x128xf32>
    %get3A_63 = arith.constant 1 : index
    %get3A_64 = arith.constant 0 : index
    %get3A_65 = vector.load %arg4[%get3A_63, %get3A_64] : memref<4x128xf32, #tpu.memory_space<vmem>>, vector<1x128xf32>
    %get3A_66 = vector.shape_cast %get3A_65 : vector<1x128xf32> to vector<128xf32>
    %broadcast_in_dim3A_67 = vector.shape_cast %get3A_66 : vector<128xf32> to vector<1x128xf32>
    %get3A_68 = arith.constant 2 : index
    %get3A_69 = arith.constant 0 : index
    %get3A_70 = vector.load %arg4[%get3A_68, %get3A_69] : memref<4x128xf32, #tpu.memory_space<vmem>>, vector<1x128xf32>
    %get3A_71 = vector.shape_cast %get3A_70 : vector<1x128xf32> to vector<128xf32>
    %broadcast_in_dim3A_72 = vector.shape_cast %get3A_71 : vector<128xf32> to vector<1x128xf32>
    %get3A_73 = arith.constant 3 : index
    %get3A_74 = arith.constant 0 : index
    %get3A_75 = vector.load %arg4[%get3A_73, %get3A_74] : memref<4x128xf32, #tpu.memory_space<vmem>>, vector<1x128xf32>
    %get3A_76 = vector.shape_cast %get3A_75 : vector<1x128xf32> to vector<128xf32>
    %broadcast_in_dim3A_77 = vector.shape_cast %get3A_76 : vector<128xf32> to vector<1x128xf32>
    %concatenate3A_78 = tpu.concatenate %broadcast_in_dim3A_62, %broadcast_in_dim3A_67, %broadcast_in_dim3A_72, %broadcast_in_dim3A_77 in 1 : vector<1x128xf32>, vector<1x128xf32>, vector<1x128xf32>, vector<1x128xf32> -> vector<1x512xf32>
    %add3A_79 = vector.broadcast %concatenate3A_78 : vector<1x512xf32> to vector<400x512xf32>
    %add3A_80 = arith.addf %dot_general3A_57, %add3A_79 : vector<400x512xf32>
    %max3A = arith.constant 0.000000e+00 : f32
    %max3A_81 = vector.broadcast %max3A : f32 to vector<400x512xf32>
    %max3A_82 = arith.maximumf %add3A_80, %max3A_81 : vector<400x512xf32>
    %get3A_83 = arith.constant 0 : index
    %get3A_84 = arith.constant 0 : index
    %get3A_85 = vector.load %arg10[%get3A_83, %get3A_84] : memref<64x512xf32, #tpu.memory_space<vmem>>, vector<64x512xf32>
    %dot_general3A_86 = arith.constant dense<0.000000e+00> : vector<64x512xf32>
    %dot_general3A_87 = tpu.matmul %convert_element_type3A_9, %max3A_82, %dot_general3A_86 {dimension_numbers = #tpu.dot_dimension_numbers<[1], [0], [0], [1], [0, 0, 1, 1], [], []>, precision = #tpu.contract_precision<fp32>, transpose_lhs_hint = false} : vector<64x400xf32>, vector<400x512xf32>, vector<64x512xf32> -> vector<64x512xf32>
    %add3A_88 = arith.addf %get3A_85, %dot_general3A_87 : vector<64x512xf32>
    %swap3A = arith.constant 0 : index
    %swap3A_89 = arith.constant 0 : index
    %swap3A_90 = vector.load %arg10[%swap3A, %swap3A_89] : memref<64x512xf32, #tpu.memory_space<vmem>>, vector<64x512xf32>
    tpu.vector_store %arg10[%swap3A, %swap3A_89], %add3A_88 {strides = array<i32>} : memref<64x512xf32, #tpu.memory_space<vmem>>, vector<64x512xf32>,
    %eq3A_91 = arith.constant 24 : i32
    %eq3A_92 = arith.cmpi eq, %arg0, %eq3A_91 : i32
    %convert_element_type3A_93 = arith.extui %eq3A_92 : i1 to i32
    %cond3A_94 = arith.constant 0 : i32
    %cond3A_95 = arith.cmpi ne, %convert_element_type3A_93, %cond3A_94 : i32
    scf.if %cond3A_95 {
      %get3A_96 = arith.constant 0 : index
      %get3A_97 = arith.constant 0 : index
      %get3A_98 = vector.load %arg10[%get3A_96, %get3A_97] : memref<64x512xf32, #tpu.memory_space<vmem>>, vector<64x512xf32>
      %get3A_99 = arith.constant 0 : index
      %get3A_100 = arith.constant 0 : index
      %get3A_101 = vector.load %arg6[%get3A_99, %get3A_100] : memref<512x512xf32, #tpu.memory_space<vmem>>, vector<512x512xf32>
      %dot_general3A_102 = arith.constant dense<0.000000e+00> : vector<64x512xf32>
      %dot_general3A_103 = tpu.matmul %get3A_98, %get3A_101, %dot_general3A_102 {dimension_numbers = #tpu.dot_dimension_numbers<[1], [0], [0], [1], [0, 0, 1, 1], [], []>, transpose_lhs_hint = false} : vector<64x512xf32>, vector<512x512xf32>, vector<64x512xf32> -> vector<64x512xf32>
      %get3A_104 = arith.constant 0 : index
      %get3A_105 = arith.constant 0 : index
      %get3A_106 = vector.load %arg7[%get3A_104, %get3A_105] : memref<1x512xf32, #tpu.memory_space<vmem>>, vector<1x512xf32>
      %get3A_107 = vector.shape_cast %get3A_106 : vector<1x512xf32> to vector<512xf32>
      %broadcast_in_dim3A_108 = vector.shape_cast %get3A_107 : vector<512xf32> to vector<1x512xf32>
      %add3A_109 = vector.broadcast %broadcast_in_dim3A_108 : vector<1x512xf32> to vector<64x512xf32>
      %add3A_110 = arith.addf %dot_general3A_103, %add3A_109 : vector<64x512xf32>
      %max3A_111 = arith.constant 0.000000e+00 : f32
      %max3A_112 = vector.broadcast %max3A_111 : f32 to vector<64x512xf32>
      %max3A_113 = arith.maximumf %add3A_110, %max3A_112 : vector<64x512xf32>
      %get3A_114 = arith.constant 0 : index
      %get3A_115 = arith.constant 0 : index
      %get3A_116 = vector.load %arg8[%get3A_114, %get3A_115] : memref<1x512xf32, #tpu.memory_space<vmem>>, vector<1x512xf32>
      %get3A_117 = vector.shape_cast %get3A_116 : vector<1x512xf32> to vector<512xf32>
      %broadcast_in_dim3A_118 = vector.shape_cast %get3A_117 : vector<512xf32> to vector<512x1xf32>
      %dot_general3A_119 = arith.constant dense<0.000000e+00> : vector<64x1xf32>
      %dot_general3A_120 = tpu.matmul %max3A_113, %broadcast_in_dim3A_118, %dot_general3A_119 {dimension_numbers = #tpu.dot_dimension_numbers<[1], [0], [0], [1], [0, 0, 1, 1], [], []>, transpose_lhs_hint = false} : vector<64x512xf32>, vector<512x1xf32>, vector<64x1xf32> -> vector<64x1xf32>
      %broadcast_in_dim3A_121 = vector.shape_cast %dot_general3A_120 : vector<64x1xf32> to vector<64x1xf32>
      %broadcast_in_dim3A_122 = vector.broadcast %broadcast_in_dim3A_121 : vector<64x1xf32> to vector<64x128xf32>
      %swap3A_123 = arith.constant 0 : index
      %swap3A_124 = arith.constant 0 : index
      %swap3A_125 = vector.load %arg9[%swap3A_123, %swap3A_124] : memref<64x128xf32, #tpu.memory_space<vmem>>, vector<64x128xf32>
      tpu.vector_store %arg9[%swap3A_123, %swap3A_124], %broadcast_in_dim3A_122 {strides = array<i32>} : memref<64x128xf32, #tpu.memory_space<vmem>>, vector<64x128xf32>,
    } else {
    }
    return
  }
  func.func @transform_0(%arg0: i32) -> (i32, i32, i32) {
    %c0_i32 = arith.constant 0 : i32
    %c0_i32_0 = arith.constant 0 : i32
    %c0_i32_1 = arith.constant 0 : i32
    return %c0_i32, %arg0, %c0_i32_0 : i32, i32, i32
  }
  func.func @transform_1(%arg0: i32) -> (i32, i32, i32) {
    %c0_i32 = arith.constant 0 : i32
    %c0_i32_0 = arith.constant 0 : i32
    %c0_i32_1 = arith.constant 0 : i32
    return %c0_i32, %arg0, %c0_i32_0 : i32, i32, i32
  }
  func.func @transform_2(%arg0: i32) -> (i32, i32, i32) {
    %c0_i32 = arith.constant 0 : i32
    %c0_i32_0 = arith.constant 0 : i32
    %c0_i32_1 = arith.constant 0 : i32
    %c0_i32_2 = arith.constant 0 : i32
    return %c0_i32, %c0_i32_0, %c0_i32_1 : i32, i32, i32
  }
  func.func @transform_3(%arg0: i32) -> (i32, i32) {
    %c0_i32 = arith.constant 0 : i32
    %c0_i32_0 = arith.constant 0 : i32
    %c0_i32_1 = arith.constant 0 : i32
    return %c0_i32, %c0_i32_0 : i32, i32
  }
  func.func @transform_4(%arg0: i32) -> (i32, i32, i32) {
    %c0_i32 = arith.constant 0 : i32
    %c0_i32_0 = arith.constant 0 : i32
    %c0_i32_1 = arith.constant 0 : i32
    return %arg0, %c0_i32, %c0_i32_0 : i32, i32, i32
  }
  func.func @transform_5(%arg0: i32) -> (i32, i32) {
    %c0_i32 = arith.constant 0 : i32
    %c0_i32_0 = arith.constant 0 : i32
    %c0_i32_1 = arith.constant 0 : i32
    return %c0_i32, %c0_i32_0 : i32, i32
  }
  func.func @transform_6(%arg0: i32) -> (i32, i32) {
    %c0_i32 = arith.constant 0 : i32
    %c0_i32_0 = arith.constant 0 : i32
    %c0_i32_1 = arith.constant 0 : i32
    return %c0_i32, %c0_i32_0 : i32, i32
  }
  func.func @transform_7(%arg0: i32) -> (i32, i32) {
    %c0_i32 = arith.constant 0 : i32
    %c0_i32_0 = arith.constant 0 : i32
    %c0_i32_1 = arith.constant 0 : i32
    return %c0_i32, %c0_i32_0 : i32, i32
  }
  func.func @transform_8(%arg0: i32) -> (i32, i32) {
    %c0_i32 = arith.constant 0 : i32
    %c0_i32_0 = arith.constant 0 : i32
    %c0_i32_1 = arith.constant 0 : i32
    return %c0_i32, %c0_i32_0 : i32, i32
  }
}

</mosaic_0001>

<sc_bundles>
// kernel: gather_offload_async_start.1
scs
__scs_entry_jumppad:
0x0: {  	(pc) =	sbr.rel $0x88, $3  }
0x1: {  	(tag) =	ssettag $0x0;
	lr =	simm.s32 $0x1  }
0x2: {  	[smem:$0x3F92] =	sst lr;
	_ =	strace $0xD0000000  }
0x3: {  	_ = 	snop  }
0x4: {  	_ = 	snop  }
0x5: {  	_ = 	snop  }
0x6: {  	_ = 	snop  }
0x7: {  	_ = 	snop  }
__scs_overlays_trampoline_lowered:
0x8: {  	[smem:$0x3FA1] =	sst s0  }
0x9: {  	[smem:$0x3FA2] =	sst s1  }
0xa: {  	[smem:$0x3FA3] =	sst s2  }
0xb: {  	[smem:$0x3FA4] =	sst s3  }
0xc: {  	[smem:$0x3FA5] =	sst s4  }
0xd: {  	[smem:$0x3FA6] =	sst s5  }
0xe: {  	[smem:$0x3FA7] =	sst s6  }
0xf: {  	[smem:$0x3FA8] =	sst s7  }
0x10: {  	[smem:$0x3FA9] =	sst s8  }
0x11: {  	[smem:$0x3FAA] =	sst s9;
	s0 =	simm.s32 @!p0 $0x0  }
0x12: {  	s1 =	sld [smem:$0x3F90];
	s0 =	simm.s32 @p0 $0x1  }
0x13: {  	[smem:$0x3FAB] =	sst s0;
	s0 =	simm.s32 @!p1 $0x0  }
0x14: {  	s2 =	sld [smem:$0x3F8F];
	s0 =	simm.s32 @p1 $0x1  }
0x15: {  	[smem:$0x3FAC] =	sst s0;
	s0 =	simm.s32 @!p2 $0x0  }
0x16: {  	s3 =	sld [smem:$0x3FDB];
	s0 =	simm.s32 @p2 $0x1  }
0x17: {  	s4 =	simm.s32 $0x1BF5;
	[smem:$0x3FAE] =	sst s0  }
0x18: {  	s0 =	sld [smem:$0x3F91];
	_ =	swait.ge [sflag:s4], $0x0  }
0x19: {  	s7 =	sld [smem:$0x3F92]  }
0x1a: {  	s8 =	sadd.s32 $0xFFFFE003, lr  }
0x1b: {  	s9 =	sadd.s32 $0xFFFFFEF7, lr;
	s5 =	simm.s32 $0xFFFFFFFF;
	p2 =	slt.u32 s8, $0xFFFFF086  }
0x1c: {  	p1 =	slt.u32 s9, $0xF7A;
	s5 =	simm.s32 @!p2 $0x0  }
0x1d: {  	s5 =	simm.s32 @p1 $0x1;
	p0 =	seq.s32 s7, s2  }
0x1e: {  	s7 =	smul.u32 @!p0 $0xF7A, s2;
	p2 =	seq.s32 @!p0 s5, $0x0  }
0x1f: {  	s9 =	smul.u32 $0xF7A, s1;
	s8 =	simm.s32 @!p0 $0x1BF5;
	p2 =	por !p2, p0  }
0x20: {  	[sflag:s8] =	ssyncset.s32 @!p0 $0xFFFFF086;
	s6 =	sadd.s32 @!p0 s3, s7;
	s7 =	simm.s32 @!p0 $0x108  }
0x21: {  	s3 =	sadd.s32 s3, s9;
	s6 =	sadd.s32 @!p0 $0x88, s6;
	s7 =	simm.s32 @p2 $0x1082  }
0x22: {  	[simem:s7], [sflag:s8] =	dma.local @!p0 [hbm:s6], $0xF7A  }
0x23: {  	s9 =	sor.u32 $0xD0000000, s2;
	s6 =	simm.s32 $0x108;
	_ =	swait.ge @!p0 [sflag:s8], $0x0  }
0x24: {  	s3 =	sadd.s32 $0x88, s3;
	s6 =	simm.s32 @!p1 $0x1082;
	[sflag:s4] =	ssyncset.s32 $0xFFFFF086  }
0x25: {  	[simem:s6], [sflag:s4] =	dma.local [hbm:s3], $0xF7A  }
0x26: {  	[smem:$0x3F92] =	sst s1;
	(tag) =	ssettag s2;
	_ =	strace s9  }
0x27: {  	s1 =	sld [smem:$0x3FA2]  }
0x28: {  	s2 =	sld [smem:$0x3FA3]  }
0x29: {  	s4 =	sld [smem:$0x3FA5]  }
0x2a: {  	p0 =	seq.s32 s5, $0x0;
	s5 =	sld [smem:$0x3FA6]  }
0x2b: {  	s6 =	sld [smem:$0x3FA7]  }
0x2c: {  	s7 =	sld [smem:$0x3FA8]  }
0x2d: {  	s3 =	simm.s32 $0x108;
	s8 =	sld [smem:$0x3FA9]  }
0x2e: {  	s3 =	simm.s32 @!p0 $0x1082;
	s9 =	sld [smem:$0x3FAA]  }
0x2f: {  	lr =	sadd.s32 s0, s3;
	s0 =	sld [smem:$0x3FA1]  }
0x30: {  	s3 =	sld [smem:$0x3FA4]  }
0x31: {  	[smem:$0x3FAD] =	sst s10  }
0x32: {  	s10 =	sld [smem:$0x3FAB];
	_ =	sdelay $0x3  }
0x33: {  	p0 =	seq.s32 s10, $0x1;
	s10 =	sld [smem:$0x3FAD];
	_ =	sdelay $0x3  }
0x34: {  	[smem:$0x3FAD] =	sst s10  }
0x35: {  	s10 =	sld [smem:$0x3FAC];
	_ =	sdelay $0x3  }
0x36: {  	p1 =	seq.s32 s10, $0x1;
	s10 =	sld [smem:$0x3FAD];
	_ =	sdelay $0x3  }
0x37: {  	[smem:$0x3FAD] =	sst s10  }
0x38: {  	s10 =	sld [smem:$0x3FAE]  }
0x39: {  	_ = 	snop;
	(pc) =	sbr.ind lr, $3  }
0x3a: {  	_ = 	snop  }
0x3b: {  	_ = 	snop  }
0x3c: {  	p2 =	seq.s32 s10, $0x1;
	s10 =	sld [smem:$0x3FAD]  }
0x3d: {  	_ =	shalt  }
0x3e: {  	_ =	shalt  }
0x3f: {  	_ =	shalt  }
0x40: {  	_ =	shalt  }
0x41: {  	_ =	shalt  }
0x42: {  	_ =	shalt  }
0x43: {  	_ =	shalt  }
0x44: {  	_ =	shalt  }
0x45: {  	_ =	shalt  }
0x46: {  	_ =	shalt  }
0x47: {  	_ =	shalt  }
0x48: {  	_ =	shalt  }
0x49: {  	_ =	shalt  }
0x4a: {  	_ =	shalt  }
0x4b: {  	_ =	shalt  }
0x4c: {  	_ =	shalt  }
0x4d: {  	_ =	shalt  }
0x4e: {  	_ =	shalt  }
0x4f: {  	_ =	shalt  }
0x50: {  	_ =	shalt  }
0x51: {  	_ =	shalt  }
0x52: {  	_ =	shalt  }
0x53: {  	_ =	shalt  }
0x54: {  	_ =	shalt  }
0x55: {  	_ =	shalt  }
0x56: {  	_ =	shalt  }
0x57: {  	_ =	shalt  }
0x58: {  	_ =	shalt  }
0x59: {  	_ =	shalt  }
0x5a: {  	_ =	shalt  }
0x5b: {  	_ =	shalt  }
0x5c: {  	_ =	shalt  }
0x5d: {  	_ =	shalt  }
0x5e: {  	_ =	shalt  }
0x5f: {  	_ =	shalt  }
0x60: {  	_ =	shalt  }
0x61: {  	_ =	shalt  }
0x62: {  	_ =	shalt  }
0x63: {  	_ =	shalt  }
0x64: {  	_ =	shalt  }
0x65: {  	_ =	shalt  }
0x66: {  	_ =	shalt  }
0x67: {  	_ =	shalt  }
0x68: {  	_ =	shalt  }
0x69: {  	_ =	shalt  }
0x6a: {  	_ =	shalt  }
0x6b: {  	_ =	shalt  }
0x6c: {  	_ =	shalt  }
0x6d: {  	_ =	shalt  }
0x6e: {  	_ =	shalt  }
0x6f: {  	_ =	shalt  }
0x70: {  	_ =	shalt  }
0x71: {  	_ =	shalt  }
0x72: {  	_ =	shalt  }
0x73: {  	_ =	shalt  }
0x74: {  	_ =	shalt  }
0x75: {  	_ =	shalt  }
0x76: {  	_ =	shalt  }
0x77: {  	_ =	shalt  }
0x78: {  	_ =	shalt  }
0x79: {  	_ =	shalt  }
0x7a: {  	_ =	shalt  }
0x7b: {  	_ =	shalt  }
0x7c: {  	_ =	shalt  }
0x7d: {  	_ =	shalt  }
0x7e: {  	_ =	shalt  }
0x7f: {  	_ =	shalt  }
0x80: {  	_ =	shalt  }
0x81: {  	_ =	shalt  }
0x82: {  	_ =	shalt  }
0x83: {  	_ =	shalt  }
0x84: {  	_ =	shalt  }
0x85: {  	_ =	shalt  }
0x86: {  	_ =	shalt  }
0x87: {  	_ =	shalt  }
.Lfunc_end0:
.L_simem_size_0:
called_computation.1_lowered:
.L_overlay_start_0:
0x88: {  	s2 =	sld [smem:$0x3FD9]  }
0x89: {  	s3 =	sld [smem:$0x3FFE];
	_ =	sdelay $0x1  }
0x8a: {  	s1 =	srdreg.scid  }
0x8b: {  	s0 =	sand.u32 $0x1, s1  }
0x8c: {  	s16 =	sshll.u32 s0, $0xA;
	s2 =	sadd.s32 s3, s2  }
0x8d: {  	s2 =	sadd.s32 s2, s16  }
0x8e: {  	[smem:$0x3FB9] =	sst s2  }
0x8f: {  	_ = 	snop  }
0x90: {  	(tm) =	ssettm $0x1  }
0x91: {  	s17 =	sld [smem:$0x3FFB];
	_ =	sdelay $0x3  }
0x92: {  	_ =	strace s17  }
0x93: {  	s2 =	sld [smem:$0x3FFC];
	_ =	sdelay $0x3  }
0x94: {  	_ =	strace s2  }
0x95: {  	s2 =	sld [smem:$0x3FFD];
	_ =	sdelay $0x3  }
0x96: {  	_ =	strace s2  }
0x97: {  	_ =	strace $0x8FFFFFFF  }
0x98: {  	s18 =	sld [smem:$0x3FDB];
	_ =	sdelay $0x1  }
0x99: {  	s19 =	simm.s32 $_scs_section_size  }
0x9a: {  	s4 =	simm.s32 $_size__tile_overlayer_lowered;
	s5 =	simm.s32 $_tile_overlayer_lowered  }
0x9b: {  	s22 =	simm.s32 $0x1BFF;
	s21 =	sshll.u32 s5, $0x1;
	s2 =	sadd.s32 s19, s18  }
0x9c: {  	s6 =	simm.s32 $0x0;
	s20 =	sshll.u32 s4, $0x1;
	s4 =	sadd.s32 s21, s2  }
0x9d: {  	[timem:s6], [sflag:s22] =	dma.local [hbm:s4], s20  }
0x9e: {  	_ =	swait.ge [sflag:s22], s20  }
0x9f: {  	s3 =	ssub.s32 $0x0, s20;
	[sflag:s22] =	ssyncset.done $0x0  }
0xa0: {  	[sflag:s22] =	ssyncadd.s32 s3;
	_ =	sdelay $0x1  }
0xa1: {  	s23 =	simm.s32 $0x1B8B  }
0xa2: {  	_ =	swait.ge [sflag:s23], $0x1  }
0xa3: {  	[sflag:s23] =	ssyncset.done $0x0  }
0xa4: {  	s25 =	simm.s32 $0x1B8E;
	s24 =	sld [smem:$0x3FFE];
	[sflag:s23] =	ssyncadd.s32 $0xFFFFFFFF  }
0xa5: {  	s26 =	simm.s32 $execute0_lowered;
	[smem:$0x3FD2] =	sst s25  }
0xa6: {  	s4 =	sshll.u32 s26, $0x1;
	_ =	strace $0x80000046;
	[dreg:$0x1] =	wrdreg $0xFFFFFFFF  }
0xa7: {  	s28 =	simm.s32 $_size_execute0_lowered;
	s2 =	sadd.s32 s2, s4;
	[dreg:$0x0] =	wrdreg $0x0  }
0xa8: {  	s4 =	sshll.u32 s28, $0x1;
	[dreg:$0x2] =	wrdreg s2  }
0xa9: {  	[dreg:$0x3] =	wrdreg s4  }
0xaa: {  	[dreg:$0x4] =	wrdreg $0xC0  }
0xab: {  	_ =	task [dreg:s6], $0x5FFFF  }
0xac: {  	[dreg:$0x1] =	wrdreg $0xFFFFFFFF  }
0xad: {  	[dreg:$0x0] =	wrdreg $0x60  }
0xae: {  	[dreg:$0x2] =	wrdreg s24  }
0xaf: {  	[dreg:$0x3] =	wrdreg $0xA  }
0xb0: {  	_ =	task.clear_ibuf [dreg:s6], $0x4FFFF;
	_ =	strace $0x90000046  }
0xb1: {  	s29 =	simm.s32 $0xA;
	_ =	strace $0x80000048  }
0xb2: {  	_ =	swait.ge [sflag:s29], $0x1  }
0xb3: {  	[sflag:s29] =	ssyncadd.s32 $0xFFFFFFFF  }
0xb4: {  	_ =	strace $0x90000048  }
0xb5: {  	_ =	sfence  }
0xb6: {  	s30 =	sld [smem:$0x0];
	_ =	sdelay $0x2  }
0xb7: {  	s31 =	sshll.u32 s1, $0xD;
	s1 =	sshrl.u32 s1, $0x2  }
0xb8: {  	s3 =	sand.u32 $0x4000, s31;
	s1 =	sadd.s32 s1, s30  }
0xb9: {  	s0 =	sor.u32 s3, s0;
	s1 =	sshll.u32 s1, $0x11  }
0xba: {  	s0 =	sor.u32 s1, s0  }
0xbb: {  	s0 =	sadd.s32 $0x8F2B, s0  }
0xbc: {  	[sflag:s0] =	ssyncadd.remote.s32 $0x1  }
0xbd: {  	_ =	sfence.sel $0xFFFF  }
0xbe: {  	[dreg:$0x0] =	wrdreg $0xFFFFFFFF;
	(pc) =	sbr.abs _section_cstart, $3  }
0xbf: {  	[dreg:$0x1] =	wrdreg $0xFFFFFFFF  }
0xc0: {  	_ =	task.clear_ibuf [dreg:s6], $0x2FFFF;
	_ =	strace $0x9FFFFFFF  }
0xc1: {  	(tm) =	ssettm $0x7FFFFFFF  }
tec
execute0_lowered:
.L_overlay_start_1:
0x0: {  	(tag) =	ssettag $0x1  }
0x1: {  	s8 =	rddreg [dreg:$0x0]  }
0x2: {  	s0 =	rddreg [dreg:$0x1];
	_ =	strace $0x80000047;
	s1 =	stileid.u32  }
0x3: {  	s3 =	srdreg.scid;
	s4 =	simm.s32 $0x1;
	s7 =	simm.s32 $0x1  }
0x4: {  	s9 =	simm.s32 $0x1;
	s10 =	simm.s32 $0x3;
	s13 =	simm.s32 $0x0  }
0x5: {  	s12 =	simm.s32 $0x0;
	s5 =	sand.u32 $0x1, s3;
	s6 =	sshll.u32 s1, $0x1  }
0x6: {  	s2 =	sadd.s32 $0x8000, s8;
	s3 =	sadd.s32 $0xD000, s8;
	s5 =	sor.u32 s6, s5  }
.Ltmp0:
0x7: {  	[sflag:s4] =	ssyncpa.u1 $0x0;
	p0 =	slt.u32 s5, $0x9;
	(pc) =	sbr.rel .LBB2_1-.Ltmp0, $4  }
0x8: {  	s6 =	simm.s32 $0x2;
	s7 =	simm.s32 @!p0 $0x0;
	p0 =	sne.s32 s5, $0x8  }
0x9: {  	[sflag:s6] =	ssyncpa.u1 $0x0;
	s5 =	smul.u32 $0xFA0, s5;
	s9 =	simm.s32 @!p0 $0x0  }
0xa: {  	s8 =	sadd.s32 $0x60200, s8;
	[sflag:s10] =	ssyncpa.u1 $0x0;
	s7 =	sadd.s32 s9, s7  }
0xb: {  	vm0 =	vmmov $0xffff;
	s10 =	simm.s32 $0x0;
	s11 =	smov.u32 s5;
	s9 =	sadd.s32 $0x1, s7  }
.LBB2_4:
0xc: {  	v2 =	vnsel vm1, $0x0, v2  }
0xd: {  	vm1 =	vgt.s32 v0, $0x0;
	v2 =	vmin.u32 v2, $0x270FF  }
0xe: {  	v0 =	vnsel vm1, $0x0, v0  }
0xf: {  	v0 =	vmin.u32 v0, $0x270FF  }
0x10: {  	[tilespmem:s18], [sflag:$0x1] =	stream.indirect_vreg.gather [hbm4b:s2+s10], $0x1, v1, vm0, $0x4038;
	[tilespmem:$0x3E80] =	vst v63  }
0x11: {  	(ifvalue) =	ssetifvalue $0x7FFFFFFF  }
0x12: {  	[tilespmem:s15], [sflag:$0x1] =	stream.indirect_vreg.gather [hbm4b:s2+s10], $0x1, v2, vm0, $0x4038;
	[tilespmem:$0x3E80] =	vst v63  }
0x13: {  	s29 =	sadd.s32 $0x10, s15;
	(ifvalue) =	ssetifvalue $0x7FFFFFFF  }
0x14: {  	[tilespmem:s29], [sflag:$0x1] =	stream.indirect_vreg.gather [hbm4b:s2+s10], $0x1, v0, vm0, $0x4038;
	[tilespmem:$0x3E80] =	vst v63  }
0x15: {  	_ =	swait.ge [sflag:s4], $0xFA0  }
0x16: {  	s30 =	sshrl.u32 s13, $0x3;
	[sflag:s4] =	ssyncset.done $0x0  }
0x17: {  	s31 =	sand.u32 $0x7, s13;
	s15 =	sadd.s32 s8, s30;
	[sflag:s4] =	ssyncadd.s32 $0xFFFFF060  }
0x18: {  	[hbm4b:s15+s31] =	stream.linear.scatter [tilespmem:s14], [sflag:$0x3], $0xFA0, $0x38;
	[tilespmem:$0x3E80] =	vst v63  }
.LBB2_5:
0x19: {  	s15 =	sadd.s32 $0x1F400, s11  }
0x1a: {  	p1 =	sgt.s32 s15, $0x270FF  }
0x1b: {  	s15 =	smov.u32 @p1 s5;
	p1 =	sne.s32 s12, s9  }
.Ltmp1:
0x1c: {  	p0 =	slt.u32 s12, $0x2;
	(pc) =	sbr.rel @!p1 .LBB2_6-.Ltmp1, $4  }
0x1d: {  	s14 =	simm.s32 @!p0 $0x3  }
0x1e: {  	_ =	swait.ge @!p0 [sflag:s14], $0xFA0  }
0x1f: {  	s16 =	sadd.s32 $0x1, s12;
	s13 =	smov.u32 s11;
	[sflag:s14] =	ssyncset.done @!p0 $0x0  }
0x20: {  	s12 =	smov.u32 s16;
	s11 =	smov.u32 s15;
	[sflag:s14] =	ssyncadd.s32 @!p0 $0xFFFFF060  }
.LBB2_1:
0x21: {  	p0 =	sge.u32 s12, s7  }
0x22: {  	s14 =	sxor.u32 @!p0 $0x1, s12  }
0x23: {  	s14 =	smul.u32 @!p0 $0x3E80, s14  }
0x24: {  	s31 =	sadd.s32 $0xFFFFFFFF, s12;
	s15 =	sshrl.u32 @!p0 s11, $0x3  }
0x25: {  	s16 =	sand.u32 @!p0 $0x7, s11;
	s15 =	sadd.s32 @!p0 s3, s15;
	s14 =	sshra.s32 @!p0 s14, $0x2  }
0x26: {  	[tilespmem:s14], [sflag:$0x2] =	stream.linear.gather @!p0 [hbm4b:s15+s16], $0xFA0, $0x38;
	[tilespmem:$0x3E80] =	vst v63  }
0x27: {  	p0 =	sge.u32 s31, s7  }
.Ltmp2:
0x28: {  	_ = 	snop;
	(pc) =	sbr.rel @p0 .LBB2_5-.Ltmp2, $1  }
0x29: {  	_ =	sdelay $0x3  }
0x2a: {  	s14 =	sand.u32 $0x1, s12  }
0x2b: {  	_ =	swait.ge [sflag:s6], $0xFA0;
	p0 =	seq.s32 s14, $0x1;
	s14 =	simm.s32 $0xFA0  }
0x2c: {  	[sflag:s6] =	ssyncset.done $0x0;
	s14 =	simm.s32 @!p0 $0x0  }
0x2d: {  	[sflag:s6] =	ssyncadd.s32 $0xFFFFF060;
	(ifvalue) =	ssetifvalue $0x7FFFFFFF;
	v0 =	vld.msk [tilespmem:s14+$0x0 ss:$0x1], $0xffff;
	_ =	sdelay $0x4  }
0x2e: {  	s15 =	sadd.s32 $0x10, s14;
	vm1 =	vgt.s32 v0, $0x0  }
0x2f: {  	v2 =	vld.msk [tilespmem:s15+$0x0 ss:$0x1], $0xffff;
	v1 =	vnsel vm1, $0x0, v0  }
0x30: {  	v1 =	vmin.u32 v1, $0x270FF;
	_ =	sdelay $0x2  }
0x31: {  	s17 =	simm.s32 $0x20;
	s14 =	sadd.s32 $0x1F40, s14;
	s16 =	sadd.s32 $0x10, s15  }
0x32: {  	s15 =	sadd.s32 $0x10, s14;
	s18 =	smov.u32 s14;
	v0 =	vld.msk [tilespmem:s16+$0x0 ss:$0x1], $0xffff;
	vm1 =	vgt.s32 v2, $0x0;
	(ifvalue) =	ssetifvalue $0x7FFFFFFF  }
.LBB2_3:
0x33: {  	[tilespmem:s18], [sflag:$0x1] =	stream.indirect_vreg.gather [hbm4b:s2+s10], $0x1, v1, vm0, $0x4038;
	[tilespmem:$0x3E80] =	vst v63  }
0x34: {  	s17 =	sadd.s32 $0x10, s17  }
0x35: {  	v2 =	vnsel vm1, $0x0, v2;
	p0 =	slt.u32 s17, $0xF90  }
.Ltmp3:
0x36: {  	s18 =	smov.u32 s15;
	v1 =	vmin.u32 v2, $0x270FF;
	(pc) =	sbr.rel @p0 .LBB2_3-.Ltmp3, $3  }
0x37: {  	_ =	sdelay $0x1  }
0x38: {  	s16 =	sadd.s32 $0x10, s16  }
0x39: {  	vm1 =	vgt.s32 v0, $0x0;
	s15 =	sadd.s32 $0x10, s15;
	v2 =	vmov v0;
	(ifvalue) =	ssetifvalue $0x7FFFFFFF;
	v0 =	vld.msk [tilespmem:s16+$0x0 ss:$0x1], $0xffff  }
.Ltmp4:
0x3a: {  	_ = 	snop;
	(pc) =	sbr.rel .LBB2_4-.Ltmp4, $1  }
0x3b: {  	_ =	sdelay $0x3  }
.LBB2_6:
0x3c: {  	_ =	sfence.sel $0x180000  }
0x3d: {  	s2 =	simm.s32 $0x2;
	[bflag:$0x0] =	sbarrier.arrive $0xFFFF  }
0x3e: {  	s30 =	simm.s32 $0x3;
	[sflag:s2] =	ssyncpa.u1 $0x1  }
0x3f: {  	s31 =	simm.s32 $0x1;
	[sflag:s30] =	ssyncpa.u1 $0x1  }
0x40: {  	[sflag:s31] =	ssyncpa.u1 $0x1  }
0x41: {  	p0 =	sne.s32 s1, $0x0;
	_ =	strace $0x90000047  }
0x42: {  	s0 =	sadd.s32 @!p0 $0x100000, s0;
	[bflag:$0x2] =	sbarrier.arrive $0xFFFF  }
0x43: {  	[sflag:s0] =	ssyncadd.tile.s32 @!p0 $0x1;
	_ =	shalt  }
.Lfunc_end2:
_tile_overlayer_lowered:
.L_overlay_start_2:
0x44: {  	(tag) =	ssettag $0x2  }
0x45: {  	s0 =	rddreg [dreg:$0x0];
	s2 =	stileid.u32  }
0x46: {  	s1 =	rddreg [dreg:$0x1];
	p0 =	sne.s32 s2, $0x0  }
0x47: {  	s3 =	rddreg [dreg:$0x2];
	[bflag:$0x3] =	sbarrier.arrive $0xFFFF;
	s2 =	simm.s32 @!p0 $0x1C01  }
0x48: {  	[timem:s3], [sflag:s2] =	dma.local @!p0 [hbm:s0], s1  }
0x49: {  	s0 =	simm.s32 @!p0 $0x1  }
0x4a: {  	_ =	swait.ge @!p0 [sflag:s0], s1  }
0x4b: {  	s1 =	ssub.s32 @!p0 $0x0, s1;
	[sflag:s0] =	ssyncset.done @!p0 $0x0  }
0x4c: {  	[sflag:s0] =	ssyncadd.s32 @!p0 s1  }
0x4d: {  	[bflag:$0x3] =	sbarrier.arrive $0xFFFF  }
0x4e: {  	_ =	shalt  }

// kernel: gather_offload_async_start
scs
__scs_entry_jumppad:
0x0: {  	(pc) =	sbr.rel $0x88, $3  }
0x1: {  	(tag) =	ssettag $0x0;
	lr =	simm.s32 $0x1  }
0x2: {  	[smem:$0x3F92] =	sst lr;
	_ =	strace $0xD0000000  }
0x3: {  	_ = 	snop  }
0x4: {  	_ = 	snop  }
0x5: {  	_ = 	snop  }
0x6: {  	_ = 	snop  }
0x7: {  	_ = 	snop  }
__scs_overlays_trampoline_lowered:
0x8: {  	[smem:$0x3FA1] =	sst s0  }
0x9: {  	[smem:$0x3FA2] =	sst s1  }
0xa: {  	[smem:$0x3FA3] =	sst s2  }
0xb: {  	[smem:$0x3FA4] =	sst s3  }
0xc: {  	[smem:$0x3FA5] =	sst s4  }
0xd: {  	[smem:$0x3FA6] =	sst s5  }
0xe: {  	[smem:$0x3FA7] =	sst s6  }
0xf: {  	[smem:$0x3FA8] =	sst s7  }
0x10: {  	[smem:$0x3FA9] =	sst s8  }
0x11: {  	[smem:$0x3FAA] =	sst s9;
	s0 =	simm.s32 @!p0 $0x0  }
0x12: {  	s1 =	sld [smem:$0x3F90];
	s0 =	simm.s32 @p0 $0x1  }
0x13: {  	[smem:$0x3FAB] =	sst s0;
	s0 =	simm.s32 @!p1 $0x0  }
0x14: {  	s2 =	sld [smem:$0x3F8F];
	s0 =	simm.s32 @p1 $0x1  }
0x15: {  	[smem:$0x3FAC] =	sst s0;
	s0 =	simm.s32 @!p2 $0x0  }
0x16: {  	s3 =	sld [smem:$0x3FDB];
	s0 =	simm.s32 @p2 $0x1  }
0x17: {  	s4 =	simm.s32 $0x1BF5;
	[smem:$0x3FAE] =	sst s0  }
0x18: {  	s0 =	sld [smem:$0x3F91];
	_ =	swait.ge [sflag:s4], $0x0  }
0x19: {  	s7 =	sld [smem:$0x3F92]  }
0x1a: {  	s8 =	sadd.s32 $0xFFFFE003, lr  }
0x1b: {  	s9 =	sadd.s32 $0xFFFFFEF7, lr;
	s5 =	simm.s32 $0xFFFFFFFF;
	p2 =	slt.u32 s8, $0xFFFFF086  }
0x1c: {  	p1 =	slt.u32 s9, $0xF7A;
	s5 =	simm.s32 @!p2 $0x0  }
0x1d: {  	s5 =	simm.s32 @p1 $0x1;
	p0 =	seq.s32 s7, s2  }
0x1e: {  	s7 =	smul.u32 @!p0 $0xF7A, s2;
	p2 =	seq.s32 @!p0 s5, $0x0  }
0x1f: {  	s9 =	smul.u32 $0xF7A, s1;
	s8 =	simm.s32 @!p0 $0x1BF5;
	p2 =	por !p2, p0  }
0x20: {  	[sflag:s8] =	ssyncset.s32 @!p0 $0xFFFFF086;
	s6 =	sadd.s32 @!p0 s3, s7;
	s7 =	simm.s32 @!p0 $0x108  }
0x21: {  	s3 =	sadd.s32 s3, s9;
	s6 =	sadd.s32 @!p0 $0x88, s6;
	s7 =	simm.s32 @p2 $0x1082  }
0x22: {  	[simem:s7], [sflag:s8] =	dma.local @!p0 [hbm:s6], $0xF7A  }
0x23: {  	s9 =	sor.u32 $0xD0000000, s2;
	s6 =	simm.s32 $0x108;
	_ =	swait.ge @!p0 [sflag:s8], $0x0  }
0x24: {  	s3 =	sadd.s32 $0x88, s3;
	s6 =	simm.s32 @!p1 $0x1082;
	[sflag:s4] =	ssyncset.s32 $0xFFFFF086  }
0x25: {  	[simem:s6], [sflag:s4] =	dma.local [hbm:s3], $0xF7A  }
0x26: {  	[smem:$0x3F92] =	sst s1;
	(tag) =	ssettag s2;
	_ =	strace s9  }
0x27: {  	s1 =	sld [smem:$0x3FA2]  }
0x28: {  	s2 =	sld [smem:$0x3FA3]  }
0x29: {  	s4 =	sld [smem:$0x3FA5]  }
0x2a: {  	p0 =	seq.s32 s5, $0x0;
	s5 =	sld [smem:$0x3FA6]  }
0x2b: {  	s6 =	sld [smem:$0x3FA7]  }
0x2c: {  	s7 =	sld [smem:$0x3FA8]  }
0x2d: {  	s3 =	simm.s32 $0x108;
	s8 =	sld [smem:$0x3FA9]  }
0x2e: {  	s3 =	simm.s32 @!p0 $0x1082;
	s9 =	sld [smem:$0x3FAA]  }
0x2f: {  	lr =	sadd.s32 s0, s3;
	s0 =	sld [smem:$0x3FA1]  }
0x30: {  	s3 =	sld [smem:$0x3FA4]  }
0x31: {  	[smem:$0x3FAD] =	sst s10  }
0x32: {  	s10 =	sld [smem:$0x3FAB];
	_ =	sdelay $0x3  }
0x33: {  	p0 =	seq.s32 s10, $0x1;
	s10 =	sld [smem:$0x3FAD];
	_ =	sdelay $0x3  }
0x34: {  	[smem:$0x3FAD] =	sst s10  }
0x35: {  	s10 =	sld [smem:$0x3FAC];
	_ =	sdelay $0x3  }
0x36: {  	p1 =	seq.s32 s10, $0x1;
	s10 =	sld [smem:$0x3FAD];
	_ =	sdelay $0x3  }
0x37: {  	[smem:$0x3FAD] =	sst s10  }
0x38: {  	s10 =	sld [smem:$0x3FAE]  }
0x39: {  	_ = 	snop;
	(pc) =	sbr.ind lr, $3  }
0x3a: {  	_ = 	snop  }
0x3b: {  	_ = 	snop  }
0x3c: {  	p2 =	seq.s32 s10, $0x1;
	s10 =	sld [smem:$0x3FAD]  }
0x3d: {  	_ =	shalt  }
0x3e: {  	_ =	shalt  }
0x3f: {  	_ =	shalt  }
0x40: {  	_ =	shalt  }
0x41: {  	_ =	shalt  }
0x42: {  	_ =	shalt  }
0x43: {  	_ =	shalt  }
0x44: {  	_ =	shalt  }
0x45: {  	_ =	shalt  }
0x46: {  	_ =	shalt  }
0x47: {  	_ =	shalt  }
0x48: {  	_ =	shalt  }
0x49: {  	_ =	shalt  }
0x4a: {  	_ =	shalt  }
0x4b: {  	_ =	shalt  }
0x4c: {  	_ =	shalt  }
0x4d: {  	_ =	shalt  }
0x4e: {  	_ =	shalt  }
0x4f: {  	_ =	shalt  }
0x50: {  	_ =	shalt  }
0x51: {  	_ =	shalt  }
0x52: {  	_ =	shalt  }
0x53: {  	_ =	shalt  }
0x54: {  	_ =	shalt  }
0x55: {  	_ =	shalt  }
0x56: {  	_ =	shalt  }
0x57: {  	_ =	shalt  }
0x58: {  	_ =	shalt  }
0x59: {  	_ =	shalt  }
0x5a: {  	_ =	shalt  }
0x5b: {  	_ =	shalt  }
0x5c: {  	_ =	shalt  }
0x5d: {  	_ =	shalt  }
0x5e: {  	_ =	shalt  }
0x5f: {  	_ =	shalt  }
0x60: {  	_ =	shalt  }
0x61: {  	_ =	shalt  }
0x62: {  	_ =	shalt  }
0x63: {  	_ =	shalt  }
0x64: {  	_ =	shalt  }
0x65: {  	_ =	shalt  }
0x66: {  	_ =	shalt  }
0x67: {  	_ =	shalt  }
0x68: {  	_ =	shalt  }
0x69: {  	_ =	shalt  }
0x6a: {  	_ =	shalt  }
0x6b: {  	_ =	shalt  }
0x6c: {  	_ =	shalt  }
0x6d: {  	_ =	shalt  }
0x6e: {  	_ =	shalt  }
0x6f: {  	_ =	shalt  }
0x70: {  	_ =	shalt  }
0x71: {  	_ =	shalt  }
0x72: {  	_ =	shalt  }
0x73: {  	_ =	shalt  }
0x74: {  	_ =	shalt  }
0x75: {  	_ =	shalt  }
0x76: {  	_ =	shalt  }
0x77: {  	_ =	shalt  }
0x78: {  	_ =	shalt  }
0x79: {  	_ =	shalt  }
0x7a: {  	_ =	shalt  }
0x7b: {  	_ =	shalt  }
0x7c: {  	_ =	shalt  }
0x7d: {  	_ =	shalt  }
0x7e: {  	_ =	shalt  }
0x7f: {  	_ =	shalt  }
0x80: {  	_ =	shalt  }
0x81: {  	_ =	shalt  }
0x82: {  	_ =	shalt  }
0x83: {  	_ =	shalt  }
0x84: {  	_ =	shalt  }
0x85: {  	_ =	shalt  }
0x86: {  	_ =	shalt  }
0x87: {  	_ =	shalt  }
.Lfunc_end0:
.L_simem_size_0:
called_computation_lowered:
.L_overlay_start_0:
0x88: {  	s2 =	sld [smem:$0x3FD9]  }
0x89: {  	s3 =	sld [smem:$0x3FFE];
	_ =	sdelay $0x1  }
0x8a: {  	s1 =	srdreg.scid  }
0x8b: {  	s0 =	sand.u32 $0x1, s1  }
0x8c: {  	s17 =	sshll.u32 s0, $0xA;
	s2 =	sadd.s32 s3, s2  }
0x8d: {  	s2 =	sadd.s32 s2, s17  }
0x8e: {  	[smem:$0x3FB9] =	sst s2  }
0x8f: {  	_ = 	snop  }
0x90: {  	(tm) =	ssettm $0x1  }
0x91: {  	s18 =	sld [smem:$0x3FFB];
	_ =	sdelay $0x3  }
0x92: {  	_ =	strace s18  }
0x93: {  	s2 =	sld [smem:$0x3FFC];
	_ =	sdelay $0x3  }
0x94: {  	_ =	strace s2  }
0x95: {  	s2 =	sld [smem:$0x3FFD];
	_ =	sdelay $0x3  }
0x96: {  	_ =	strace s2  }
0x97: {  	_ =	strace $0x8FFFFFFF  }
0x98: {  	s19 =	sld [smem:$0x3FDB];
	_ =	sdelay $0x1  }
0x99: {  	s20 =	simm.s32 $_scs_section_size  }
0x9a: {  	s4 =	simm.s32 $_size__tile_overlayer_lowered;
	s5 =	simm.s32 $_tile_overlayer_lowered  }
0x9b: {  	s6 =	simm.s32 $0x1BFF;
	s21 =	sshll.u32 s5, $0x1;
	s3 =	sadd.s32 s20, s19  }
0x9c: {  	s22 =	simm.s32 $0x0;
	s4 =	sshll.u32 s4, $0x1;
	s5 =	sadd.s32 s21, s3  }
0x9d: {  	[timem:s22], [sflag:s6] =	dma.local [hbm:s5], s4  }
0x9e: {  	_ =	swait.ge [sflag:s6], s4  }
0x9f: {  	s4 =	ssub.s32 $0x0, s4;
	[sflag:s6] =	ssyncset.done $0x0  }
0xa0: {  	[sflag:s6] =	ssyncadd.s32 s4;
	_ =	sdelay $0x1  }
0xa1: {  	s23 =	simm.s32 $0x1B8B  }
0xa2: {  	_ =	swait.ge [sflag:s23], $0x1  }
0xa3: {  	[sflag:s23] =	ssyncset.done $0x0  }
0xa4: {  	[sflag:s23] =	ssyncadd.s32 $0xFFFFFFFF  }
0xa5: {  	s4 =	sld [smem:$0x0]  }
0xa6: {  	s5 =	sand.u32 $0xFFFFFFFE, s1  }
0xa7: {  	p0 =	sne.s32 s1, s5  }
0xa8: {  	s5 =	sshll.u32 @p0 s5, $0xE  }
0xa9: {  	s5 =	sadd.s32 @p0 $0x11B8D, s5;
	s6 =	sshll.u32 @p0 s4, $0x11  }
0xaa: {  	s5 =	sor.u32 @p0 s6, s5  }
0xab: {  	[sflag:s5] =	ssyncadd.remote.s32 @p0 $0x1;
	_ =	sdelay $0x1  }
0xac: {  	s5 =	simm.s32 @p0 $0x1B8D  }
0xad: {  	_ =	swait.eq @p0 [sflag:s5], $0x1  }
0xae: {  	[sflag:s5] =	ssyncadd.s32 @p0 $0xFFFFFFFF  }
0xaf: {  	s6 =	sshll.u32 @!p0 s1, $0xE  }
0xb0: {  	s6 =	sor.u32 @!p0 $0x4000, s6;
	s5 =	simm.s32 @!p0 $0x1B8D  }
0xb1: {  	s4 =	sshll.u32 @!p0 s4, $0x11;
	s6 =	sadd.s32 @!p0 $0x11B8D, s6;
	_ =	swait.eq @!p0 [sflag:s5], $0x1  }
0xb2: {  	s4 =	sor.u32 @!p0 s4, s6;
	[sflag:s5] =	ssyncadd.s32 @!p0 $0xFFFFFFFF  }
0xb3: {  	s25 =	simm.s32 $0x1B8E;
	s24 =	sld [smem:$0x3FFE];
	[sflag:s4] =	ssyncadd.remote.s32 @!p0 $0x1  }
0xb4: {  	s26 =	simm.s32 $execute0_lowered;
	[smem:$0x3FD2] =	sst s25  }
0xb5: {  	s5 =	sshll.u32 s26, $0x1;
	_ =	strace $0x80000049;
	[dreg:$0x1] =	wrdreg $0xFFFFFFFF  }
0xb6: {  	s28 =	simm.s32 $_size_execute0_lowered;
	s3 =	sadd.s32 s3, s5;
	[dreg:$0x0] =	wrdreg $0x0  }
0xb7: {  	s5 =	sshll.u32 s28, $0x1;
	[dreg:$0x2] =	wrdreg s3  }
0xb8: {  	[dreg:$0x3] =	wrdreg s5  }
0xb9: {  	[dreg:$0x4] =	wrdreg $0xC0  }
0xba: {  	_ =	task [dreg:s22], $0x5FFFF  }
0xbb: {  	[dreg:$0x1] =	wrdreg $0xFFFFFFFF  }
0xbc: {  	[dreg:$0x0] =	wrdreg $0x60  }
0xbd: {  	[dreg:$0x2] =	wrdreg s24  }
0xbe: {  	[dreg:$0x3] =	wrdreg $0x9  }
0xbf: {  	_ =	task.clear_ibuf [dreg:s22], $0x4FFFF;
	_ =	strace $0x90000049  }
0xc0: {  	s29 =	simm.s32 $0x9;
	_ =	strace $0x8000004B  }
0xc1: {  	_ =	swait.ge [sflag:s29], $0x1  }
0xc2: {  	[sflag:s29] =	ssyncadd.s32 $0xFFFFFFFF  }
0xc3: {  	_ =	strace $0x9000004B  }
0xc4: {  	_ =	sfence  }
0xc5: {  	s30 =	sld [smem:$0x0];
	_ =	sdelay $0x2  }
0xc6: {  	s31 =	sshll.u32 s1, $0xD;
	s1 =	sshrl.u32 s1, $0x2  }
0xc7: {  	s4 =	sand.u32 $0x4000, s31;
	s1 =	sadd.s32 s1, s30  }
0xc8: {  	s0 =	sor.u32 s4, s0;
	s1 =	sshll.u32 s1, $0x11  }
0xc9: {  	s0 =	sor.u32 s1, s0  }
0xca: {  	s0 =	sadd.s32 $0x8F2B, s0  }
0xcb: {  	[sflag:s0] =	ssyncadd.remote.s32 $0x1  }
0xcc: {  	_ =	sfence.sel $0xFFFF  }
0xcd: {  	[dreg:$0x0] =	wrdreg $0xFFFFFFFF;
	(pc) =	sbr.abs _section_cstart, $3  }
0xce: {  	[dreg:$0x1] =	wrdreg $0xFFFFFFFF  }
0xcf: {  	_ =	task.clear_ibuf [dreg:s22], $0x2FFFF;
	_ =	strace $0x9FFFFFFF  }
0xd0: {  	(tm) =	ssettm $0x7FFFFFFF  }
0xd1: {  	_ =	shalt  }
tec
execute0_lowered:
.L_overlay_start_1:
0x0: {  	(tag) =	ssettag $0x1  }
0x1: {  	s8 =	rddreg [dreg:$0x0]  }
0x2: {  	s0 =	rddreg [dreg:$0x1];
	_ =	strace $0x8000004A;
	s1 =	stileid.u32  }
0x3: {  	s3 =	srdreg.scid;
	s4 =	simm.s32 $0x1;
	s7 =	simm.s32 $0x1  }
0x4: {  	s9 =	simm.s32 $0x1;
	s10 =	simm.s32 $0x3;
	s13 =	simm.s32 $0x0  }
0x5: {  	s12 =	simm.s32 $0x0;
	s5 =	sand.u32 $0x1, s3;
	s6 =	sshll.u32 s1, $0x1  }
0x6: {  	s2 =	sadd.s32 $0x3000, s8;
	s3 =	sadd.s32 $0xD000, s8;
	s5 =	sor.u32 s6, s5  }
.Ltmp0:
0x7: {  	[sflag:s4] =	ssyncpa.u1 $0x0;
	p0 =	slt.u32 s5, $0x9;
	(pc) =	sbr.rel .LBB2_1-.Ltmp0, $4  }
0x8: {  	s6 =	simm.s32 $0x2;
	s7 =	simm.s32 @!p0 $0x0;
	p0 =	sne.s32 s5, $0x8  }
0x9: {  	[sflag:s6] =	ssyncpa.u1 $0x0;
	s5 =	smul.u32 $0xFA0, s5;
	s9 =	simm.s32 @!p0 $0x0  }
0xa: {  	s8 =	sadd.s32 $0x65200, s8;
	[sflag:s10] =	ssyncpa.u1 $0x0;
	s7 =	sadd.s32 s9, s7  }
0xb: {  	vm0 =	vmmov $0xffff;
	s10 =	simm.s32 $0x0;
	s11 =	smov.u32 s5;
	s9 =	sadd.s32 $0x1, s7  }
.LBB2_4:
0xc: {  	v2 =	vnsel vm1, $0x0, v2  }
0xd: {  	vm1 =	vgt.s32 v0, $0x0;
	v2 =	vmin.u32 v2, $0x270FF  }
0xe: {  	v0 =	vnsel vm1, $0x0, v0  }
0xf: {  	v0 =	vmin.u32 v0, $0x270FF  }
0x10: {  	[tilespmem:s18], [sflag:$0x1] =	stream.indirect_vreg.gather [hbm4b:s2+s10], $0x1, v1, vm0, $0x4038;
	[tilespmem:$0x3E80] =	vst v63  }
0x11: {  	(ifvalue) =	ssetifvalue $0x7FFFFFFF  }
0x12: {  	[tilespmem:s15], [sflag:$0x1] =	stream.indirect_vreg.gather [hbm4b:s2+s10], $0x1, v2, vm0, $0x4038;
	[tilespmem:$0x3E80] =	vst v63  }
0x13: {  	s29 =	sadd.s32 $0x10, s15;
	(ifvalue) =	ssetifvalue $0x7FFFFFFF  }
0x14: {  	[tilespmem:s29], [sflag:$0x1] =	stream.indirect_vreg.gather [hbm4b:s2+s10], $0x1, v0, vm0, $0x4038;
	[tilespmem:$0x3E80] =	vst v63  }
0x15: {  	_ =	swait.ge [sflag:s4], $0xFA0  }
0x16: {  	s30 =	sshrl.u32 s13, $0x3;
	[sflag:s4] =	ssyncset.done $0x0  }
0x17: {  	s31 =	sand.u32 $0x7, s13;
	s15 =	sadd.s32 s8, s30;
	[sflag:s4] =	ssyncadd.s32 $0xFFFFF060  }
0x18: {  	[hbm4b:s15+s31] =	stream.linear.scatter [tilespmem:s14], [sflag:$0x3], $0xFA0, $0x38;
	[tilespmem:$0x3E80] =	vst v63  }
.LBB2_5:
0x19: {  	s15 =	sadd.s32 $0x1F400, s11  }
0x1a: {  	p1 =	sgt.s32 s15, $0x270FF  }
0x1b: {  	s15 =	smov.u32 @p1 s5;
	p1 =	sne.s32 s12, s9  }
.Ltmp1:
0x1c: {  	p0 =	slt.u32 s12, $0x2;
	(pc) =	sbr.rel @!p1 .LBB2_6-.Ltmp1, $4  }
0x1d: {  	s14 =	simm.s32 @!p0 $0x3  }
0x1e: {  	_ =	swait.ge @!p0 [sflag:s14], $0xFA0  }
0x1f: {  	s16 =	sadd.s32 $0x1, s12;
	s13 =	smov.u32 s11;
	[sflag:s14] =	ssyncset.done @!p0 $0x0  }
0x20: {  	s12 =	smov.u32 s16;
	s11 =	smov.u32 s15;
	[sflag:s14] =	ssyncadd.s32 @!p0 $0xFFFFF060  }
.LBB2_1:
0x21: {  	p0 =	sge.u32 s12, s7  }
0x22: {  	s14 =	sxor.u32 @!p0 $0x1, s12  }
0x23: {  	s14 =	smul.u32 @!p0 $0x3E80, s14  }
0x24: {  	s31 =	sadd.s32 $0xFFFFFFFF, s12;
	s15 =	sshrl.u32 @!p0 s11, $0x3  }
0x25: {  	s16 =	sand.u32 @!p0 $0x7, s11;
	s15 =	sadd.s32 @!p0 s3, s15;
	s14 =	sshra.s32 @!p0 s14, $0x2  }
0x26: {  	[tilespmem:s14], [sflag:$0x2] =	stream.linear.gather @!p0 [hbm4b:s15+s16], $0xFA0, $0x38;
	[tilespmem:$0x3E80] =	vst v63  }
0x27: {  	p0 =	sge.u32 s31, s7  }
.Ltmp2:
0x28: {  	_ = 	snop;
	(pc) =	sbr.rel @p0 .LBB2_5-.Ltmp2, $1  }
0x29: {  	_ =	sdelay $0x3  }
0x2a: {  	s14 =	sand.u32 $0x1, s12  }
0x2b: {  	_ =	swait.ge [sflag:s6], $0xFA0;
	p0 =	seq.s32 s14, $0x1;
	s14 =	simm.s32 $0xFA0  }
0x2c: {  	[sflag:s6] =	ssyncset.done $0x0;
	s14 =	simm.s32 @!p0 $0x0  }
0x2d: {  	[sflag:s6] =	ssyncadd.s32 $0xFFFFF060;
	(ifvalue) =	ssetifvalue $0x7FFFFFFF;
	v0 =	vld.msk [tilespmem:s14+$0x0 ss:$0x1], $0xffff;
	_ =	sdelay $0x4  }
0x2e: {  	s15 =	sadd.s32 $0x10, s14;
	vm1 =	vgt.s32 v0, $0x0  }
0x2f: {  	v2 =	vld.msk [tilespmem:s15+$0x0 ss:$0x1], $0xffff;
	v1 =	vnsel vm1, $0x0, v0  }
0x30: {  	v1 =	vmin.u32 v1, $0x270FF;
	_ =	sdelay $0x2  }
0x31: {  	s17 =	simm.s32 $0x20;
	s14 =	sadd.s32 $0x1F40, s14;
	s16 =	sadd.s32 $0x10, s15  }
0x32: {  	s15 =	sadd.s32 $0x10, s14;
	s18 =	smov.u32 s14;
	v0 =	vld.msk [tilespmem:s16+$0x0 ss:$0x1], $0xffff;
	vm1 =	vgt.s32 v2, $0x0;
	(ifvalue) =	ssetifvalue $0x7FFFFFFF  }
.LBB2_3:
0x33: {  	[tilespmem:s18], [sflag:$0x1] =	stream.indirect_vreg.gather [hbm4b:s2+s10], $0x1, v1, vm0, $0x4038;
	[tilespmem:$0x3E80] =	vst v63  }
0x34: {  	s17 =	sadd.s32 $0x10, s17  }
0x35: {  	v2 =	vnsel vm1, $0x0, v2;
	p0 =	slt.u32 s17, $0xF90  }
.Ltmp3:
0x36: {  	s18 =	smov.u32 s15;
	v1 =	vmin.u32 v2, $0x270FF;
	(pc) =	sbr.rel @p0 .LBB2_3-.Ltmp3, $3  }
0x37: {  	_ =	sdelay $0x1  }
0x38: {  	s16 =	sadd.s32 $0x10, s16  }
0x39: {  	vm1 =	vgt.s32 v0, $0x0;
	s15 =	sadd.s32 $0x10, s15;
	v2 =	vmov v0;
	(ifvalue) =	ssetifvalue $0x7FFFFFFF;
	v0 =	vld.msk [tilespmem:s16+$0x0 ss:$0x1], $0xffff  }
.Ltmp4:
0x3a: {  	_ = 	snop;
	(pc) =	sbr.rel .LBB2_4-.Ltmp4, $1  }
0x3b: {  	_ =	sdelay $0x3  }
.LBB2_6:
0x3c: {  	_ =	sfence.sel $0x180000  }
0x3d: {  	s2 =	simm.s32 $0x2;
	[bflag:$0x0] =	sbarrier.arrive $0xFFFF  }
0x3e: {  	s30 =	simm.s32 $0x3;
	[sflag:s2] =	ssyncpa.u1 $0x1  }
0x3f: {  	s31 =	simm.s32 $0x1;
	[sflag:s30] =	ssyncpa.u1 $0x1  }
0x40: {  	[sflag:s31] =	ssyncpa.u1 $0x1  }
0x41: {  	p0 =	sne.s32 s1, $0x0;
	_ =	strace $0x9000004A  }
0x42: {  	s0 =	sadd.s32 @!p0 $0x100000, s0;
	[bflag:$0x2] =	sbarrier.arrive $0xFFFF  }
0x43: {  	[sflag:s0] =	ssyncadd.tile.s32 @!p0 $0x1;
	_ =	shalt  }
.Lfunc_end2:
_tile_overlayer_lowered:
.L_overlay_start_2:
0x44: {  	(tag) =	ssettag $0x2  }
0x45: {  	s0 =	rddreg [dreg:$0x0];
	s2 =	stileid.u32  }
0x46: {  	s1 =	rddreg [dreg:$0x1];
	p0 =	sne.s32 s2, $0x0  }
0x47: {  	s3 =	rddreg [dreg:$0x2];
	[bflag:$0x3] =	sbarrier.arrive $0xFFFF;
	s2 =	simm.s32 @!p0 $0x1C01  }
0x48: {  	[timem:s3], [sflag:s2] =	dma.local @!p0 [hbm:s0], s1  }
0x49: {  	s0 =	simm.s32 @!p0 $0x1  }
0x4a: {  	_ =	swait.ge @!p0 [sflag:s0], s1  }
0x4b: {  	s1 =	ssub.s32 @!p0 $0x0, s1;
	[sflag:s0] =	ssyncset.done @!p0 $0x0  }
0x4c: {  	[sflag:s0] =	ssyncadd.s32 @!p0 s1  }
0x4d: {  	[bflag:$0x3] =	sbarrier.arrive $0xFFFF  }
0x4e: {  	_ =	shalt  }

// kernel: kernel.11.cloned.1.call-start
scs
__scs_entry_jumppad:
0x0: {  	(pc) =	sbr.rel $0x88, $3  }
0x1: {  	(tag) =	ssettag $0x0;
	lr =	simm.s32 $0x1  }
0x2: {  	[smem:$0x3F92] =	sst lr;
	_ =	strace $0xD0000000  }
0x3: {  	_ = 	snop  }
0x4: {  	_ = 	snop  }
0x5: {  	_ = 	snop  }
0x6: {  	_ = 	snop  }
0x7: {  	_ = 	snop  }
__scs_overlays_trampoline_lowered:
0x8: {  	[smem:$0x3FA1] =	sst s0  }
0x9: {  	[smem:$0x3FA2] =	sst s1  }
0xa: {  	[smem:$0x3FA3] =	sst s2  }
0xb: {  	[smem:$0x3FA4] =	sst s3  }
0xc: {  	[smem:$0x3FA5] =	sst s4  }
0xd: {  	[smem:$0x3FA6] =	sst s5  }
0xe: {  	[smem:$0x3FA7] =	sst s6  }
0xf: {  	[smem:$0x3FA8] =	sst s7  }
0x10: {  	[smem:$0x3FA9] =	sst s8  }
0x11: {  	[smem:$0x3FAA] =	sst s9;
	s0 =	simm.s32 @!p0 $0x0  }
0x12: {  	s1 =	sld [smem:$0x3F90];
	s0 =	simm.s32 @p0 $0x1  }
0x13: {  	[smem:$0x3FAB] =	sst s0;
	s0 =	simm.s32 @!p1 $0x0  }
0x14: {  	s2 =	sld [smem:$0x3F8F];
	s0 =	simm.s32 @p1 $0x1  }
0x15: {  	[smem:$0x3FAC] =	sst s0;
	s0 =	simm.s32 @!p2 $0x0  }
0x16: {  	s3 =	sld [smem:$0x3FDB];
	s0 =	simm.s32 @p2 $0x1  }
0x17: {  	s4 =	simm.s32 $0x1BF5;
	[smem:$0x3FAE] =	sst s0  }
0x18: {  	s0 =	sld [smem:$0x3F91];
	_ =	swait.ge [sflag:s4], $0x0  }
0x19: {  	s7 =	sld [smem:$0x3F92]  }
0x1a: {  	s8 =	sadd.s32 $0xFFFFE003, lr  }
0x1b: {  	s9 =	sadd.s32 $0xFFFFFEF7, lr;
	s5 =	simm.s32 $0xFFFFFFFF;
	p2 =	slt.u32 s8, $0xFFFFF086  }
0x1c: {  	p1 =	slt.u32 s9, $0xF7A;
	s5 =	simm.s32 @!p2 $0x0  }
0x1d: {  	s5 =	simm.s32 @p1 $0x1;
	p0 =	seq.s32 s7, s2  }
0x1e: {  	s7 =	smul.u32 @!p0 $0xF7A, s2;
	p2 =	seq.s32 @!p0 s5, $0x0  }
0x1f: {  	s9 =	smul.u32 $0xF7A, s1;
	s8 =	simm.s32 @!p0 $0x1BF5;
	p2 =	por !p2, p0  }
0x20: {  	[sflag:s8] =	ssyncset.s32 @!p0 $0xFFFFF086;
	s6 =	sadd.s32 @!p0 s3, s7;
	s7 =	simm.s32 @!p0 $0x108  }
0x21: {  	s3 =	sadd.s32 s3, s9;
	s6 =	sadd.s32 @!p0 $0x88, s6;
	s7 =	simm.s32 @p2 $0x1082  }
0x22: {  	[simem:s7], [sflag:s8] =	dma.local @!p0 [hbm:s6], $0xF7A  }
0x23: {  	s9 =	sor.u32 $0xD0000000, s2;
	s6 =	simm.s32 $0x108;
	_ =	swait.ge @!p0 [sflag:s8], $0x0  }
0x24: {  	s3 =	sadd.s32 $0x88, s3;
	s6 =	simm.s32 @!p1 $0x1082;
	[sflag:s4] =	ssyncset.s32 $0xFFFFF086  }
0x25: {  	[simem:s6], [sflag:s4] =	dma.local [hbm:s3], $0xF7A  }
0x26: {  	[smem:$0x3F92] =	sst s1;
	(tag) =	ssettag s2;
	_ =	strace s9  }
0x27: {  	s1 =	sld [smem:$0x3FA2]  }
0x28: {  	s2 =	sld [smem:$0x3FA3]  }
0x29: {  	s4 =	sld [smem:$0x3FA5]  }
0x2a: {  	p0 =	seq.s32 s5, $0x0;
	s5 =	sld [smem:$0x3FA6]  }
0x2b: {  	s6 =	sld [smem:$0x3FA7]  }
0x2c: {  	s7 =	sld [smem:$0x3FA8]  }
0x2d: {  	s3 =	simm.s32 $0x108;
	s8 =	sld [smem:$0x3FA9]  }
0x2e: {  	s3 =	simm.s32 @!p0 $0x1082;
	s9 =	sld [smem:$0x3FAA]  }
0x2f: {  	lr =	sadd.s32 s0, s3;
	s0 =	sld [smem:$0x3FA1]  }
0x30: {  	s3 =	sld [smem:$0x3FA4]  }
0x31: {  	[smem:$0x3FAD] =	sst s10  }
0x32: {  	s10 =	sld [smem:$0x3FAB];
	_ =	sdelay $0x3  }
0x33: {  	p0 =	seq.s32 s10, $0x1;
	s10 =	sld [smem:$0x3FAD];
	_ =	sdelay $0x3  }
0x34: {  	[smem:$0x3FAD] =	sst s10  }
0x35: {  	s10 =	sld [smem:$0x3FAC];
	_ =	sdelay $0x3  }
0x36: {  	p1 =	seq.s32 s10, $0x1;
	s10 =	sld [smem:$0x3FAD];
	_ =	sdelay $0x3  }
0x37: {  	[smem:$0x3FAD] =	sst s10  }
0x38: {  	s10 =	sld [smem:$0x3FAE]  }
0x39: {  	_ = 	snop;
	(pc) =	sbr.ind lr, $3  }
0x3a: {  	_ = 	snop  }
0x3b: {  	_ = 	snop  }
0x3c: {  	p2 =	seq.s32 s10, $0x1;
	s10 =	sld [smem:$0x3FAD]  }
0x3d: {  	_ =	shalt  }
0x3e: {  	_ =	shalt  }
0x3f: {  	_ =	shalt  }
0x40: {  	_ =	shalt  }
0x41: {  	_ =	shalt  }
0x42: {  	_ =	shalt  }
0x43: {  	_ =	shalt  }
0x44: {  	_ =	shalt  }
0x45: {  	_ =	shalt  }
0x46: {  	_ =	shalt  }
0x47: {  	_ =	shalt  }
0x48: {  	_ =	shalt  }
0x49: {  	_ =	shalt  }
0x4a: {  	_ =	shalt  }
0x4b: {  	_ =	shalt  }
0x4c: {  	_ =	shalt  }
0x4d: {  	_ =	shalt  }
0x4e: {  	_ =	shalt  }
0x4f: {  	_ =	shalt  }
0x50: {  	_ =	shalt  }
0x51: {  	_ =	shalt  }
0x52: {  	_ =	shalt  }
0x53: {  	_ =	shalt  }
0x54: {  	_ =	shalt  }
0x55: {  	_ =	shalt  }
0x56: {  	_ =	shalt  }
0x57: {  	_ =	shalt  }
0x58: {  	_ =	shalt  }
0x59: {  	_ =	shalt  }
0x5a: {  	_ =	shalt  }
0x5b: {  	_ =	shalt  }
0x5c: {  	_ =	shalt  }
0x5d: {  	_ =	shalt  }
0x5e: {  	_ =	shalt  }
0x5f: {  	_ =	shalt  }
0x60: {  	_ =	shalt  }
0x61: {  	_ =	shalt  }
0x62: {  	_ =	shalt  }
0x63: {  	_ =	shalt  }
0x64: {  	_ =	shalt  }
0x65: {  	_ =	shalt  }
0x66: {  	_ =	shalt  }
0x67: {  	_ =	shalt  }
0x68: {  	_ =	shalt  }
0x69: {  	_ =	shalt  }
0x6a: {  	_ =	shalt  }
0x6b: {  	_ =	shalt  }
0x6c: {  	_ =	shalt  }
0x6d: {  	_ =	shalt  }
0x6e: {  	_ =	shalt  }
0x6f: {  	_ =	shalt  }
0x70: {  	_ =	shalt  }
0x71: {  	_ =	shalt  }
0x72: {  	_ =	shalt  }
0x73: {  	_ =	shalt  }
0x74: {  	_ =	shalt  }
0x75: {  	_ =	shalt  }
0x76: {  	_ =	shalt  }
0x77: {  	_ =	shalt  }
0x78: {  	_ =	shalt  }
0x79: {  	_ =	shalt  }
0x7a: {  	_ =	shalt  }
0x7b: {  	_ =	shalt  }
0x7c: {  	_ =	shalt  }
0x7d: {  	_ =	shalt  }
0x7e: {  	_ =	shalt  }
0x7f: {  	_ =	shalt  }
0x80: {  	_ =	shalt  }
0x81: {  	_ =	shalt  }
0x82: {  	_ =	shalt  }
0x83: {  	_ =	shalt  }
0x84: {  	_ =	shalt  }
0x85: {  	_ =	shalt  }
0x86: {  	_ =	shalt  }
0x87: {  	_ =	shalt  }
.Lfunc_end0:
.L_simem_size_0:
called_computation.2_lowered:
.L_overlay_start_0:
0x88: {  	s2 =	sld [smem:$0x3FD9]  }
0x89: {  	s3 =	sld [smem:$0x3FFE];
	_ =	sdelay $0x1  }
0x8a: {  	s1 =	srdreg.scid  }
0x8b: {  	s0 =	sand.u32 $0x1, s1  }
0x8c: {  	s16 =	sshll.u32 s0, $0xA;
	s2 =	sadd.s32 s3, s2  }
0x8d: {  	s2 =	sadd.s32 s2, s16  }
0x8e: {  	[smem:$0x3FB9] =	sst s2  }
0x8f: {  	_ = 	snop  }
0x90: {  	(tm) =	ssettm $0x1  }
0x91: {  	s17 =	sld [smem:$0x3FFB];
	_ =	sdelay $0x3  }
0x92: {  	_ =	strace s17  }
0x93: {  	s2 =	sld [smem:$0x3FFC];
	_ =	sdelay $0x3  }
0x94: {  	_ =	strace s2  }
0x95: {  	s2 =	sld [smem:$0x3FFD];
	_ =	sdelay $0x3  }
0x96: {  	_ =	strace s2  }
0x97: {  	_ =	strace $0x8FFFFFFF  }
0x98: {  	s18 =	sld [smem:$0x3FDB];
	_ =	sdelay $0x1  }
0x99: {  	s19 =	simm.s32 $_scs_section_size  }
0x9a: {  	s4 =	simm.s32 $_size__tile_overlayer_lowered;
	s5 =	simm.s32 $_tile_overlayer_lowered  }
0x9b: {  	s22 =	simm.s32 $0x1BFF;
	s21 =	sshll.u32 s5, $0x1;
	s2 =	sadd.s32 s19, s18  }
0x9c: {  	s6 =	simm.s32 $0x0;
	s20 =	sshll.u32 s4, $0x1;
	s4 =	sadd.s32 s21, s2  }
0x9d: {  	[timem:s6], [sflag:s22] =	dma.local [hbm:s4], s20  }
0x9e: {  	_ =	swait.ge [sflag:s22], s20  }
0x9f: {  	s3 =	ssub.s32 $0x0, s20;
	[sflag:s22] =	ssyncset.done $0x0  }
0xa0: {  	[sflag:s22] =	ssyncadd.s32 s3;
	_ =	sdelay $0x1  }
0xa1: {  	s23 =	simm.s32 $0x1B8B  }
0xa2: {  	_ =	swait.ge [sflag:s23], $0x1  }
0xa3: {  	[sflag:s23] =	ssyncset.done $0x0  }
0xa4: {  	s25 =	simm.s32 $0x1B8E;
	s24 =	sld [smem:$0x3FFE];
	[sflag:s23] =	ssyncadd.s32 $0xFFFFFFFF  }
0xa5: {  	s26 =	simm.s32 $execute0_lowered;
	[smem:$0x3FD2] =	sst s25  }
0xa6: {  	s4 =	sshll.u32 s26, $0x1;
	_ =	strace $0x8000004C;
	[dreg:$0x1] =	wrdreg $0xFFFFFFFF  }
0xa7: {  	s28 =	simm.s32 $_size_execute0_lowered;
	s2 =	sadd.s32 s2, s4;
	[dreg:$0x0] =	wrdreg $0x0  }
0xa8: {  	s4 =	sshll.u32 s28, $0x1;
	[dreg:$0x2] =	wrdreg s2  }
0xa9: {  	[dreg:$0x3] =	wrdreg s4  }
0xaa: {  	[dreg:$0x4] =	wrdreg $0xC0  }
0xab: {  	_ =	task [dreg:s6], $0x5FFFF  }
0xac: {  	[dreg:$0x1] =	wrdreg $0xFFFFFFFF  }
0xad: {  	[dreg:$0x0] =	wrdreg $0x60  }
0xae: {  	[dreg:$0x2] =	wrdreg s24  }
0xaf: {  	[dreg:$0x3] =	wrdreg $0x41000  }
0xb0: {  	[dreg:$0x4] =	wrdreg $0x9  }
0xb1: {  	_ =	task.clear_ibuf [dreg:s6], $0x5FFFF;
	_ =	strace $0x9000004C  }
0xb2: {  	s29 =	simm.s32 $0x9;
	_ =	strace $0x8000004E  }
0xb3: {  	_ =	swait.ge [sflag:s29], $0x1  }
0xb4: {  	[sflag:s29] =	ssyncadd.s32 $0xFFFFFFFF  }
0xb5: {  	_ =	strace $0x9000004E  }
0xb6: {  	_ =	sfence  }
0xb7: {  	s30 =	sld [smem:$0x0];
	_ =	sdelay $0x2  }
0xb8: {  	s31 =	sshll.u32 s1, $0xD;
	s1 =	sshrl.u32 s1, $0x2  }
0xb9: {  	s3 =	sand.u32 $0x4000, s31;
	s1 =	sadd.s32 s1, s30  }
0xba: {  	s0 =	sor.u32 s3, s0;
	s1 =	sshll.u32 s1, $0x11  }
0xbb: {  	s0 =	sor.u32 s1, s0  }
0xbc: {  	s0 =	sadd.s32 $0x8F2B, s0  }
0xbd: {  	[sflag:s0] =	ssyncadd.remote.s32 $0x1  }
0xbe: {  	_ =	sfence.sel $0xFFFF  }
0xbf: {  	[dreg:$0x0] =	wrdreg $0xFFFFFFFF;
	(pc) =	sbr.abs _section_cstart, $3  }
0xc0: {  	[dreg:$0x1] =	wrdreg $0xFFFFFFFF  }
0xc1: {  	_ =	task.clear_ibuf [dreg:s6], $0x2FFFF;
	_ =	strace $0x9FFFFFFF  }
0xc2: {  	(tm) =	ssettm $0x7FFFFFFF  }
0xc3: {  	_ =	shalt  }
tec
execute0_lowered:
.L_overlay_start_1:
0x0: {  	(tag) =	ssettag $0x1  }
0x1: {  	s5 =	rddreg [dreg:$0x0]  }
0x2: {  	s2 =	rddreg [dreg:$0x1]  }
0x3: {  	s0 =	rddreg [dreg:$0x2];
	s1 =	stileid.u32  }
0x4: {  	s3 =	simm.s32 $0x0;
	s4 =	srdreg.scid;
	s13 =	simm.s32 $0x80  }
0x5: {  	s15 =	simm.s32 $0x1;
	s16 =	simm.s32 $0x0;
	s6 =	smul.u32 $0x4F0, s1  }
0x6: {  	[smem:$0x7FF] =	sst s3;
	s7 =	smul.u32 $0x3200, s1;
	s8 =	sand.u32 $0x1, s4  }
0x7: {  	s4 =	sadd.s32 $0x12000, s5;
	s11 =	smul.u32 $0x64000, s1;
	s31 =	sshll.u32 s1, $0x6  }
0x8: {  	_ =	strace $0x8000004D;
	s9 =	smul.u32 $0x32000, s8;
	s28 =	ssub.s32 $0x2, s8  }
0x9: {  	s14 =	smul.u32 $0x2710, s8;
	s10 =	sadd.s32 s6, s5;
	s12 =	sadd.s32 s7, s5  }
0xa: {  	s29 =	sshrl.u32 s28, $0x1;
	s30 =	sshrl.u32 s11, $0x2;
	s6 =	sor.u32 $0x1C02, s31  }
0xb: {  	s7 =	sadd.s32 s7, s9;
	s9 =	ssub.s32 s28, s29;
	s11 =	sadd.s32 s30, s2  }
0xc: {  	v0 =	vmov s14;
	s14 =	simm.s32 $0x100;
	s7 =	sadd.s32 s7, s5;
	s5 =	sadd.s32 $0x6F200, s12  }
0xd: {  	s8 =	smax.u32 s9, $0x1;
	s9 =	sadd.s32 $0x6A200, s10;
	s10 =	sadd.s32 $0x3000, s10  }
0xe: {  	s11 =	sshrl.u32 s11, $0x3;
	s12 =	simm.s32 $0x2;
	s7 =	sadd.s32 $0xA1200, s7  }
.LBB2_1:
0xf: {  	[spmem:s11], [sflag:s6] =	dma.local [hbm:s5], $0x3200  }
0x10: {  	_ =	swait.ge [sflag:s12], $0x3200  }
0x11: {  	[sflag:s12] =	ssyncset.done $0x0  }
0x12: {  	[sflag:s12] =	ssyncadd.s32 $0xFFFFCE00  }
0x13: {  	s17 =	sadd.s32 $0x0, s10;
	[bflag:$0x0] =	sbarrier.arrive $0xFFFF  }
0x14: {  	[tilespmem:s3], [sflag:$0x2] =	stream.linear.gather [hbm4b:s17+s3], $0x80, $0x38;
	[tilespmem:$0x1D100] =	vst v63  }
0x15: {  	_ =	swait.ge [sflag:s12], $0x80  }
0x16: {  	[sflag:s12] =	ssyncset.done $0x0  }
0x17: {  	s31 =	sadd.s32 $0x0, s9;
	[sflag:s12] =	ssyncadd.s32 $0xFFFFFF80  }
0x18: {  	[tilespmem:s13], [sflag:$0x2] =	stream.linear.gather [hbm4b:s31+s3], $0x80, $0x38;
	[tilespmem:$0x1D100] =	vst v63  }
0x19: {  	_ =	swait.ge [sflag:s12], $0x80  }
0x1a: {  	[sflag:s12] =	ssyncset.done $0x0  }
0x1b: {  	[sflag:s12] =	ssyncadd.s32 $0xFFFFFF80  }
0x1c: {  	v1 =	vld [tilespmem:$0x70]  }
0x1d: {  	v2 =	vld [tilespmem:$0x30]  }
0x1e: {  	v3 =	vld [tilespmem:$0x50]  }
0x1f: {  	v5 =	vld [tilespmem:$0x20]  }
0x20: {  	v4 =	vld [tilespmem:$0x60]  }
0x21: {  	v6 =	vld [tilespmem:$0x10];
	v1 =	vadd.s32 v0, v1  }
0x22: {  	v7 =	vld [tilespmem:$0x40];
	v2 =	vadd.s32 v0, v2;
	[tilespmem:$0x70] =	vst v1  }
0x23: {  	v1 =	vld [tilespmem:$0x0];
	[tilespmem:$0x30] =	vst v2;
	v2 =	vadd.s32 v0, v3  }
0x24: {  	v3 =	vadd.s32 v0, v5;
	[tilespmem:$0x50] =	vst v2  }
0x25: {  	v2 =	vadd.s32 v0, v4;
	[tilespmem:$0x20] =	vst v3  }
0x26: {  	[tilespmem:$0x60] =	vst v2;
	v2 =	vadd.s32 v0, v6  }
0x27: {  	[tilespmem:$0x10] =	vst v2;
	v2 =	vadd.s32 v0, v7  }
0x28: {  	[tilespmem:$0x40] =	vst v2;
	v1 =	vadd.s32 v0, v1  }
0x29: {  	s17 =	simm.s32 $0x10;
	[tilespmem:$0x0] =	vst v1  }
.LBB2_2:
0x2a: {  	[tilespmem:s14], [sflag:$0x1] =	stream.indirect.gather [hbm4b:s4+s13], $0x80, s3, s13, $0xb8;
	[tilespmem:$0x1D100] =	vst v63  }
0x2b: {  	s18 =	smov.u32 s17  }
0x2c: {  	p0 =	sne.s32 s17, $0x4E0;
	s17 =	sadd.s32 $0x10, s17;
	_ =	swait.ge [sflag:s15], $0x4000  }
0x2d: {  	[sflag:s15] =	ssyncset.done $0x0  }
0x2e: {  	[sflag:s15] =	ssyncadd.s32 $0xFFFFC000  }
0x2f: {  	[spmem:s2] =	stream.indirect.scatter.add.f32 [tilespmem:s14], [sflag:$0x2], $0x80, s13, s13, $0xb8;
	[tilespmem:$0x1D100] =	vst v63  }
0x30: {  	_ =	swait.ge [sflag:s12], $0x4000  }
0x31: {  	[sflag:s12] =	ssyncset.done $0x0  }
0x32: {  	s19 =	sadd.s32 s18, s10;
	[sflag:s12] =	ssyncadd.s32 $0xFFFFC000  }
0x33: {  	[tilespmem:s3], [sflag:$0x2] =	stream.linear.gather [hbm4b:s19+s3], $0x80, $0x38;
	[tilespmem:$0x1D100] =	vst v63  }
0x34: {  	_ =	swait.ge [sflag:s12], $0x80  }
0x35: {  	[sflag:s12] =	ssyncset.done $0x0  }
0x36: {  	s18 =	sadd.s32 s18, s9;
	[sflag:s12] =	ssyncadd.s32 $0xFFFFFF80  }
0x37: {  	[tilespmem:s13], [sflag:$0x2] =	stream.linear.gather [hbm4b:s18+s3], $0x80, $0x38;
	[tilespmem:$0x1D100] =	vst v63  }
0x38: {  	_ =	swait.ge [sflag:s12], $0x80  }
0x39: {  	[sflag:s12] =	ssyncset.done $0x0  }
0x3a: {  	[sflag:s12] =	ssyncadd.s32 $0xFFFFFF80  }
0x3b: {  	v1 =	vld [tilespmem:$0x70]  }
0x3c: {  	v2 =	vld [tilespmem:$0x30]  }
0x3d: {  	v3 =	vld [tilespmem:$0x50]  }
0x3e: {  	v4 =	vld [tilespmem:$0x60]  }
0x3f: {  	v5 =	vld [tilespmem:$0x20]  }
0x40: {  	v6 =	vld [tilespmem:$0x10];
	v1 =	vadd.s32 v0, v1  }
0x41: {  	v2 =	vadd.s32 v0, v2;
	v7 =	vld [tilespmem:$0x40];
	[tilespmem:$0x70] =	vst v1  }
0x42: {  	v1 =	vld [tilespmem:$0x0];
	[tilespmem:$0x30] =	vst v2;
	v2 =	vadd.s32 v0, v3  }
0x43: {  	[tilespmem:$0x50] =	vst v2;
	v2 =	vadd.s32 v0, v4  }
.Ltmp0:
0x44: {  	v3 =	vadd.s32 v0, v5;
	[tilespmem:$0x60] =	vst v2;
	(pc) =	sbr.rel @p0 .LBB2_2-.Ltmp0, $4  }
0x45: {  	v2 =	vadd.s32 v0, v6;
	[tilespmem:$0x20] =	vst v3  }
0x46: {  	[tilespmem:$0x10] =	vst v2;
	v2 =	vadd.s32 v0, v7  }
0x47: {  	v1 =	vadd.s32 v0, v1;
	[tilespmem:$0x40] =	vst v2  }
0x48: {  	[tilespmem:$0x0] =	vst v1  }
0x49: {  	[tilespmem:s14], [sflag:$0x1] =	stream.indirect.gather [hbm4b:s4+s13], $0x80, s3, s13, $0xb8;
	[tilespmem:$0x1D100] =	vst v63  }
0x4a: {  	_ =	swait.ge [sflag:s15], $0x4000  }
0x4b: {  	[sflag:s15] =	ssyncset.done $0x0  }
0x4c: {  	[sflag:s15] =	ssyncadd.s32 $0xFFFFC000  }
0x4d: {  	[spmem:s2] =	stream.indirect.scatter.add.f32 [tilespmem:s14], [sflag:$0x2], $0x80, s13, s13, $0xb8;
	[tilespmem:$0x1D100] =	vst v63  }
0x4e: {  	_ =	swait.ge [sflag:s12], $0x4000  }
0x4f: {  	[sflag:s12] =	ssyncset.done $0x0  }
0x50: {  	s16 =	sadd.s32 $0x1, s16;
	[sflag:s12] =	ssyncadd.s32 $0xFFFFC000  }
0x51: {  	p0 =	sne.s32 s16, s8;
	[bflag:$0x0] =	sbarrier.arrive $0xFFFF  }
0x52: {  	[hbm:s7], [sflag:s6] =	dma.local [spmem:s11], $0x3200  }
.Ltmp1:
0x53: {  	_ =	swait.ge [sflag:s12], $0x3200;
	(pc) =	sbr.rel @p0 .LBB2_1-.Ltmp1, $3  }
0x54: {  	[sflag:s12] =	ssyncset.done $0x0  }
0x55: {  	[sflag:s12] =	ssyncadd.s32 $0xFFFFCE00  }
0x56: {  	[bflag:$0x0] =	sbarrier.arrive $0xFFFF;
	_ =	sdelay $0x1  }
0x57: {  	_ =	sfence.sel $0x180000  }
0x58: {  	[bflag:$0x0] =	sbarrier.arrive $0xFFFF  }
0x59: {  	p0 =	sne.s32 s1, $0x0;
	_ =	strace $0x9000004D  }
0x5a: {  	s0 =	sadd.s32 @!p0 $0x100000, s0;
	[bflag:$0x2] =	sbarrier.arrive $0xFFFF  }
0x5b: {  	[sflag:s0] =	ssyncadd.tile.s32 @!p0 $0x1;
	_ =	shalt  }
.Lfunc_end2:
_tile_overlayer_lowered:
.L_overlay_start_2:
0x5c: {  	(tag) =	ssettag $0x2  }
0x5d: {  	s0 =	rddreg [dreg:$0x0];
	s2 =	stileid.u32  }
0x5e: {  	s1 =	rddreg [dreg:$0x1];
	p0 =	sne.s32 s2, $0x0  }
0x5f: {  	s3 =	rddreg [dreg:$0x2];
	[bflag:$0x3] =	sbarrier.arrive $0xFFFF;
	s2 =	simm.s32 @!p0 $0x1C02  }
0x60: {  	[timem:s3], [sflag:s2] =	dma.local @!p0 [hbm:s0], s1  }
0x61: {  	s0 =	simm.s32 @!p0 $0x2  }
0x62: {  	_ =	swait.ge @!p0 [sflag:s0], s1  }
0x63: {  	s1 =	ssub.s32 @!p0 $0x0, s1;
	[sflag:s0] =	ssyncset.done @!p0 $0x0  }
0x64: {  	[sflag:s0] =	ssyncadd.s32 @!p0 s1  }
0x65: {  	[bflag:$0x3] =	sbarrier.arrive $0xFFFF  }
0x66: {  	_ =	shalt  }

// kernel: kernel.14.cloned.1.call-start
scs
__scs_entry_jumppad:
0x0: {  	(pc) =	sbr.rel $0x88, $3  }
0x1: {  	(tag) =	ssettag $0x0;
	lr =	simm.s32 $0x1  }
0x2: {  	[smem:$0x3F92] =	sst lr;
	_ =	strace $0xD0000000  }
0x3: {  	_ = 	snop  }
0x4: {  	_ = 	snop  }
0x5: {  	_ = 	snop  }
0x6: {  	_ = 	snop  }
0x7: {  	_ = 	snop  }
__scs_overlays_trampoline_lowered:
0x8: {  	[smem:$0x3FA1] =	sst s0  }
0x9: {  	[smem:$0x3FA2] =	sst s1  }
0xa: {  	[smem:$0x3FA3] =	sst s2  }
0xb: {  	[smem:$0x3FA4] =	sst s3  }
0xc: {  	[smem:$0x3FA5] =	sst s4  }
0xd: {  	[smem:$0x3FA6] =	sst s5  }
0xe: {  	[smem:$0x3FA7] =	sst s6  }
0xf: {  	[smem:$0x3FA8] =	sst s7  }
0x10: {  	[smem:$0x3FA9] =	sst s8  }
0x11: {  	[smem:$0x3FAA] =	sst s9;
	s0 =	simm.s32 @!p0 $0x0  }
0x12: {  	s1 =	sld [smem:$0x3F90];
	s0 =	simm.s32 @p0 $0x1  }
0x13: {  	[smem:$0x3FAB] =	sst s0;
	s0 =	simm.s32 @!p1 $0x0  }
0x14: {  	s2 =	sld [smem:$0x3F8F];
	s0 =	simm.s32 @p1 $0x1  }
0x15: {  	[smem:$0x3FAC] =	sst s0;
	s0 =	simm.s32 @!p2 $0x0  }
0x16: {  	s3 =	sld [smem:$0x3FDB];
	s0 =	simm.s32 @p2 $0x1  }
0x17: {  	s4 =	simm.s32 $0x1BF5;
	[smem:$0x3FAE] =	sst s0  }
0x18: {  	s0 =	sld [smem:$0x3F91];
	_ =	swait.ge [sflag:s4], $0x0  }
0x19: {  	s7 =	sld [smem:$0x3F92]  }
0x1a: {  	s8 =	sadd.s32 $0xFFFFE003, lr  }
0x1b: {  	s9 =	sadd.s32 $0xFFFFFEF7, lr;
	s5 =	simm.s32 $0xFFFFFFFF;
	p2 =	slt.u32 s8, $0xFFFFF086  }
0x1c: {  	p1 =	slt.u32 s9, $0xF7A;
	s5 =	simm.s32 @!p2 $0x0  }
0x1d: {  	s5 =	simm.s32 @p1 $0x1;
	p0 =	seq.s32 s7, s2  }
0x1e: {  	s7 =	smul.u32 @!p0 $0xF7A, s2;
	p2 =	seq.s32 @!p0 s5, $0x0  }
0x1f: {  	s9 =	smul.u32 $0xF7A, s1;
	s8 =	simm.s32 @!p0 $0x1BF5;
	p2 =	por !p2, p0  }
0x20: {  	[sflag:s8] =	ssyncset.s32 @!p0 $0xFFFFF086;
	s6 =	sadd.s32 @!p0 s3, s7;
	s7 =	simm.s32 @!p0 $0x108  }
0x21: {  	s3 =	sadd.s32 s3, s9;
	s6 =	sadd.s32 @!p0 $0x88, s6;
	s7 =	simm.s32 @p2 $0x1082  }
0x22: {  	[simem:s7], [sflag:s8] =	dma.local @!p0 [hbm:s6], $0xF7A  }
0x23: {  	s9 =	sor.u32 $0xD0000000, s2;
	s6 =	simm.s32 $0x108;
	_ =	swait.ge @!p0 [sflag:s8], $0x0  }
0x24: {  	s3 =	sadd.s32 $0x88, s3;
	s6 =	simm.s32 @!p1 $0x1082;
	[sflag:s4] =	ssyncset.s32 $0xFFFFF086  }
0x25: {  	[simem:s6], [sflag:s4] =	dma.local [hbm:s3], $0xF7A  }
0x26: {  	[smem:$0x3F92] =	sst s1;
	(tag) =	ssettag s2;
	_ =	strace s9  }
0x27: {  	s1 =	sld [smem:$0x3FA2]  }
0x28: {  	s2 =	sld [smem:$0x3FA3]  }
0x29: {  	s4 =	sld [smem:$0x3FA5]  }
0x2a: {  	p0 =	seq.s32 s5, $0x0;
	s5 =	sld [smem:$0x3FA6]  }
0x2b: {  	s6 =	sld [smem:$0x3FA7]  }
0x2c: {  	s7 =	sld [smem:$0x3FA8]  }
0x2d: {  	s3 =	simm.s32 $0x108;
	s8 =	sld [smem:$0x3FA9]  }
0x2e: {  	s3 =	simm.s32 @!p0 $0x1082;
	s9 =	sld [smem:$0x3FAA]  }
0x2f: {  	lr =	sadd.s32 s0, s3;
	s0 =	sld [smem:$0x3FA1]  }
0x30: {  	s3 =	sld [smem:$0x3FA4]  }
0x31: {  	[smem:$0x3FAD] =	sst s10  }
0x32: {  	s10 =	sld [smem:$0x3FAB];
	_ =	sdelay $0x3  }
0x33: {  	p0 =	seq.s32 s10, $0x1;
	s10 =	sld [smem:$0x3FAD];
	_ =	sdelay $0x3  }
0x34: {  	[smem:$0x3FAD] =	sst s10  }
0x35: {  	s10 =	sld [smem:$0x3FAC];
	_ =	sdelay $0x3  }
0x36: {  	p1 =	seq.s32 s10, $0x1;
	s10 =	sld [smem:$0x3FAD];
	_ =	sdelay $0x3  }
0x37: {  	[smem:$0x3FAD] =	sst s10  }
0x38: {  	s10 =	sld [smem:$0x3FAE]  }
0x39: {  	_ = 	snop;
	(pc) =	sbr.ind lr, $3  }
0x3a: {  	_ = 	snop  }
0x3b: {  	_ = 	snop  }
0x3c: {  	p2 =	seq.s32 s10, $0x1;
	s10 =	sld [smem:$0x3FAD]  }
0x3d: {  	_ =	shalt  }
0x3e: {  	_ =	shalt  }
0x3f: {  	_ =	shalt  }
0x40: {  	_ =	shalt  }
0x41: {  	_ =	shalt  }
0x42: {  	_ =	shalt  }
0x43: {  	_ =	shalt  }
0x44: {  	_ =	shalt  }
0x45: {  	_ =	shalt  }
0x46: {  	_ =	shalt  }
0x47: {  	_ =	shalt  }
0x48: {  	_ =	shalt  }
0x49: {  	_ =	shalt  }
0x4a: {  	_ =	shalt  }
0x4b: {  	_ =	shalt  }
0x4c: {  	_ =	shalt  }
0x4d: {  	_ =	shalt  }
0x4e: {  	_ =	shalt  }
0x4f: {  	_ =	shalt  }
0x50: {  	_ =	shalt  }
0x51: {  	_ =	shalt  }
0x52: {  	_ =	shalt  }
0x53: {  	_ =	shalt  }
0x54: {  	_ =	shalt  }
0x55: {  	_ =	shalt  }
0x56: {  	_ =	shalt  }
0x57: {  	_ =	shalt  }
0x58: {  	_ =	shalt  }
0x59: {  	_ =	shalt  }
0x5a: {  	_ =	shalt  }
0x5b: {  	_ =	shalt  }
0x5c: {  	_ =	shalt  }
0x5d: {  	_ =	shalt  }
0x5e: {  	_ =	shalt  }
0x5f: {  	_ =	shalt  }
0x60: {  	_ =	shalt  }
0x61: {  	_ =	shalt  }
0x62: {  	_ =	shalt  }
0x63: {  	_ =	shalt  }
0x64: {  	_ =	shalt  }
0x65: {  	_ =	shalt  }
0x66: {  	_ =	shalt  }
0x67: {  	_ =	shalt  }
0x68: {  	_ =	shalt  }
0x69: {  	_ =	shalt  }
0x6a: {  	_ =	shalt  }
0x6b: {  	_ =	shalt  }
0x6c: {  	_ =	shalt  }
0x6d: {  	_ =	shalt  }
0x6e: {  	_ =	shalt  }
0x6f: {  	_ =	shalt  }
0x70: {  	_ =	shalt  }
0x71: {  	_ =	shalt  }
0x72: {  	_ =	shalt  }
0x73: {  	_ =	shalt  }
0x74: {  	_ =	shalt  }
0x75: {  	_ =	shalt  }
0x76: {  	_ =	shalt  }
0x77: {  	_ =	shalt  }
0x78: {  	_ =	shalt  }
0x79: {  	_ =	shalt  }
0x7a: {  	_ =	shalt  }
0x7b: {  	_ =	shalt  }
0x7c: {  	_ =	shalt  }
0x7d: {  	_ =	shalt  }
0x7e: {  	_ =	shalt  }
0x7f: {  	_ =	shalt  }
0x80: {  	_ =	shalt  }
0x81: {  	_ =	shalt  }
0x82: {  	_ =	shalt  }
0x83: {  	_ =	shalt  }
0x84: {  	_ =	shalt  }
0x85: {  	_ =	shalt  }
0x86: {  	_ =	shalt  }
0x87: {  	_ =	shalt  }
.Lfunc_end0:
.L_simem_size_0:
called_computation.3_lowered:
.L_overlay_start_0:
0x88: {  	s2 =	sld [smem:$0x3FD9]  }
0x89: {  	s3 =	sld [smem:$0x3FFE];
	_ =	sdelay $0x1  }
0x8a: {  	s1 =	srdreg.scid  }
0x8b: {  	s0 =	sand.u32 $0x1, s1  }
0x8c: {  	s16 =	sshll.u32 s0, $0xA;
	s2 =	sadd.s32 s3, s2  }
0x8d: {  	s2 =	sadd.s32 s2, s16  }
0x8e: {  	[smem:$0x3FB9] =	sst s2  }
0x8f: {  	_ = 	snop  }
0x90: {  	(tm) =	ssettm $0x1  }
0x91: {  	s17 =	sld [smem:$0x3FFB];
	_ =	sdelay $0x3  }
0x92: {  	_ =	strace s17  }
0x93: {  	s2 =	sld [smem:$0x3FFC];
	_ =	sdelay $0x3  }
0x94: {  	_ =	strace s2  }
0x95: {  	s2 =	sld [smem:$0x3FFD];
	_ =	sdelay $0x3  }
0x96: {  	_ =	strace s2  }
0x97: {  	_ =	strace $0x8FFFFFFF  }
0x98: {  	s18 =	sld [smem:$0x3FDB];
	_ =	sdelay $0x1  }
0x99: {  	s19 =	simm.s32 $_scs_section_size  }
0x9a: {  	s4 =	simm.s32 $_size__tile_overlayer_lowered;
	s5 =	simm.s32 $_tile_overlayer_lowered  }
0x9b: {  	s22 =	simm.s32 $0x1BFF;
	s21 =	sshll.u32 s5, $0x1;
	s2 =	sadd.s32 s19, s18  }
0x9c: {  	s6 =	simm.s32 $0x0;
	s20 =	sshll.u32 s4, $0x1;
	s4 =	sadd.s32 s21, s2  }
0x9d: {  	[timem:s6], [sflag:s22] =	dma.local [hbm:s4], s20  }
0x9e: {  	_ =	swait.ge [sflag:s22], s20  }
0x9f: {  	s3 =	ssub.s32 $0x0, s20;
	[sflag:s22] =	ssyncset.done $0x0  }
0xa0: {  	[sflag:s22] =	ssyncadd.s32 s3;
	_ =	sdelay $0x1  }
0xa1: {  	s23 =	simm.s32 $0x1B8B  }
0xa2: {  	_ =	swait.ge [sflag:s23], $0x1  }
0xa3: {  	[sflag:s23] =	ssyncset.done $0x0  }
0xa4: {  	s25 =	simm.s32 $0x1B8E;
	s24 =	sld [smem:$0x3FFE];
	[sflag:s23] =	ssyncadd.s32 $0xFFFFFFFF  }
0xa5: {  	s26 =	simm.s32 $execute0_lowered;
	[smem:$0x3FD2] =	sst s25  }
0xa6: {  	s4 =	sshll.u32 s26, $0x1;
	_ =	strace $0x8000004F;
	[dreg:$0x1] =	wrdreg $0xFFFFFFFF  }
0xa7: {  	s28 =	simm.s32 $_size_execute0_lowered;
	s2 =	sadd.s32 s2, s4;
	[dreg:$0x0] =	wrdreg $0x0  }
0xa8: {  	s4 =	sshll.u32 s28, $0x1;
	[dreg:$0x2] =	wrdreg s2  }
0xa9: {  	[dreg:$0x3] =	wrdreg s4  }
0xaa: {  	[dreg:$0x4] =	wrdreg $0xC0  }
0xab: {  	_ =	task [dreg:s6], $0x5FFFF  }
0xac: {  	[dreg:$0x1] =	wrdreg $0xFFFFFFFF  }
0xad: {  	[dreg:$0x0] =	wrdreg $0x60  }
0xae: {  	[dreg:$0x2] =	wrdreg s24  }
0xaf: {  	[dreg:$0x3] =	wrdreg $0x41000  }
0xb0: {  	[dreg:$0x4] =	wrdreg $0x9  }
0xb1: {  	_ =	task.clear_ibuf [dreg:s6], $0x5FFFF;
	_ =	strace $0x9000004F  }
0xb2: {  	s29 =	simm.s32 $0x9;
	_ =	strace $0x80000051  }
0xb3: {  	_ =	swait.ge [sflag:s29], $0x1  }
0xb4: {  	[sflag:s29] =	ssyncadd.s32 $0xFFFFFFFF  }
0xb5: {  	_ =	strace $0x90000051  }
0xb6: {  	_ =	sfence  }
0xb7: {  	s30 =	sld [smem:$0x0];
	_ =	sdelay $0x2  }
0xb8: {  	s31 =	sshll.u32 s1, $0xD;
	s1 =	sshrl.u32 s1, $0x2  }
0xb9: {  	s3 =	sand.u32 $0x4000, s31;
	s1 =	sadd.s32 s1, s30  }
0xba: {  	s0 =	sor.u32 s3, s0;
	s1 =	sshll.u32 s1, $0x11  }
0xbb: {  	s0 =	sor.u32 s1, s0  }
0xbc: {  	s0 =	sadd.s32 $0x8F2B, s0  }
0xbd: {  	[sflag:s0] =	ssyncadd.remote.s32 $0x1  }
0xbe: {  	_ =	sfence.sel $0xFFFF  }
0xbf: {  	[dreg:$0x0] =	wrdreg $0xFFFFFFFF;
	(pc) =	sbr.abs _section_cstart, $3  }
0xc0: {  	[dreg:$0x1] =	wrdreg $0xFFFFFFFF  }
0xc1: {  	_ =	task.clear_ibuf [dreg:s6], $0x2FFFF;
	_ =	strace $0x9FFFFFFF  }
0xc2: {  	(tm) =	ssettm $0x7FFFFFFF  }
0xc3: {  	_ =	shalt  }
tec
execute0_lowered:
.L_overlay_start_1:
0x0: {  	(tag) =	ssettag $0x1  }
0x1: {  	s5 =	rddreg [dreg:$0x0]  }
0x2: {  	s2 =	rddreg [dreg:$0x1];
	s1 =	stileid.u32  }
0x3: {  	s0 =	rddreg [dreg:$0x2];
	s3 =	simm.s32 $0x0;
	s6 =	smul.u32 $0x4F0, s1  }
0x4: {  	s25 =	srdreg.scid;
	s7 =	smul.u32 $0x3200, s1;
	s4 =	sadd.s32 $0x105200, s5  }
0x5: {  	[smem:$0x7FF] =	sst s3;
	s8 =	smul.u32 $0x320, s1;
	s9 =	sadd.s32 $0x1A1600, s5  }
0x6: {  	s10 =	smul.u32 $0x64000, s1;
	s30 =	sshll.u32 s1, $0x6;
	_ =	strace $0x80000050  }
0x7: {  	s11 =	sadd.s32 s6, s5;
	s7 =	sadd.s32 s7, s5;
	s6 =	sand.u32 $0x1, s25  }
0x8: {  	s28 =	sshrl.u32 s10, $0x2;
	s26 =	ssub.s32 $0x2, s6;
	s13 =	smul.u32 $0x6400, s6  }
0x9: {  	s14 =	sshllo.u32 s6, $0x1;
	s15 =	smul.u32 $0x4E20, s6;
	s16 =	sadd.s32 s28, s2  }
0xa: {  	s5 =	sadd.s32 $0x6F200, s7;
	s6 =	sor.u32 $0x1C02, s30;
	s10 =	sadd.s32 $0x6A200, s11  }
0xb: {  	s11 =	sadd.s32 $0x3000, s11;
	s12 =	sshrl.u32 s26, $0x1;
	s29 =	smul.u32 $0x3200, s14  }
0xc: {  	s17 =	smul.u32 $0x2710, s14;
	s14 =	simm.s32 $0x80;
	s12 =	ssub.s32 s26, s12  }
0xd: {  	s31 =	sadd.s32 s8, s13;
	s13 =	simm.s32 $0x2;
	s8 =	sadd.s32 s8, s29  }
0xe: {  	v0 =	vmov s15;
	s15 =	simm.s32 $0x100;
	s7 =	sshll.u32 s31, $0x4;
	s8 =	sshll.u32 s8, $0x4  }
0xf: {  	v1 =	vmov s17;
	s17 =	simm.s32 $0x0;
	s7 =	sadd.s32 s9, s7;
	s8 =	sadd.s32 s9, s8  }
0x10: {  	s9 =	smax.u32 s12, $0x1;
	s12 =	sshrl.u32 s16, $0x3;
	s16 =	simm.s32 $0x1  }
.LBB2_1:
0x11: {  	[spmem:s12], [sflag:s6] =	dma.local [hbm:s5], $0x3200  }
0x12: {  	_ =	swait.ge [sflag:s13], $0x3200  }
0x13: {  	[sflag:s13] =	ssyncset.done $0x0  }
0x14: {  	[sflag:s13] =	ssyncadd.s32 $0xFFFFCE00  }
0x15: {  	s18 =	sadd.s32 $0x0, s11;
	[bflag:$0x0] =	sbarrier.arrive $0xFFFF  }
0x16: {  	[tilespmem:s3], [sflag:$0x2] =	stream.linear.gather [hbm4b:s18+s3], $0x80, $0x38;
	[tilespmem:$0x1D100] =	vst v63  }
0x17: {  	_ =	swait.ge [sflag:s13], $0x80  }
0x18: {  	[sflag:s13] =	ssyncset.done $0x0  }
0x19: {  	s31 =	sadd.s32 $0x0, s10;
	[sflag:s13] =	ssyncadd.s32 $0xFFFFFF80  }
0x1a: {  	[tilespmem:s14], [sflag:$0x2] =	stream.linear.gather [hbm4b:s31+s3], $0x80, $0x38;
	[tilespmem:$0x1D100] =	vst v63  }
0x1b: {  	_ =	swait.ge [sflag:s13], $0x80  }
0x1c: {  	[sflag:s13] =	ssyncset.done $0x0  }
0x1d: {  	[sflag:s13] =	ssyncadd.s32 $0xFFFFFF80  }
0x1e: {  	v2 =	vld [tilespmem:$0x70]  }
0x1f: {  	v3 =	vld [tilespmem:$0x30]  }
0x20: {  	v6 =	vld [tilespmem:$0x20]  }
0x21: {  	v4 =	vld [tilespmem:$0x50]  }
0x22: {  	v5 =	vld [tilespmem:$0x60]  }
0x23: {  	v7 =	vld [tilespmem:$0x10];
	v2 =	vadd.s32 v0, v2  }
0x24: {  	v8 =	vld [tilespmem:$0x40];
	v3 =	vadd.s32 v0, v3;
	[tilespmem:$0x70] =	vst v2  }
0x25: {  	v63 =	vadd.s32 v0, v6;
	v2 =	vld [tilespmem:$0x0];
	[tilespmem:$0x30] =	vst v3  }
0x26: {  	v3 =	vadd.s32 v0, v4;
	[tilespmem:$0x20] =	vst v63  }
0x27: {  	[tilespmem:$0x50] =	vst v3;
	v3 =	vadd.s32 v0, v5  }
0x28: {  	[tilespmem:$0x60] =	vst v3;
	v3 =	vadd.s32 v0, v7  }
0x29: {  	[tilespmem:$0x10] =	vst v3;
	v3 =	vadd.s32 v0, v8  }
0x2a: {  	[tilespmem:$0x40] =	vst v3;
	v2 =	vadd.s32 v0, v2  }
0x2b: {  	s18 =	simm.s32 $0x10;
	[tilespmem:$0x0] =	vst v2  }
.LBB2_2:
0x2c: {  	[tilespmem:s15], [sflag:$0x1] =	stream.indirect.gather [hbm4b:s4+s14], $0x80, s3, s14, $0xb8;
	[tilespmem:$0x1D100] =	vst v63  }
0x2d: {  	s19 =	smov.u32 s18  }
0x2e: {  	p0 =	sne.s32 s18, $0x4E0;
	s18 =	sadd.s32 $0x10, s18;
	_ =	swait.ge [sflag:s16], $0x4000  }
0x2f: {  	[sflag:s16] =	ssyncset.done $0x0  }
0x30: {  	[sflag:s16] =	ssyncadd.s32 $0xFFFFC000  }
0x31: {  	[spmem:s2] =	stream.indirect.scatter.add.f32 [tilespmem:s15], [sflag:$0x2], $0x80, s14, s14, $0xb8;
	[tilespmem:$0x1D100] =	vst v63  }
0x32: {  	_ =	swait.ge [sflag:s13], $0x4000  }
0x33: {  	[sflag:s13] =	ssyncset.done $0x0  }
0x34: {  	s20 =	sadd.s32 s19, s11;
	[sflag:s13] =	ssyncadd.s32 $0xFFFFC000  }
0x35: {  	[tilespmem:s3], [sflag:$0x2] =	stream.linear.gather [hbm4b:s20+s3], $0x80, $0x38;
	[tilespmem:$0x1D100] =	vst v63  }
0x36: {  	_ =	swait.ge [sflag:s13], $0x80  }
0x37: {  	[sflag:s13] =	ssyncset.done $0x0  }
0x38: {  	s19 =	sadd.s32 s19, s10;
	[sflag:s13] =	ssyncadd.s32 $0xFFFFFF80  }
0x39: {  	[tilespmem:s14], [sflag:$0x2] =	stream.linear.gather [hbm4b:s19+s3], $0x80, $0x38;
	[tilespmem:$0x1D100] =	vst v63  }
0x3a: {  	_ =	swait.ge [sflag:s13], $0x80  }
0x3b: {  	[sflag:s13] =	ssyncset.done $0x0  }
0x3c: {  	[sflag:s13] =	ssyncadd.s32 $0xFFFFFF80  }
0x3d: {  	v2 =	vld [tilespmem:$0x70]  }
0x3e: {  	v3 =	vld [tilespmem:$0x30]  }
0x3f: {  	v4 =	vld [tilespmem:$0x50]  }
0x40: {  	v5 =	vld [tilespmem:$0x60]  }
0x41: {  	v6 =	vld [tilespmem:$0x20]  }
0x42: {  	v7 =	vld [tilespmem:$0x10];
	v2 =	vadd.s32 v0, v2  }
0x43: {  	v3 =	vadd.s32 v0, v3;
	v8 =	vld [tilespmem:$0x40];
	[tilespmem:$0x70] =	vst v2  }
0x44: {  	v2 =	vld [tilespmem:$0x0];
	[tilespmem:$0x30] =	vst v3;
	v3 =	vadd.s32 v0, v4  }
0x45: {  	[tilespmem:$0x50] =	vst v3;
	v3 =	vadd.s32 v0, v5  }
.Ltmp0:
0x46: {  	v4 =	vadd.s32 v0, v6;
	[tilespmem:$0x60] =	vst v3;
	(pc) =	sbr.rel @p0 .LBB2_2-.Ltmp0, $4  }
0x47: {  	v3 =	vadd.s32 v0, v7;
	[tilespmem:$0x20] =	vst v4  }
0x48: {  	[tilespmem:$0x10] =	vst v3;
	v3 =	vadd.s32 v0, v8  }
0x49: {  	v2 =	vadd.s32 v0, v2;
	[tilespmem:$0x40] =	vst v3  }
0x4a: {  	[tilespmem:$0x0] =	vst v2  }
0x4b: {  	[tilespmem:s15], [sflag:$0x1] =	stream.indirect.gather [hbm4b:s4+s14], $0x80, s3, s14, $0xb8;
	[tilespmem:$0x1D100] =	vst v63  }
0x4c: {  	_ =	swait.ge [sflag:s16], $0x4000  }
0x4d: {  	[sflag:s16] =	ssyncset.done $0x0  }
0x4e: {  	[sflag:s16] =	ssyncadd.s32 $0xFFFFC000  }
0x4f: {  	[spmem:s2] =	stream.indirect.scatter.add.f32 [tilespmem:s15], [sflag:$0x2], $0x80, s14, s14, $0xb8;
	[tilespmem:$0x1D100] =	vst v63  }
0x50: {  	_ =	swait.ge [sflag:s13], $0x4000  }
0x51: {  	[sflag:s13] =	ssyncset.done $0x0  }
0x52: {  	[sflag:s13] =	ssyncadd.s32 $0xFFFFC000  }
0x53: {  	[bflag:$0x0] =	sbarrier.arrive $0xFFFF  }
0x54: {  	[hbm:s7], [sflag:s6] =	dma.local [spmem:s12], $0x3200  }
0x55: {  	_ =	swait.ge [sflag:s13], $0x3200  }
0x56: {  	[sflag:s13] =	ssyncset.done $0x0  }
0x57: {  	[sflag:s13] =	ssyncadd.s32 $0xFFFFCE00  }
0x58: {  	[bflag:$0x0] =	sbarrier.arrive $0xFFFF  }
0x59: {  	[spmem:s12], [sflag:s6] =	dma.local [hbm:s5], $0x3200  }
0x5a: {  	_ =	swait.ge [sflag:s13], $0x3200  }
0x5b: {  	[sflag:s13] =	ssyncset.done $0x0  }
0x5c: {  	[sflag:s13] =	ssyncadd.s32 $0xFFFFCE00  }
0x5d: {  	s18 =	sadd.s32 $0x0, s11;
	[bflag:$0x0] =	sbarrier.arrive $0xFFFF  }
0x5e: {  	[tilespmem:s3], [sflag:$0x2] =	stream.linear.gather [hbm4b:s18+s3], $0x80, $0x38;
	[tilespmem:$0x1D100] =	vst v63  }
0x5f: {  	_ =	swait.ge [sflag:s13], $0x80  }
0x60: {  	[sflag:s13] =	ssyncset.done $0x0  }
0x61: {  	s31 =	sadd.s32 $0x0, s10;
	[sflag:s13] =	ssyncadd.s32 $0xFFFFFF80  }
0x62: {  	[tilespmem:s14], [sflag:$0x2] =	stream.linear.gather [hbm4b:s31+s3], $0x80, $0x38;
	[tilespmem:$0x1D100] =	vst v63  }
0x63: {  	_ =	swait.ge [sflag:s13], $0x80  }
0x64: {  	[sflag:s13] =	ssyncset.done $0x0  }
0x65: {  	[sflag:s13] =	ssyncadd.s32 $0xFFFFFF80  }
0x66: {  	v2 =	vld [tilespmem:$0x70]  }
0x67: {  	v3 =	vld [tilespmem:$0x30]  }
0x68: {  	v6 =	vld [tilespmem:$0x20]  }
0x69: {  	v4 =	vld [tilespmem:$0x50]  }
0x6a: {  	v5 =	vld [tilespmem:$0x60]  }
0x6b: {  	v7 =	vld [tilespmem:$0x10];
	v2 =	vadd.s32 v1, v2  }
0x6c: {  	v8 =	vld [tilespmem:$0x40];
	v3 =	vadd.s32 v1, v3;
	[tilespmem:$0x70] =	vst v2  }
0x6d: {  	v63 =	vadd.s32 v1, v6;
	v2 =	vld [tilespmem:$0x0];
	[tilespmem:$0x30] =	vst v3  }
0x6e: {  	v3 =	vadd.s32 v1, v4;
	[tilespmem:$0x20] =	vst v63  }
0x6f: {  	[tilespmem:$0x50] =	vst v3;
	v3 =	vadd.s32 v1, v5  }
0x70: {  	[tilespmem:$0x60] =	vst v3;
	v3 =	vadd.s32 v1, v7  }
0x71: {  	[tilespmem:$0x10] =	vst v3;
	v3 =	vadd.s32 v1, v8  }
0x72: {  	[tilespmem:$0x40] =	vst v3;
	v2 =	vadd.s32 v1, v2  }
0x73: {  	s18 =	simm.s32 $0x10;
	[tilespmem:$0x0] =	vst v2  }
.LBB2_4:
0x74: {  	[tilespmem:s15], [sflag:$0x1] =	stream.indirect.gather [hbm4b:s4+s14], $0x80, s3, s14, $0xb8;
	[tilespmem:$0x1D100] =	vst v63  }
0x75: {  	s19 =	smov.u32 s18  }
0x76: {  	p0 =	sne.s32 s18, $0x4E0;
	s18 =	sadd.s32 $0x10, s18;
	_ =	swait.ge [sflag:s16], $0x4000  }
0x77: {  	[sflag:s16] =	ssyncset.done $0x0  }
0x78: {  	[sflag:s16] =	ssyncadd.s32 $0xFFFFC000  }
0x79: {  	[spmem:s2] =	stream.indirect.scatter.add.f32 [tilespmem:s15], [sflag:$0x2], $0x80, s14, s14, $0xb8;
	[tilespmem:$0x1D100] =	vst v63  }
0x7a: {  	_ =	swait.ge [sflag:s13], $0x4000  }
0x7b: {  	[sflag:s13] =	ssyncset.done $0x0  }
0x7c: {  	s20 =	sadd.s32 s19, s11;
	[sflag:s13] =	ssyncadd.s32 $0xFFFFC000  }
0x7d: {  	[tilespmem:s3], [sflag:$0x2] =	stream.linear.gather [hbm4b:s20+s3], $0x80, $0x38;
	[tilespmem:$0x1D100] =	vst v63  }
0x7e: {  	_ =	swait.ge [sflag:s13], $0x80  }
0x7f: {  	[sflag:s13] =	ssyncset.done $0x0  }
0x80: {  	s19 =	sadd.s32 s19, s10;
	[sflag:s13] =	ssyncadd.s32 $0xFFFFFF80  }
0x81: {  	[tilespmem:s14], [sflag:$0x2] =	stream.linear.gather [hbm4b:s19+s3], $0x80, $0x38;
	[tilespmem:$0x1D100] =	vst v63  }
0x82: {  	_ =	swait.ge [sflag:s13], $0x80  }
0x83: {  	[sflag:s13] =	ssyncset.done $0x0  }
0x84: {  	[sflag:s13] =	ssyncadd.s32 $0xFFFFFF80  }
0x85: {  	v2 =	vld [tilespmem:$0x70]  }
0x86: {  	v3 =	vld [tilespmem:$0x30]  }
0x87: {  	v4 =	vld [tilespmem:$0x50]  }
0x88: {  	v5 =	vld [tilespmem:$0x60]  }
0x89: {  	v6 =	vld [tilespmem:$0x20]  }
0x8a: {  	v7 =	vld [tilespmem:$0x10];
	v2 =	vadd.s32 v1, v2  }
0x8b: {  	v3 =	vadd.s32 v1, v3;
	v8 =	vld [tilespmem:$0x40];
	[tilespmem:$0x70] =	vst v2  }
0x8c: {  	v2 =	vld [tilespmem:$0x0];
	[tilespmem:$0x30] =	vst v3;
	v3 =	vadd.s32 v1, v4  }
0x8d: {  	[tilespmem:$0x50] =	vst v3;
	v3 =	vadd.s32 v1, v5  }
.Ltmp1:
0x8e: {  	v4 =	vadd.s32 v1, v6;
	[tilespmem:$0x60] =	vst v3;
	(pc) =	sbr.rel @p0 .LBB2_4-.Ltmp1, $4  }
0x8f: {  	v3 =	vadd.s32 v1, v7;
	[tilespmem:$0x20] =	vst v4  }
0x90: {  	[tilespmem:$0x10] =	vst v3;
	v3 =	vadd.s32 v1, v8  }
0x91: {  	v2 =	vadd.s32 v1, v2;
	[tilespmem:$0x40] =	vst v3  }
0x92: {  	[tilespmem:$0x0] =	vst v2  }
0x93: {  	[tilespmem:s15], [sflag:$0x1] =	stream.indirect.gather [hbm4b:s4+s14], $0x80, s3, s14, $0xb8;
	[tilespmem:$0x1D100] =	vst v63  }
0x94: {  	_ =	swait.ge [sflag:s16], $0x4000  }
0x95: {  	[sflag:s16] =	ssyncset.done $0x0  }
0x96: {  	[sflag:s16] =	ssyncadd.s32 $0xFFFFC000  }
0x97: {  	[spmem:s2] =	stream.indirect.scatter.add.f32 [tilespmem:s15], [sflag:$0x2], $0x80, s14, s14, $0xb8;
	[tilespmem:$0x1D100] =	vst v63  }
0x98: {  	_ =	swait.ge [sflag:s13], $0x4000  }
0x99: {  	[sflag:s13] =	ssyncset.done $0x0  }
0x9a: {  	s17 =	sadd.s32 $0x1, s17;
	[sflag:s13] =	ssyncadd.s32 $0xFFFFC000  }
0x9b: {  	p0 =	sne.s32 s17, s9;
	[bflag:$0x0] =	sbarrier.arrive $0xFFFF  }
0x9c: {  	[hbm:s8], [sflag:s6] =	dma.local [spmem:s12], $0x3200  }
.Ltmp2:
0x9d: {  	_ =	swait.ge [sflag:s13], $0x3200;
	(pc) =	sbr.rel @p0 .LBB2_1-.Ltmp2, $3  }
0x9e: {  	[sflag:s13] =	ssyncset.done $0x0  }
0x9f: {  	[sflag:s13] =	ssyncadd.s32 $0xFFFFCE00  }
0xa0: {  	[bflag:$0x0] =	sbarrier.arrive $0xFFFF;
	_ =	sdelay $0x1  }
0xa1: {  	_ =	sfence.sel $0x180000  }
0xa2: {  	[bflag:$0x0] =	sbarrier.arrive $0xFFFF  }
0xa3: {  	p0 =	sne.s32 s1, $0x0;
	_ =	strace $0x90000050  }
0xa4: {  	s0 =	sadd.s32 @!p0 $0x100000, s0;
	[bflag:$0x2] =	sbarrier.arrive $0xFFFF  }
0xa5: {  	[sflag:s0] =	ssyncadd.tile.s32 @!p0 $0x1;
	_ =	shalt  }
.Lfunc_end2:
_tile_overlayer_lowered:
.L_overlay_start_2:
0xa6: {  	(tag) =	ssettag $0x2  }
0xa7: {  	s0 =	rddreg [dreg:$0x0];
	s2 =	stileid.u32  }
0xa8: {  	s1 =	rddreg [dreg:$0x1];
	p0 =	sne.s32 s2, $0x0  }
0xa9: {  	s3 =	rddreg [dreg:$0x2];
	[bflag:$0x3] =	sbarrier.arrive $0xFFFF;
	s2 =	simm.s32 @!p0 $0x1C02  }
0xaa: {  	[timem:s3], [sflag:s2] =	dma.local @!p0 [hbm:s0], s1  }
0xab: {  	s0 =	simm.s32 @!p0 $0x2  }
0xac: {  	_ =	swait.ge @!p0 [sflag:s0], s1  }
0xad: {  	s1 =	ssub.s32 @!p0 $0x0, s1;
	[sflag:s0] =	ssyncset.done @!p0 $0x0  }
0xae: {  	[sflag:s0] =	ssyncadd.s32 @!p0 s1  }
0xaf: {  	[bflag:$0x3] =	sbarrier.arrive $0xFFFF  }
0xb0: {  	_ =	shalt  }

// kernel: kernel.17.cloned.1.call-start
scs
__scs_entry_jumppad:
0x0: {  	(pc) =	sbr.rel $0x88, $3  }
0x1: {  	(tag) =	ssettag $0x0;
	lr =	simm.s32 $0x1  }
0x2: {  	[smem:$0x3F92] =	sst lr;
	_ =	strace $0xD0000000  }
0x3: {  	_ = 	snop  }
0x4: {  	_ = 	snop  }
0x5: {  	_ = 	snop  }
0x6: {  	_ = 	snop  }
0x7: {  	_ = 	snop  }
__scs_overlays_trampoline_lowered:
0x8: {  	[smem:$0x3FA1] =	sst s0  }
0x9: {  	[smem:$0x3FA2] =	sst s1  }
0xa: {  	[smem:$0x3FA3] =	sst s2  }
0xb: {  	[smem:$0x3FA4] =	sst s3  }
0xc: {  	[smem:$0x3FA5] =	sst s4  }
0xd: {  	[smem:$0x3FA6] =	sst s5  }
0xe: {  	[smem:$0x3FA7] =	sst s6  }
0xf: {  	[smem:$0x3FA8] =	sst s7  }
0x10: {  	[smem:$0x3FA9] =	sst s8  }
0x11: {  	[smem:$0x3FAA] =	sst s9;
	s0 =	simm.s32 @!p0 $0x0  }
0x12: {  	s1 =	sld [smem:$0x3F90];
	s0 =	simm.s32 @p0 $0x1  }
0x13: {  	[smem:$0x3FAB] =	sst s0;
	s0 =	simm.s32 @!p1 $0x0  }
0x14: {  	s2 =	sld [smem:$0x3F8F];
	s0 =	simm.s32 @p1 $0x1  }
0x15: {  	[smem:$0x3FAC] =	sst s0;
	s0 =	simm.s32 @!p2 $0x0  }
0x16: {  	s3 =	sld [smem:$0x3FDB];
	s0 =	simm.s32 @p2 $0x1  }
0x17: {  	s4 =	simm.s32 $0x1BF5;
	[smem:$0x3FAE] =	sst s0  }
0x18: {  	s0 =	sld [smem:$0x3F91];
	_ =	swait.ge [sflag:s4], $0x0  }
0x19: {  	s7 =	sld [smem:$0x3F92]  }
0x1a: {  	s8 =	sadd.s32 $0xFFFFE003, lr  }
0x1b: {  	s9 =	sadd.s32 $0xFFFFFEF7, lr;
	s5 =	simm.s32 $0xFFFFFFFF;
	p2 =	slt.u32 s8, $0xFFFFF086  }
0x1c: {  	p1 =	slt.u32 s9, $0xF7A;
	s5 =	simm.s32 @!p2 $0x0  }
0x1d: {  	s5 =	simm.s32 @p1 $0x1;
	p0 =	seq.s32 s7, s2  }
0x1e: {  	s7 =	smul.u32 @!p0 $0xF7A, s2;
	p2 =	seq.s32 @!p0 s5, $0x0  }
0x1f: {  	s9 =	smul.u32 $0xF7A, s1;
	s8 =	simm.s32 @!p0 $0x1BF5;
	p2 =	por !p2, p0  }
0x20: {  	[sflag:s8] =	ssyncset.s32 @!p0 $0xFFFFF086;
	s6 =	sadd.s32 @!p0 s3, s7;
	s7 =	simm.s32 @!p0 $0x108  }
0x21: {  	s3 =	sadd.s32 s3, s9;
	s6 =	sadd.s32 @!p0 $0x88, s6;
	s7 =	simm.s32 @p2 $0x1082  }
0x22: {  	[simem:s7], [sflag:s8] =	dma.local @!p0 [hbm:s6], $0xF7A  }
0x23: {  	s9 =	sor.u32 $0xD0000000, s2;
	s6 =	simm.s32 $0x108;
	_ =	swait.ge @!p0 [sflag:s8], $0x0  }
0x24: {  	s3 =	sadd.s32 $0x88, s3;
	s6 =	simm.s32 @!p1 $0x1082;
	[sflag:s4] =	ssyncset.s32 $0xFFFFF086  }
0x25: {  	[simem:s6], [sflag:s4] =	dma.local [hbm:s3], $0xF7A  }
0x26: {  	[smem:$0x3F92] =	sst s1;
	(tag) =	ssettag s2;
	_ =	strace s9  }
0x27: {  	s1 =	sld [smem:$0x3FA2]  }
0x28: {  	s2 =	sld [smem:$0x3FA3]  }
0x29: {  	s4 =	sld [smem:$0x3FA5]  }
0x2a: {  	p0 =	seq.s32 s5, $0x0;
	s5 =	sld [smem:$0x3FA6]  }
0x2b: {  	s6 =	sld [smem:$0x3FA7]  }
0x2c: {  	s7 =	sld [smem:$0x3FA8]  }
0x2d: {  	s3 =	simm.s32 $0x108;
	s8 =	sld [smem:$0x3FA9]  }
0x2e: {  	s3 =	simm.s32 @!p0 $0x1082;
	s9 =	sld [smem:$0x3FAA]  }
0x2f: {  	lr =	sadd.s32 s0, s3;
	s0 =	sld [smem:$0x3FA1]  }
0x30: {  	s3 =	sld [smem:$0x3FA4]  }
0x31: {  	[smem:$0x3FAD] =	sst s10  }
0x32: {  	s10 =	sld [smem:$0x3FAB];
	_ =	sdelay $0x3  }
0x33: {  	p0 =	seq.s32 s10, $0x1;
	s10 =	sld [smem:$0x3FAD];
	_ =	sdelay $0x3  }
0x34: {  	[smem:$0x3FAD] =	sst s10  }
0x35: {  	s10 =	sld [smem:$0x3FAC];
	_ =	sdelay $0x3  }
0x36: {  	p1 =	seq.s32 s10, $0x1;
	s10 =	sld [smem:$0x3FAD];
	_ =	sdelay $0x3  }
0x37: {  	[smem:$0x3FAD] =	sst s10  }
0x38: {  	s10 =	sld [smem:$0x3FAE]  }
0x39: {  	_ = 	snop;
	(pc) =	sbr.ind lr, $3  }
0x3a: {  	_ = 	snop  }
0x3b: {  	_ = 	snop  }
0x3c: {  	p2 =	seq.s32 s10, $0x1;
	s10 =	sld [smem:$0x3FAD]  }
0x3d: {  	_ =	shalt  }
0x3e: {  	_ =	shalt  }
0x3f: {  	_ =	shalt  }
0x40: {  	_ =	shalt  }
0x41: {  	_ =	shalt  }
0x42: {  	_ =	shalt  }
0x43: {  	_ =	shalt  }
0x44: {  	_ =	shalt  }
0x45: {  	_ =	shalt  }
0x46: {  	_ =	shalt  }
0x47: {  	_ =	shalt  }
0x48: {  	_ =	shalt  }
0x49: {  	_ =	shalt  }
0x4a: {  	_ =	shalt  }
0x4b: {  	_ =	shalt  }
0x4c: {  	_ =	shalt  }
0x4d: {  	_ =	shalt  }
0x4e: {  	_ =	shalt  }
0x4f: {  	_ =	shalt  }
0x50: {  	_ =	shalt  }
0x51: {  	_ =	shalt  }
0x52: {  	_ =	shalt  }
0x53: {  	_ =	shalt  }
0x54: {  	_ =	shalt  }
0x55: {  	_ =	shalt  }
0x56: {  	_ =	shalt  }
0x57: {  	_ =	shalt  }
0x58: {  	_ =	shalt  }
0x59: {  	_ =	shalt  }
0x5a: {  	_ =	shalt  }
0x5b: {  	_ =	shalt  }
0x5c: {  	_ =	shalt  }
0x5d: {  	_ =	shalt  }
0x5e: {  	_ =	shalt  }
0x5f: {  	_ =	shalt  }
0x60: {  	_ =	shalt  }
0x61: {  	_ =	shalt  }
0x62: {  	_ =	shalt  }
0x63: {  	_ =	shalt  }
0x64: {  	_ =	shalt  }
0x65: {  	_ =	shalt  }
0x66: {  	_ =	shalt  }
0x67: {  	_ =	shalt  }
0x68: {  	_ =	shalt  }
0x69: {  	_ =	shalt  }
0x6a: {  	_ =	shalt  }
0x6b: {  	_ =	shalt  }
0x6c: {  	_ =	shalt  }
0x6d: {  	_ =	shalt  }
0x6e: {  	_ =	shalt  }
0x6f: {  	_ =	shalt  }
0x70: {  	_ =	shalt  }
0x71: {  	_ =	shalt  }
0x72: {  	_ =	shalt  }
0x73: {  	_ =	shalt  }
0x74: {  	_ =	shalt  }
0x75: {  	_ =	shalt  }
0x76: {  	_ =	shalt  }
0x77: {  	_ =	shalt  }
0x78: {  	_ =	shalt  }
0x79: {  	_ =	shalt  }
0x7a: {  	_ =	shalt  }
0x7b: {  	_ =	shalt  }
0x7c: {  	_ =	shalt  }
0x7d: {  	_ =	shalt  }
0x7e: {  	_ =	shalt  }
0x7f: {  	_ =	shalt  }
0x80: {  	_ =	shalt  }
0x81: {  	_ =	shalt  }
0x82: {  	_ =	shalt  }
0x83: {  	_ =	shalt  }
0x84: {  	_ =	shalt  }
0x85: {  	_ =	shalt  }
0x86: {  	_ =	shalt  }
0x87: {  	_ =	shalt  }
.Lfunc_end0:
.L_simem_size_0:
called_computation.4_lowered:
.L_overlay_start_0:
0x88: {  	s2 =	sld [smem:$0x3FD9]  }
0x89: {  	s3 =	sld [smem:$0x3FFE];
	_ =	sdelay $0x1  }
0x8a: {  	s1 =	srdreg.scid  }
0x8b: {  	s0 =	sand.u32 $0x1, s1  }
0x8c: {  	s16 =	sshll.u32 s0, $0xA;
	s2 =	sadd.s32 s3, s2  }
0x8d: {  	s2 =	sadd.s32 s2, s16  }
0x8e: {  	[smem:$0x3FB9] =	sst s2  }
0x8f: {  	_ = 	snop  }
0x90: {  	(tm) =	ssettm $0x1  }
0x91: {  	s17 =	sld [smem:$0x3FFB];
	_ =	sdelay $0x3  }
0x92: {  	_ =	strace s17  }
0x93: {  	s2 =	sld [smem:$0x3FFC];
	_ =	sdelay $0x3  }
0x94: {  	_ =	strace s2  }
0x95: {  	s2 =	sld [smem:$0x3FFD];
	_ =	sdelay $0x3  }
0x96: {  	_ =	strace s2  }
0x97: {  	_ =	strace $0x8FFFFFFF  }
0x98: {  	s18 =	sld [smem:$0x3FDB];
	_ =	sdelay $0x1  }
0x99: {  	s19 =	simm.s32 $_scs_section_size  }
0x9a: {  	s4 =	simm.s32 $_size__tile_overlayer_lowered;
	s5 =	simm.s32 $_tile_overlayer_lowered  }
0x9b: {  	s22 =	simm.s32 $0x1BFF;
	s21 =	sshll.u32 s5, $0x1;
	s2 =	sadd.s32 s19, s18  }
0x9c: {  	s6 =	simm.s32 $0x0;
	s20 =	sshll.u32 s4, $0x1;
	s4 =	sadd.s32 s21, s2  }
0x9d: {  	[timem:s6], [sflag:s22] =	dma.local [hbm:s4], s20  }
0x9e: {  	_ =	swait.ge [sflag:s22], s20  }
0x9f: {  	s3 =	ssub.s32 $0x0, s20;
	[sflag:s22] =	ssyncset.done $0x0  }
0xa0: {  	[sflag:s22] =	ssyncadd.s32 s3;
	_ =	sdelay $0x1  }
0xa1: {  	s23 =	simm.s32 $0x1B8B  }
0xa2: {  	_ =	swait.ge [sflag:s23], $0x1  }
0xa3: {  	[sflag:s23] =	ssyncset.done $0x0  }
0xa4: {  	s25 =	simm.s32 $0x1B8E;
	s24 =	sld [smem:$0x3FFE];
	[sflag:s23] =	ssyncadd.s32 $0xFFFFFFFF  }
0xa5: {  	s26 =	simm.s32 $execute0_lowered;
	[smem:$0x3FD2] =	sst s25  }
0xa6: {  	s4 =	sshll.u32 s26, $0x1;
	_ =	strace $0x80000052;
	[dreg:$0x1] =	wrdreg $0xFFFFFFFF  }
0xa7: {  	s28 =	simm.s32 $_size_execute0_lowered;
	s2 =	sadd.s32 s2, s4;
	[dreg:$0x0] =	wrdreg $0x0  }
0xa8: {  	s4 =	sshll.u32 s28, $0x1;
	[dreg:$0x2] =	wrdreg s2  }
0xa9: {  	[dreg:$0x3] =	wrdreg s4  }
0xaa: {  	[dreg:$0x4] =	wrdreg $0xC0  }
0xab: {  	_ =	task [dreg:s6], $0x5FFFF  }
0xac: {  	[dreg:$0x1] =	wrdreg $0xFFFFFFFF  }
0xad: {  	[dreg:$0x0] =	wrdreg $0x60  }
0xae: {  	[dreg:$0x2] =	wrdreg s24  }
0xaf: {  	[dreg:$0x3] =	wrdreg $0x41000  }
0xb0: {  	[dreg:$0x4] =	wrdreg $0x9  }
0xb1: {  	_ =	task.clear_ibuf [dreg:s6], $0x5FFFF;
	_ =	strace $0x90000052  }
0xb2: {  	s29 =	simm.s32 $0x9;
	_ =	strace $0x80000054  }
0xb3: {  	_ =	swait.ge [sflag:s29], $0x1  }
0xb4: {  	[sflag:s29] =	ssyncadd.s32 $0xFFFFFFFF  }
0xb5: {  	_ =	strace $0x90000054  }
0xb6: {  	_ =	sfence  }
0xb7: {  	s30 =	sld [smem:$0x0];
	_ =	sdelay $0x2  }
0xb8: {  	s31 =	sshll.u32 s1, $0xD;
	s1 =	sshrl.u32 s1, $0x2  }
0xb9: {  	s3 =	sand.u32 $0x4000, s31;
	s1 =	sadd.s32 s1, s30  }
0xba: {  	s0 =	sor.u32 s3, s0;
	s1 =	sshll.u32 s1, $0x11  }
0xbb: {  	s0 =	sor.u32 s1, s0  }
0xbc: {  	s0 =	sadd.s32 $0x8F2B, s0  }
0xbd: {  	[sflag:s0] =	ssyncadd.remote.s32 $0x1  }
0xbe: {  	_ =	sfence.sel $0xFFFF  }
0xbf: {  	[dreg:$0x0] =	wrdreg $0xFFFFFFFF;
	(pc) =	sbr.abs _section_cstart, $3  }
0xc0: {  	[dreg:$0x1] =	wrdreg $0xFFFFFFFF  }
0xc1: {  	_ =	task.clear_ibuf [dreg:s6], $0x2FFFF;
	_ =	strace $0x9FFFFFFF  }
0xc2: {  	(tm) =	ssettm $0x7FFFFFFF  }
0xc3: {  	_ =	shalt  }
tec
execute0_lowered:
.L_overlay_start_1:
0x0: {  	(tag) =	ssettag $0x1  }
0x1: {  	s5 =	rddreg [dreg:$0x0]  }
0x2: {  	s2 =	rddreg [dreg:$0x1]  }
0x3: {  	s0 =	rddreg [dreg:$0x2];
	s1 =	stileid.u32  }
0x4: {  	s3 =	simm.s32 $0x0;
	s25 =	srdreg.scid;
	s6 =	smul.u32 $0x4F0, s1  }
0x5: {  	[smem:$0x7FF] =	sst s3;
	s7 =	smul.u32 $0x3200, s1  }
0x6: {  	s4 =	sadd.s32 $0xA1200, s5;
	s8 =	smul.u32 $0x320, s1;
	s9 =	sadd.s32 $0x13D600, s5  }
0x7: {  	s10 =	smul.u32 $0x64000, s1;
	s30 =	sshll.u32 s1, $0x6;
	_ =	strace $0x80000053  }
0x8: {  	s11 =	sadd.s32 s6, s5;
	s7 =	sadd.s32 s7, s5;
	s6 =	sand.u32 $0x1, s25  }
0x9: {  	s28 =	sshrl.u32 s10, $0x2;
	s26 =	ssub.s32 $0x2, s6;
	s13 =	smul.u32 $0x6400, s6  }
0xa: {  	s14 =	sshllo.u32 s6, $0x1;
	s15 =	smul.u32 $0x4E20, s6;
	s16 =	sadd.s32 s28, s2  }
0xb: {  	s5 =	sadd.s32 $0x6F200, s7;
	s6 =	sor.u32 $0x1C02, s30;
	s10 =	sadd.s32 $0x6A200, s11  }
0xc: {  	s11 =	sadd.s32 $0x3000, s11;
	s12 =	sshrl.u32 s26, $0x1;
	s29 =	smul.u32 $0x3200, s14  }
0xd: {  	s17 =	smul.u32 $0x2710, s14;
	s14 =	simm.s32 $0x80;
	s12 =	ssub.s32 s26, s12  }
0xe: {  	s31 =	sadd.s32 s8, s13;
	s13 =	simm.s32 $0x2;
	s8 =	sadd.s32 s8, s29  }
0xf: {  	v0 =	vmov s15;
	s15 =	simm.s32 $0x100;
	s7 =	sshll.u32 s31, $0x4;
	s8 =	sshll.u32 s8, $0x4  }
0x10: {  	v1 =	vmov s17;
	s17 =	simm.s32 $0x0;
	s7 =	sadd.s32 s9, s7;
	s8 =	sadd.s32 s9, s8  }
0x11: {  	s9 =	smax.u32 s12, $0x1;
	s12 =	sshrl.u32 s16, $0x3;
	s16 =	simm.s32 $0x1  }
.LBB2_1:
0x12: {  	[spmem:s12], [sflag:s6] =	dma.local [hbm:s5], $0x3200  }
0x13: {  	_ =	swait.ge [sflag:s13], $0x3200  }
0x14: {  	[sflag:s13] =	ssyncset.done $0x0  }
0x15: {  	[sflag:s13] =	ssyncadd.s32 $0xFFFFCE00  }
0x16: {  	s18 =	sadd.s32 $0x0, s11;
	[bflag:$0x0] =	sbarrier.arrive $0xFFFF  }
0x17: {  	[tilespmem:s3], [sflag:$0x2] =	stream.linear.gather [hbm4b:s18+s3], $0x80, $0x38;
	[tilespmem:$0x1D100] =	vst v63  }
0x18: {  	_ =	swait.ge [sflag:s13], $0x80  }
0x19: {  	[sflag:s13] =	ssyncset.done $0x0  }
0x1a: {  	s31 =	sadd.s32 $0x0, s10;
	[sflag:s13] =	ssyncadd.s32 $0xFFFFFF80  }
0x1b: {  	[tilespmem:s14], [sflag:$0x2] =	stream.linear.gather [hbm4b:s31+s3], $0x80, $0x38;
	[tilespmem:$0x1D100] =	vst v63  }
0x1c: {  	_ =	swait.ge [sflag:s13], $0x80  }
0x1d: {  	[sflag:s13] =	ssyncset.done $0x0  }
0x1e: {  	[sflag:s13] =	ssyncadd.s32 $0xFFFFFF80  }
0x1f: {  	v2 =	vld [tilespmem:$0x70]  }
0x20: {  	v3 =	vld [tilespmem:$0x30]  }
0x21: {  	v6 =	vld [tilespmem:$0x20]  }
0x22: {  	v4 =	vld [tilespmem:$0x50]  }
0x23: {  	v5 =	vld [tilespmem:$0x60]  }
0x24: {  	v7 =	vld [tilespmem:$0x10];
	v2 =	vadd.s32 v0, v2  }
0x25: {  	v8 =	vld [tilespmem:$0x40];
	v3 =	vadd.s32 v0, v3;
	[tilespmem:$0x70] =	vst v2  }
0x26: {  	v63 =	vadd.s32 v0, v6;
	v2 =	vld [tilespmem:$0x0];
	[tilespmem:$0x30] =	vst v3  }
0x27: {  	v3 =	vadd.s32 v0, v4;
	[tilespmem:$0x20] =	vst v63  }
0x28: {  	[tilespmem:$0x50] =	vst v3;
	v3 =	vadd.s32 v0, v5  }
0x29: {  	[tilespmem:$0x60] =	vst v3;
	v3 =	vadd.s32 v0, v7  }
0x2a: {  	[tilespmem:$0x10] =	vst v3;
	v3 =	vadd.s32 v0, v8  }
0x2b: {  	[tilespmem:$0x40] =	vst v3;
	v2 =	vadd.s32 v0, v2  }
0x2c: {  	s18 =	simm.s32 $0x10;
	[tilespmem:$0x0] =	vst v2  }
.LBB2_2:
0x2d: {  	[tilespmem:s15], [sflag:$0x1] =	stream.indirect.gather [hbm4b:s4+s14], $0x80, s3, s14, $0xb8;
	[tilespmem:$0x1D100] =	vst v63  }
0x2e: {  	s19 =	smov.u32 s18  }
0x2f: {  	p0 =	sne.s32 s18, $0x4E0;
	s18 =	sadd.s32 $0x10, s18;
	_ =	swait.ge [sflag:s16], $0x4000  }
0x30: {  	[sflag:s16] =	ssyncset.done $0x0  }
0x31: {  	[sflag:s16] =	ssyncadd.s32 $0xFFFFC000  }
0x32: {  	[spmem:s2] =	stream.indirect.scatter.add.f32 [tilespmem:s15], [sflag:$0x2], $0x80, s14, s14, $0xb8;
	[tilespmem:$0x1D100] =	vst v63  }
0x33: {  	_ =	swait.ge [sflag:s13], $0x4000  }
0x34: {  	[sflag:s13] =	ssyncset.done $0x0  }
0x35: {  	s20 =	sadd.s32 s19, s11;
	[sflag:s13] =	ssyncadd.s32 $0xFFFFC000  }
0x36: {  	[tilespmem:s3], [sflag:$0x2] =	stream.linear.gather [hbm4b:s20+s3], $0x80, $0x38;
	[tilespmem:$0x1D100] =	vst v63  }
0x37: {  	_ =	swait.ge [sflag:s13], $0x80  }
0x38: {  	[sflag:s13] =	ssyncset.done $0x0  }
0x39: {  	s19 =	sadd.s32 s19, s10;
	[sflag:s13] =	ssyncadd.s32 $0xFFFFFF80  }
0x3a: {  	[tilespmem:s14], [sflag:$0x2] =	stream.linear.gather [hbm4b:s19+s3], $0x80, $0x38;
	[tilespmem:$0x1D100] =	vst v63  }
0x3b: {  	_ =	swait.ge [sflag:s13], $0x80  }
0x3c: {  	[sflag:s13] =	ssyncset.done $0x0  }
0x3d: {  	[sflag:s13] =	ssyncadd.s32 $0xFFFFFF80  }
0x3e: {  	v2 =	vld [tilespmem:$0x70]  }
0x3f: {  	v3 =	vld [tilespmem:$0x30]  }
0x40: {  	v4 =	vld [tilespmem:$0x50]  }
0x41: {  	v5 =	vld [tilespmem:$0x60]  }
0x42: {  	v6 =	vld [tilespmem:$0x20]  }
0x43: {  	v7 =	vld [tilespmem:$0x10];
	v2 =	vadd.s32 v0, v2  }
0x44: {  	v3 =	vadd.s32 v0, v3;
	v8 =	vld [tilespmem:$0x40];
	[tilespmem:$0x70] =	vst v2  }
0x45: {  	v2 =	vld [tilespmem:$0x0];
	[tilespmem:$0x30] =	vst v3;
	v3 =	vadd.s32 v0, v4  }
0x46: {  	[tilespmem:$0x50] =	vst v3;
	v3 =	vadd.s32 v0, v5  }
.Ltmp0:
0x47: {  	v4 =	vadd.s32 v0, v6;
	[tilespmem:$0x60] =	vst v3;
	(pc) =	sbr.rel @p0 .LBB2_2-.Ltmp0, $4  }
0x48: {  	v3 =	vadd.s32 v0, v7;
	[tilespmem:$0x20] =	vst v4  }
0x49: {  	[tilespmem:$0x10] =	vst v3;
	v3 =	vadd.s32 v0, v8  }
0x4a: {  	v2 =	vadd.s32 v0, v2;
	[tilespmem:$0x40] =	vst v3  }
0x4b: {  	[tilespmem:$0x0] =	vst v2  }
0x4c: {  	[tilespmem:s15], [sflag:$0x1] =	stream.indirect.gather [hbm4b:s4+s14], $0x80, s3, s14, $0xb8;
	[tilespmem:$0x1D100] =	vst v63  }
0x4d: {  	_ =	swait.ge [sflag:s16], $0x4000  }
0x4e: {  	[sflag:s16] =	ssyncset.done $0x0  }
0x4f: {  	[sflag:s16] =	ssyncadd.s32 $0xFFFFC000  }
0x50: {  	[spmem:s2] =	stream.indirect.scatter.add.f32 [tilespmem:s15], [sflag:$0x2], $0x80, s14, s14, $0xb8;
	[tilespmem:$0x1D100] =	vst v63  }
0x51: {  	_ =	swait.ge [sflag:s13], $0x4000  }
0x52: {  	[sflag:s13] =	ssyncset.done $0x0  }
0x53: {  	[sflag:s13] =	ssyncadd.s32 $0xFFFFC000  }
0x54: {  	[bflag:$0x0] =	sbarrier.arrive $0xFFFF  }
0x55: {  	[hbm:s7], [sflag:s6] =	dma.local [spmem:s12], $0x3200  }
0x56: {  	_ =	swait.ge [sflag:s13], $0x3200  }
0x57: {  	[sflag:s13] =	ssyncset.done $0x0  }
0x58: {  	[sflag:s13] =	ssyncadd.s32 $0xFFFFCE00  }
0x59: {  	[bflag:$0x0] =	sbarrier.arrive $0xFFFF  }
0x5a: {  	[spmem:s12], [sflag:s6] =	dma.local [hbm:s5], $0x3200  }
0x5b: {  	_ =	swait.ge [sflag:s13], $0x3200  }
0x5c: {  	[sflag:s13] =	ssyncset.done $0x0  }
0x5d: {  	[sflag:s13] =	ssyncadd.s32 $0xFFFFCE00  }
0x5e: {  	s18 =	sadd.s32 $0x0, s11;
	[bflag:$0x0] =	sbarrier.arrive $0xFFFF  }
0x5f: {  	[tilespmem:s3], [sflag:$0x2] =	stream.linear.gather [hbm4b:s18+s3], $0x80, $0x38;
	[tilespmem:$0x1D100] =	vst v63  }
0x60: {  	_ =	swait.ge [sflag:s13], $0x80  }
0x61: {  	[sflag:s13] =	ssyncset.done $0x0  }
0x62: {  	s31 =	sadd.s32 $0x0, s10;
	[sflag:s13] =	ssyncadd.s32 $0xFFFFFF80  }
0x63: {  	[tilespmem:s14], [sflag:$0x2] =	stream.linear.gather [hbm4b:s31+s3], $0x80, $0x38;
	[tilespmem:$0x1D100] =	vst v63  }
0x64: {  	_ =	swait.ge [sflag:s13], $0x80  }
0x65: {  	[sflag:s13] =	ssyncset.done $0x0  }
0x66: {  	[sflag:s13] =	ssyncadd.s32 $0xFFFFFF80  }
0x67: {  	v2 =	vld [tilespmem:$0x70]  }
0x68: {  	v3 =	vld [tilespmem:$0x30]  }
0x69: {  	v6 =	vld [tilespmem:$0x20]  }
0x6a: {  	v4 =	vld [tilespmem:$0x50]  }
0x6b: {  	v5 =	vld [tilespmem:$0x60]  }
0x6c: {  	v7 =	vld [tilespmem:$0x10];
	v2 =	vadd.s32 v1, v2  }
0x6d: {  	v8 =	vld [tilespmem:$0x40];
	v3 =	vadd.s32 v1, v3;
	[tilespmem:$0x70] =	vst v2  }
0x6e: {  	v63 =	vadd.s32 v1, v6;
	v2 =	vld [tilespmem:$0x0];
	[tilespmem:$0x30] =	vst v3  }
0x6f: {  	v3 =	vadd.s32 v1, v4;
	[tilespmem:$0x20] =	vst v63  }
0x70: {  	[tilespmem:$0x50] =	vst v3;
	v3 =	vadd.s32 v1, v5  }
0x71: {  	[tilespmem:$0x60] =	vst v3;
	v3 =	vadd.s32 v1, v7  }
0x72: {  	[tilespmem:$0x10] =	vst v3;
	v3 =	vadd.s32 v1, v8  }
0x73: {  	[tilespmem:$0x40] =	vst v3;
	v2 =	vadd.s32 v1, v2  }
0x74: {  	s18 =	simm.s32 $0x10;
	[tilespmem:$0x0] =	vst v2  }
.LBB2_4:
0x75: {  	[tilespmem:s15], [sflag:$0x1] =	stream.indirect.gather [hbm4b:s4+s14], $0x80, s3, s14, $0xb8;
	[tilespmem:$0x1D100] =	vst v63  }
0x76: {  	s19 =	smov.u32 s18  }
0x77: {  	p0 =	sne.s32 s18, $0x4E0;
	s18 =	sadd.s32 $0x10, s18;
	_ =	swait.ge [sflag:s16], $0x4000  }
0x78: {  	[sflag:s16] =	ssyncset.done $0x0  }
0x79: {  	[sflag:s16] =	ssyncadd.s32 $0xFFFFC000  }
0x7a: {  	[spmem:s2] =	stream.indirect.scatter.add.f32 [tilespmem:s15], [sflag:$0x2], $0x80, s14, s14, $0xb8;
	[tilespmem:$0x1D100] =	vst v63  }
0x7b: {  	_ =	swait.ge [sflag:s13], $0x4000  }
0x7c: {  	[sflag:s13] =	ssyncset.done $0x0  }
0x7d: {  	s20 =	sadd.s32 s19, s11;
	[sflag:s13] =	ssyncadd.s32 $0xFFFFC000  }
0x7e: {  	[tilespmem:s3], [sflag:$0x2] =	stream.linear.gather [hbm4b:s20+s3], $0x80, $0x38;
	[tilespmem:$0x1D100] =	vst v63  }
0x7f: {  	_ =	swait.ge [sflag:s13], $0x80  }
0x80: {  	[sflag:s13] =	ssyncset.done $0x0  }
0x81: {  	s19 =	sadd.s32 s19, s10;
	[sflag:s13] =	ssyncadd.s32 $0xFFFFFF80  }
0x82: {  	[tilespmem:s14], [sflag:$0x2] =	stream.linear.gather [hbm4b:s19+s3], $0x80, $0x38;
	[tilespmem:$0x1D100] =	vst v63  }
0x83: {  	_ =	swait.ge [sflag:s13], $0x80  }
0x84: {  	[sflag:s13] =	ssyncset.done $0x0  }
0x85: {  	[sflag:s13] =	ssyncadd.s32 $0xFFFFFF80  }
0x86: {  	v2 =	vld [tilespmem:$0x70]  }
0x87: {  	v3 =	vld [tilespmem:$0x30]  }
0x88: {  	v4 =	vld [tilespmem:$0x50]  }
0x89: {  	v5 =	vld [tilespmem:$0x60]  }
0x8a: {  	v6 =	vld [tilespmem:$0x20]  }
0x8b: {  	v7 =	vld [tilespmem:$0x10];
	v2 =	vadd.s32 v1, v2  }
0x8c: {  	v3 =	vadd.s32 v1, v3;
	v8 =	vld [tilespmem:$0x40];
	[tilespmem:$0x70] =	vst v2  }
0x8d: {  	v2 =	vld [tilespmem:$0x0];
	[tilespmem:$0x30] =	vst v3;
	v3 =	vadd.s32 v1, v4  }
0x8e: {  	[tilespmem:$0x50] =	vst v3;
	v3 =	vadd.s32 v1, v5  }
.Ltmp1:
0x8f: {  	v4 =	vadd.s32 v1, v6;
	[tilespmem:$0x60] =	vst v3;
	(pc) =	sbr.rel @p0 .LBB2_4-.Ltmp1, $4  }
0x90: {  	v3 =	vadd.s32 v1, v7;
	[tilespmem:$0x20] =	vst v4  }
0x91: {  	[tilespmem:$0x10] =	vst v3;
	v3 =	vadd.s32 v1, v8  }
0x92: {  	v2 =	vadd.s32 v1, v2;
	[tilespmem:$0x40] =	vst v3  }
0x93: {  	[tilespmem:$0x0] =	vst v2  }
0x94: {  	[tilespmem:s15], [sflag:$0x1] =	stream.indirect.gather [hbm4b:s4+s14], $0x80, s3, s14, $0xb8;
	[tilespmem:$0x1D100] =	vst v63  }
0x95: {  	_ =	swait.ge [sflag:s16], $0x4000  }
0x96: {  	[sflag:s16] =	ssyncset.done $0x0  }
0x97: {  	[sflag:s16] =	ssyncadd.s32 $0xFFFFC000  }
0x98: {  	[spmem:s2] =	stream.indirect.scatter.add.f32 [tilespmem:s15], [sflag:$0x2], $0x80, s14, s14, $0xb8;
	[tilespmem:$0x1D100] =	vst v63  }
0x99: {  	_ =	swait.ge [sflag:s13], $0x4000  }
0x9a: {  	[sflag:s13] =	ssyncset.done $0x0  }
0x9b: {  	s17 =	sadd.s32 $0x1, s17;
	[sflag:s13] =	ssyncadd.s32 $0xFFFFC000  }
0x9c: {  	p0 =	sne.s32 s17, s9;
	[bflag:$0x0] =	sbarrier.arrive $0xFFFF  }
0x9d: {  	[hbm:s8], [sflag:s6] =	dma.local [spmem:s12], $0x3200  }
.Ltmp2:
0x9e: {  	_ =	swait.ge [sflag:s13], $0x3200;
	(pc) =	sbr.rel @p0 .LBB2_1-.Ltmp2, $3  }
0x9f: {  	[sflag:s13] =	ssyncset.done $0x0  }
0xa0: {  	[sflag:s13] =	ssyncadd.s32 $0xFFFFCE00  }
0xa1: {  	[bflag:$0x0] =	sbarrier.arrive $0xFFFF;
	_ =	sdelay $0x1  }
0xa2: {  	_ =	sfence.sel $0x180000  }
0xa3: {  	[bflag:$0x0] =	sbarrier.arrive $0xFFFF  }
0xa4: {  	p0 =	sne.s32 s1, $0x0;
	_ =	strace $0x90000053  }
0xa5: {  	s0 =	sadd.s32 @!p0 $0x100000, s0;
	[bflag:$0x2] =	sbarrier.arrive $0xFFFF  }
0xa6: {  	[sflag:s0] =	ssyncadd.tile.s32 @!p0 $0x1;
	_ =	shalt  }
.Lfunc_end2:
_tile_overlayer_lowered:
.L_overlay_start_2:
0xa7: {  	(tag) =	ssettag $0x2  }
0xa8: {  	s0 =	rddreg [dreg:$0x0];
	s2 =	stileid.u32  }
0xa9: {  	s1 =	rddreg [dreg:$0x1];
	p0 =	sne.s32 s2, $0x0  }
0xaa: {  	s3 =	rddreg [dreg:$0x2];
	[bflag:$0x3] =	sbarrier.arrive $0xFFFF;
	s2 =	simm.s32 @!p0 $0x1C02  }
0xab: {  	[timem:s3], [sflag:s2] =	dma.local @!p0 [hbm:s0], s1  }
0xac: {  	s0 =	simm.s32 @!p0 $0x2  }
0xad: {  	_ =	swait.ge @!p0 [sflag:s0], s1  }
0xae: {  	s1 =	ssub.s32 @!p0 $0x0, s1;
	[sflag:s0] =	ssyncset.done @!p0 $0x0  }
0xaf: {  	[sflag:s0] =	ssyncadd.s32 @!p0 s1  }
0xb0: {  	[bflag:$0x3] =	sbarrier.arrive $0xFFFF  }
0xb1: {  	_ =	shalt  }

// kernel: kernel.20.cloned.1.call-start
scs
__scs_entry_jumppad:
0x0: {  	(pc) =	sbr.rel $0x88, $3  }
0x1: {  	(tag) =	ssettag $0x0;
	lr =	simm.s32 $0x1  }
0x2: {  	[smem:$0x3F92] =	sst lr;
	_ =	strace $0xD0000000  }
0x3: {  	_ = 	snop  }
0x4: {  	_ = 	snop  }
0x5: {  	_ = 	snop  }
0x6: {  	_ = 	snop  }
0x7: {  	_ = 	snop  }
__scs_overlays_trampoline_lowered:
0x8: {  	[smem:$0x3FA1] =	sst s0  }
0x9: {  	[smem:$0x3FA2] =	sst s1  }
0xa: {  	[smem:$0x3FA3] =	sst s2  }
0xb: {  	[smem:$0x3FA4] =	sst s3  }
0xc: {  	[smem:$0x3FA5] =	sst s4  }
0xd: {  	[smem:$0x3FA6] =	sst s5  }
0xe: {  	[smem:$0x3FA7] =	sst s6  }
0xf: {  	[smem:$0x3FA8] =	sst s7  }
0x10: {  	[smem:$0x3FA9] =	sst s8  }
0x11: {  	[smem:$0x3FAA] =	sst s9;
	s0 =	simm.s32 @!p0 $0x0  }
0x12: {  	s1 =	sld [smem:$0x3F90];
	s0 =	simm.s32 @p0 $0x1  }
0x13: {  	[smem:$0x3FAB] =	sst s0;
	s0 =	simm.s32 @!p1 $0x0  }
0x14: {  	s2 =	sld [smem:$0x3F8F];
	s0 =	simm.s32 @p1 $0x1  }
0x15: {  	[smem:$0x3FAC] =	sst s0;
	s0 =	simm.s32 @!p2 $0x0  }
0x16: {  	s3 =	sld [smem:$0x3FDB];
	s0 =	simm.s32 @p2 $0x1  }
0x17: {  	s4 =	simm.s32 $0x1BF5;
	[smem:$0x3FAE] =	sst s0  }
0x18: {  	s0 =	sld [smem:$0x3F91];
	_ =	swait.ge [sflag:s4], $0x0  }
0x19: {  	s7 =	sld [smem:$0x3F92]  }
0x1a: {  	s8 =	sadd.s32 $0xFFFFE003, lr  }
0x1b: {  	s9 =	sadd.s32 $0xFFFFFEF7, lr;
	s5 =	simm.s32 $0xFFFFFFFF;
	p2 =	slt.u32 s8, $0xFFFFF086  }
0x1c: {  	p1 =	slt.u32 s9, $0xF7A;
	s5 =	simm.s32 @!p2 $0x0  }
0x1d: {  	s5 =	simm.s32 @p1 $0x1;
	p0 =	seq.s32 s7, s2  }
0x1e: {  	s7 =	smul.u32 @!p0 $0xF7A, s2;
	p2 =	seq.s32 @!p0 s5, $0x0  }
0x1f: {  	s9 =	smul.u32 $0xF7A, s1;
	s8 =	simm.s32 @!p0 $0x1BF5;
	p2 =	por !p2, p0  }
0x20: {  	[sflag:s8] =	ssyncset.s32 @!p0 $0xFFFFF086;
	s6 =	sadd.s32 @!p0 s3, s7;
	s7 =	simm.s32 @!p0 $0x108  }
0x21: {  	s3 =	sadd.s32 s3, s9;
	s6 =	sadd.s32 @!p0 $0x88, s6;
	s7 =	simm.s32 @p2 $0x1082  }
0x22: {  	[simem:s7], [sflag:s8] =	dma.local @!p0 [hbm:s6], $0xF7A  }
0x23: {  	s9 =	sor.u32 $0xD0000000, s2;
	s6 =	simm.s32 $0x108;
	_ =	swait.ge @!p0 [sflag:s8], $0x0  }
0x24: {  	s3 =	sadd.s32 $0x88, s3;
	s6 =	simm.s32 @!p1 $0x1082;
	[sflag:s4] =	ssyncset.s32 $0xFFFFF086  }
0x25: {  	[simem:s6], [sflag:s4] =	dma.local [hbm:s3], $0xF7A  }
0x26: {  	[smem:$0x3F92] =	sst s1;
	(tag) =	ssettag s2;
	_ =	strace s9  }
0x27: {  	s1 =	sld [smem:$0x3FA2]  }
0x28: {  	s2 =	sld [smem:$0x3FA3]  }
0x29: {  	s4 =	sld [smem:$0x3FA5]  }
0x2a: {  	p0 =	seq.s32 s5, $0x0;
	s5 =	sld [smem:$0x3FA6]  }
0x2b: {  	s6 =	sld [smem:$0x3FA7]  }
0x2c: {  	s7 =	sld [smem:$0x3FA8]  }
0x2d: {  	s3 =	simm.s32 $0x108;
	s8 =	sld [smem:$0x3FA9]  }
0x2e: {  	s3 =	simm.s32 @!p0 $0x1082;
	s9 =	sld [smem:$0x3FAA]  }
0x2f: {  	lr =	sadd.s32 s0, s3;
	s0 =	sld [smem:$0x3FA1]  }
0x30: {  	s3 =	sld [smem:$0x3FA4]  }
0x31: {  	[smem:$0x3FAD] =	sst s10  }
0x32: {  	s10 =	sld [smem:$0x3FAB];
	_ =	sdelay $0x3  }
0x33: {  	p0 =	seq.s32 s10, $0x1;
	s10 =	sld [smem:$0x3FAD];
	_ =	sdelay $0x3  }
0x34: {  	[smem:$0x3FAD] =	sst s10  }
0x35: {  	s10 =	sld [smem:$0x3FAC];
	_ =	sdelay $0x3  }
0x36: {  	p1 =	seq.s32 s10, $0x1;
	s10 =	sld [smem:$0x3FAD];
	_ =	sdelay $0x3  }
0x37: {  	[smem:$0x3FAD] =	sst s10  }
0x38: {  	s10 =	sld [smem:$0x3FAE]  }
0x39: {  	_ = 	snop;
	(pc) =	sbr.ind lr, $3  }
0x3a: {  	_ = 	snop  }
0x3b: {  	_ = 	snop  }
0x3c: {  	p2 =	seq.s32 s10, $0x1;
	s10 =	sld [smem:$0x3FAD]  }
0x3d: {  	_ =	shalt  }
0x3e: {  	_ =	shalt  }
0x3f: {  	_ =	shalt  }
0x40: {  	_ =	shalt  }
0x41: {  	_ =	shalt  }
0x42: {  	_ =	shalt  }
0x43: {  	_ =	shalt  }
0x44: {  	_ =	shalt  }
0x45: {  	_ =	shalt  }
0x46: {  	_ =	shalt  }
0x47: {  	_ =	shalt  }
0x48: {  	_ =	shalt  }
0x49: {  	_ =	shalt  }
0x4a: {  	_ =	shalt  }
0x4b: {  	_ =	shalt  }
0x4c: {  	_ =	shalt  }
0x4d: {  	_ =	shalt  }
0x4e: {  	_ =	shalt  }
0x4f: {  	_ =	shalt  }
0x50: {  	_ =	shalt  }
0x51: {  	_ =	shalt  }
0x52: {  	_ =	shalt  }
0x53: {  	_ =	shalt  }
0x54: {  	_ =	shalt  }
0x55: {  	_ =	shalt  }
0x56: {  	_ =	shalt  }
0x57: {  	_ =	shalt  }
0x58: {  	_ =	shalt  }
0x59: {  	_ =	shalt  }
0x5a: {  	_ =	shalt  }
0x5b: {  	_ =	shalt  }
0x5c: {  	_ =	shalt  }
0x5d: {  	_ =	shalt  }
0x5e: {  	_ =	shalt  }
0x5f: {  	_ =	shalt  }
0x60: {  	_ =	shalt  }
0x61: {  	_ =	shalt  }
0x62: {  	_ =	shalt  }
0x63: {  	_ =	shalt  }
0x64: {  	_ =	shalt  }
0x65: {  	_ =	shalt  }
0x66: {  	_ =	shalt  }
0x67: {  	_ =	shalt  }
0x68: {  	_ =	shalt  }
0x69: {  	_ =	shalt  }
0x6a: {  	_ =	shalt  }
0x6b: {  	_ =	shalt  }
0x6c: {  	_ =	shalt  }
0x6d: {  	_ =	shalt  }
0x6e: {  	_ =	shalt  }
0x6f: {  	_ =	shalt  }
0x70: {  	_ =	shalt  }
0x71: {  	_ =	shalt  }
0x72: {  	_ =	shalt  }
0x73: {  	_ =	shalt  }
0x74: {  	_ =	shalt  }
0x75: {  	_ =	shalt  }
0x76: {  	_ =	shalt  }
0x77: {  	_ =	shalt  }
0x78: {  	_ =	shalt  }
0x79: {  	_ =	shalt  }
0x7a: {  	_ =	shalt  }
0x7b: {  	_ =	shalt  }
0x7c: {  	_ =	shalt  }
0x7d: {  	_ =	shalt  }
0x7e: {  	_ =	shalt  }
0x7f: {  	_ =	shalt  }
0x80: {  	_ =	shalt  }
0x81: {  	_ =	shalt  }
0x82: {  	_ =	shalt  }
0x83: {  	_ =	shalt  }
0x84: {  	_ =	shalt  }
0x85: {  	_ =	shalt  }
0x86: {  	_ =	shalt  }
0x87: {  	_ =	shalt  }
.Lfunc_end0:
.L_simem_size_0:
called_computation.5_lowered:
.L_overlay_start_0:
0x88: {  	s2 =	sld [smem:$0x3FD9]  }
0x89: {  	s3 =	sld [smem:$0x3FFE];
	_ =	sdelay $0x1  }
0x8a: {  	s1 =	srdreg.scid  }
0x8b: {  	s0 =	sand.u32 $0x1, s1  }
0x8c: {  	s16 =	sshll.u32 s0, $0xA;
	s2 =	sadd.s32 s3, s2  }
0x8d: {  	s2 =	sadd.s32 s2, s16  }
0x8e: {  	[smem:$0x3FB9] =	sst s2  }
0x8f: {  	_ = 	snop  }
0x90: {  	(tm) =	ssettm $0x1  }
0x91: {  	s17 =	sld [smem:$0x3FFB];
	_ =	sdelay $0x3  }
0x92: {  	_ =	strace s17  }
0x93: {  	s2 =	sld [smem:$0x3FFC];
	_ =	sdelay $0x3  }
0x94: {  	_ =	strace s2  }
0x95: {  	s2 =	sld [smem:$0x3FFD];
	_ =	sdelay $0x3  }
0x96: {  	_ =	strace s2  }
0x97: {  	_ =	strace $0x8FFFFFFF  }
0x98: {  	s18 =	sld [smem:$0x3FDB];
	_ =	sdelay $0x1  }
0x99: {  	s19 =	simm.s32 $_scs_section_size  }
0x9a: {  	s4 =	simm.s32 $_size__tile_overlayer_lowered;
	s5 =	simm.s32 $_tile_overlayer_lowered  }
0x9b: {  	s22 =	simm.s32 $0x1BFF;
	s21 =	sshll.u32 s5, $0x1;
	s2 =	sadd.s32 s19, s18  }
0x9c: {  	s6 =	simm.s32 $0x0;
	s20 =	sshll.u32 s4, $0x1;
	s4 =	sadd.s32 s21, s2  }
0x9d: {  	[timem:s6], [sflag:s22] =	dma.local [hbm:s4], s20  }
0x9e: {  	_ =	swait.ge [sflag:s22], s20  }
0x9f: {  	s3 =	ssub.s32 $0x0, s20;
	[sflag:s22] =	ssyncset.done $0x0  }
0xa0: {  	[sflag:s22] =	ssyncadd.s32 s3;
	_ =	sdelay $0x1  }
0xa1: {  	s23 =	simm.s32 $0x1B8B  }
0xa2: {  	_ =	swait.ge [sflag:s23], $0x1  }
0xa3: {  	[sflag:s23] =	ssyncset.done $0x0  }
0xa4: {  	s25 =	simm.s32 $0x1B8E;
	s24 =	sld [smem:$0x3FFE];
	[sflag:s23] =	ssyncadd.s32 $0xFFFFFFFF  }
0xa5: {  	s26 =	simm.s32 $execute0_lowered;
	[smem:$0x3FD2] =	sst s25  }
0xa6: {  	s4 =	sshll.u32 s26, $0x1;
	_ =	strace $0x80000055;
	[dreg:$0x1] =	wrdreg $0xFFFFFFFF  }
0xa7: {  	s28 =	simm.s32 $_size_execute0_lowered;
	s2 =	sadd.s32 s2, s4;
	[dreg:$0x0] =	wrdreg $0x0  }
0xa8: {  	s4 =	sshll.u32 s28, $0x1;
	[dreg:$0x2] =	wrdreg s2  }
0xa9: {  	[dreg:$0x3] =	wrdreg s4  }
0xaa: {  	[dreg:$0x4] =	wrdreg $0xC0  }
0xab: {  	_ =	task [dreg:s6], $0x5FFFF  }
0xac: {  	[dreg:$0x1] =	wrdreg $0xFFFFFFFF  }
0xad: {  	[dreg:$0x0] =	wrdreg $0x60  }
0xae: {  	[dreg:$0x2] =	wrdreg s24  }
0xaf: {  	[dreg:$0x3] =	wrdreg $0x41000  }
0xb0: {  	[dreg:$0x4] =	wrdreg $0x9  }
0xb1: {  	_ =	task.clear_ibuf [dreg:s6], $0x5FFFF;
	_ =	strace $0x90000055  }
0xb2: {  	s29 =	simm.s32 $0x9;
	_ =	strace $0x80000057  }
0xb3: {  	_ =	swait.ge [sflag:s29], $0x1  }
0xb4: {  	[sflag:s29] =	ssyncadd.s32 $0xFFFFFFFF  }
0xb5: {  	_ =	strace $0x90000057  }
0xb6: {  	_ =	sfence  }
0xb7: {  	s30 =	sld [smem:$0x0];
	_ =	sdelay $0x2  }
0xb8: {  	s31 =	sshll.u32 s1, $0xD;
	s1 =	sshrl.u32 s1, $0x2  }
0xb9: {  	s3 =	sand.u32 $0x4000, s31;
	s1 =	sadd.s32 s1, s30  }
0xba: {  	s0 =	sor.u32 s3, s0;
	s1 =	sshll.u32 s1, $0x11  }
0xbb: {  	s0 =	sor.u32 s1, s0  }
0xbc: {  	s0 =	sadd.s32 $0x8F2B, s0  }
0xbd: {  	[sflag:s0] =	ssyncadd.remote.s32 $0x1  }
0xbe: {  	_ =	sfence.sel $0xFFFF  }
0xbf: {  	[dreg:$0x0] =	wrdreg $0xFFFFFFFF;
	(pc) =	sbr.abs _section_cstart, $3  }
0xc0: {  	[dreg:$0x1] =	wrdreg $0xFFFFFFFF  }
0xc1: {  	_ =	task.clear_ibuf [dreg:s6], $0x2FFFF;
	_ =	strace $0x9FFFFFFF  }
0xc2: {  	(tm) =	ssettm $0x7FFFFFFF  }
0xc3: {  	_ =	shalt  }
tec
execute0_lowered:
.L_overlay_start_1:
0x0: {  	(tag) =	ssettag $0x1  }
0x1: {  	s5 =	rddreg [dreg:$0x0]  }
0x2: {  	s2 =	rddreg [dreg:$0x1]  }
0x3: {  	s0 =	rddreg [dreg:$0x2];
	s1 =	stileid.u32  }
0x4: {  	s3 =	simm.s32 $0x0;
	s25 =	srdreg.scid;
	s6 =	smul.u32 $0x4F0, s1  }
0x5: {  	[smem:$0x7FF] =	sst s3;
	s7 =	smul.u32 $0x3200, s1  }
0x6: {  	s4 =	sadd.s32 $0xA1200, s5;
	s8 =	smul.u32 $0x320, s1;
	s9 =	sadd.s32 $0x13D600, s5  }
0x7: {  	s10 =	smul.u32 $0x64000, s1;
	s30 =	sshll.u32 s1, $0x6;
	_ =	strace $0x80000056  }
0x8: {  	s11 =	sadd.s32 s6, s5;
	s7 =	sadd.s32 s7, s5;
	s6 =	sand.u32 $0x1, s25  }
0x9: {  	s28 =	sshrl.u32 s10, $0x2;
	s26 =	ssub.s32 $0x2, s6;
	s13 =	smul.u32 $0x6400, s6  }
0xa: {  	s14 =	sshllo.u32 s6, $0x1;
	s15 =	smul.u32 $0x4E20, s6;
	s16 =	sadd.s32 s28, s2  }
0xb: {  	s5 =	sadd.s32 $0x6F200, s7;
	s6 =	sor.u32 $0x1C02, s30;
	s10 =	sadd.s32 $0x6A200, s11  }
0xc: {  	s11 =	sadd.s32 $0x3000, s11;
	s12 =	sshrl.u32 s26, $0x1;
	s29 =	smul.u32 $0x3200, s14  }
0xd: {  	s17 =	smul.u32 $0x2710, s14;
	s14 =	simm.s32 $0x80;
	s12 =	ssub.s32 s26, s12  }
0xe: {  	s31 =	sadd.s32 s8, s13;
	s13 =	simm.s32 $0x2;
	s8 =	sadd.s32 s8, s29  }
0xf: {  	v0 =	vmov s15;
	s15 =	simm.s32 $0x100;
	s7 =	sshll.u32 s31, $0x4;
	s8 =	sshll.u32 s8, $0x4  }
0x10: {  	v1 =	vmov s17;
	s17 =	simm.s32 $0x0;
	s7 =	sadd.s32 s9, s7;
	s8 =	sadd.s32 s9, s8  }
0x11: {  	s9 =	smax.u32 s12, $0x1;
	s12 =	sshrl.u32 s16, $0x3;
	s16 =	simm.s32 $0x1  }
.LBB2_1:
0x12: {  	[spmem:s12], [sflag:s6] =	dma.local [hbm:s5], $0x3200  }
0x13: {  	_ =	swait.ge [sflag:s13], $0x3200  }
0x14: {  	[sflag:s13] =	ssyncset.done $0x0  }
0x15: {  	[sflag:s13] =	ssyncadd.s32 $0xFFFFCE00  }
0x16: {  	s18 =	sadd.s32 $0x0, s11;
	[bflag:$0x0] =	sbarrier.arrive $0xFFFF  }
0x17: {  	[tilespmem:s3], [sflag:$0x2] =	stream.linear.gather [hbm4b:s18+s3], $0x80, $0x38;
	[tilespmem:$0x1D100] =	vst v63  }
0x18: {  	_ =	swait.ge [sflag:s13], $0x80  }
0x19: {  	[sflag:s13] =	ssyncset.done $0x0  }
0x1a: {  	s31 =	sadd.s32 $0x0, s10;
	[sflag:s13] =	ssyncadd.s32 $0xFFFFFF80  }
0x1b: {  	[tilespmem:s14], [sflag:$0x2] =	stream.linear.gather [hbm4b:s31+s3], $0x80, $0x38;
	[tilespmem:$0x1D100] =	vst v63  }
0x1c: {  	_ =	swait.ge [sflag:s13], $0x80  }
0x1d: {  	[sflag:s13] =	ssyncset.done $0x0  }
0x1e: {  	[sflag:s13] =	ssyncadd.s32 $0xFFFFFF80  }
0x1f: {  	v2 =	vld [tilespmem:$0x70]  }
0x20: {  	v3 =	vld [tilespmem:$0x30]  }
0x21: {  	v6 =	vld [tilespmem:$0x20]  }
0x22: {  	v4 =	vld [tilespmem:$0x50]  }
0x23: {  	v5 =	vld [tilespmem:$0x60]  }
0x24: {  	v7 =	vld [tilespmem:$0x10];
	v2 =	vadd.s32 v0, v2  }
0x25: {  	v8 =	vld [tilespmem:$0x40];
	v3 =	vadd.s32 v0, v3;
	[tilespmem:$0x70] =	vst v2  }
0x26: {  	v63 =	vadd.s32 v0, v6;
	v2 =	vld [tilespmem:$0x0];
	[tilespmem:$0x30] =	vst v3  }
0x27: {  	v3 =	vadd.s32 v0, v4;
	[tilespmem:$0x20] =	vst v63  }
0x28: {  	[tilespmem:$0x50] =	vst v3;
	v3 =	vadd.s32 v0, v5  }
0x29: {  	[tilespmem:$0x60] =	vst v3;
	v3 =	vadd.s32 v0, v7  }
0x2a: {  	[tilespmem:$0x10] =	vst v3;
	v3 =	vadd.s32 v0, v8  }
0x2b: {  	[tilespmem:$0x40] =	vst v3;
	v2 =	vadd.s32 v0, v2  }
0x2c: {  	s18 =	simm.s32 $0x10;
	[tilespmem:$0x0] =	vst v2  }
.LBB2_2:
0x2d: {  	[tilespmem:s15], [sflag:$0x1] =	stream.indirect.gather [hbm4b:s4+s14], $0x80, s3, s14, $0xb8;
	[tilespmem:$0x1D100] =	vst v63  }
0x2e: {  	s19 =	smov.u32 s18  }
0x2f: {  	p0 =	sne.s32 s18, $0x4E0;
	s18 =	sadd.s32 $0x10, s18;
	_ =	swait.ge [sflag:s16], $0x4000  }
0x30: {  	[sflag:s16] =	ssyncset.done $0x0  }
0x31: {  	[sflag:s16] =	ssyncadd.s32 $0xFFFFC000  }
0x32: {  	[spmem:s2] =	stream.indirect.scatter.add.f32 [tilespmem:s15], [sflag:$0x2], $0x80, s14, s14, $0xb8;
	[tilespmem:$0x1D100] =	vst v63  }
0x33: {  	_ =	swait.ge [sflag:s13], $0x4000  }
0x34: {  	[sflag:s13] =	ssyncset.done $0x0  }
0x35: {  	s20 =	sadd.s32 s19, s11;
	[sflag:s13] =	ssyncadd.s32 $0xFFFFC000  }
0x36: {  	[tilespmem:s3], [sflag:$0x2] =	stream.linear.gather [hbm4b:s20+s3], $0x80, $0x38;
	[tilespmem:$0x1D100] =	vst v63  }
0x37: {  	_ =	swait.ge [sflag:s13], $0x80  }
0x38: {  	[sflag:s13] =	ssyncset.done $0x0  }
0x39: {  	s19 =	sadd.s32 s19, s10;
	[sflag:s13] =	ssyncadd.s32 $0xFFFFFF80  }
0x3a: {  	[tilespmem:s14], [sflag:$0x2] =	stream.linear.gather [hbm4b:s19+s3], $0x80, $0x38;
	[tilespmem:$0x1D100] =	vst v63  }
0x3b: {  	_ =	swait.ge [sflag:s13], $0x80  }
0x3c: {  	[sflag:s13] =	ssyncset.done $0x0  }
0x3d: {  	[sflag:s13] =	ssyncadd.s32 $0xFFFFFF80  }
0x3e: {  	v2 =	vld [tilespmem:$0x70]  }
0x3f: {  	v3 =	vld [tilespmem:$0x30]  }
0x40: {  	v4 =	vld [tilespmem:$0x50]  }
0x41: {  	v5 =	vld [tilespmem:$0x60]  }
0x42: {  	v6 =	vld [tilespmem:$0x20]  }
0x43: {  	v7 =	vld [tilespmem:$0x10];
	v2 =	vadd.s32 v0, v2  }
0x44: {  	v3 =	vadd.s32 v0, v3;
	v8 =	vld [tilespmem:$0x40];
	[tilespmem:$0x70] =	vst v2  }
0x45: {  	v2 =	vld [tilespmem:$0x0];
	[tilespmem:$0x30] =	vst v3;
	v3 =	vadd.s32 v0, v4  }
0x46: {  	[tilespmem:$0x50] =	vst v3;
	v3 =	vadd.s32 v0, v5  }
.Ltmp0:
0x47: {  	v4 =	vadd.s32 v0, v6;
	[tilespmem:$0x60] =	vst v3;
	(pc) =	sbr.rel @p0 .LBB2_2-.Ltmp0, $4  }
0x48: {  	v3 =	vadd.s32 v0, v7;
	[tilespmem:$0x20] =	vst v4  }
0x49: {  	[tilespmem:$0x10] =	vst v3;
	v3 =	vadd.s32 v0, v8  }
0x4a: {  	v2 =	vadd.s32 v0, v2;
	[tilespmem:$0x40] =	vst v3  }
0x4b: {  	[tilespmem:$0x0] =	vst v2  }
0x4c: {  	[tilespmem:s15], [sflag:$0x1] =	stream.indirect.gather [hbm4b:s4+s14], $0x80, s3, s14, $0xb8;
	[tilespmem:$0x1D100] =	vst v63  }
0x4d: {  	_ =	swait.ge [sflag:s16], $0x4000  }
0x4e: {  	[sflag:s16] =	ssyncset.done $0x0  }
0x4f: {  	[sflag:s16] =	ssyncadd.s32 $0xFFFFC000  }
0x50: {  	[spmem:s2] =	stream.indirect.scatter.add.f32 [tilespmem:s15], [sflag:$0x2], $0x80, s14, s14, $0xb8;
	[tilespmem:$0x1D100] =	vst v63  }
0x51: {  	_ =	swait.ge [sflag:s13], $0x4000  }
0x52: {  	[sflag:s13] =	ssyncset.done $0x0  }
0x53: {  	[sflag:s13] =	ssyncadd.s32 $0xFFFFC000  }
0x54: {  	[bflag:$0x0] =	sbarrier.arrive $0xFFFF  }
0x55: {  	[hbm:s7], [sflag:s6] =	dma.local [spmem:s12], $0x3200  }
0x56: {  	_ =	swait.ge [sflag:s13], $0x3200  }
0x57: {  	[sflag:s13] =	ssyncset.done $0x0  }
0x58: {  	[sflag:s13] =	ssyncadd.s32 $0xFFFFCE00  }
0x59: {  	[bflag:$0x0] =	sbarrier.arrive $0xFFFF  }
0x5a: {  	[spmem:s12], [sflag:s6] =	dma.local [hbm:s5], $0x3200  }
0x5b: {  	_ =	swait.ge [sflag:s13], $0x3200  }
0x5c: {  	[sflag:s13] =	ssyncset.done $0x0  }
0x5d: {  	[sflag:s13] =	ssyncadd.s32 $0xFFFFCE00  }
0x5e: {  	s18 =	sadd.s32 $0x0, s11;
	[bflag:$0x0] =	sbarrier.arrive $0xFFFF  }
0x5f: {  	[tilespmem:s3], [sflag:$0x2] =	stream.linear.gather [hbm4b:s18+s3], $0x80, $0x38;
	[tilespmem:$0x1D100] =	vst v63  }
0x60: {  	_ =	swait.ge [sflag:s13], $0x80  }
0x61: {  	[sflag:s13] =	ssyncset.done $0x0  }
0x62: {  	s31 =	sadd.s32 $0x0, s10;
	[sflag:s13] =	ssyncadd.s32 $0xFFFFFF80  }
0x63: {  	[tilespmem:s14], [sflag:$0x2] =	stream.linear.gather [hbm4b:s31+s3], $0x80, $0x38;
	[tilespmem:$0x1D100] =	vst v63  }
0x64: {  	_ =	swait.ge [sflag:s13], $0x80  }
0x65: {  	[sflag:s13] =	ssyncset.done $0x0  }
0x66: {  	[sflag:s13] =	ssyncadd.s32 $0xFFFFFF80  }
0x67: {  	v2 =	vld [tilespmem:$0x70]  }
0x68: {  	v3 =	vld [tilespmem:$0x30]  }
0x69: {  	v6 =	vld [tilespmem:$0x20]  }
0x6a: {  	v4 =	vld [tilespmem:$0x50]  }
0x6b: {  	v5 =	vld [tilespmem:$0x60]  }
0x6c: {  	v7 =	vld [tilespmem:$0x10];
	v2 =	vadd.s32 v1, v2  }
0x6d: {  	v8 =	vld [tilespmem:$0x40];
	v3 =	vadd.s32 v1, v3;
	[tilespmem:$0x70] =	vst v2  }
0x6e: {  	v63 =	vadd.s32 v1, v6;
	v2 =	vld [tilespmem:$0x0];
	[tilespmem:$0x30] =	vst v3  }
0x6f: {  	v3 =	vadd.s32 v1, v4;
	[tilespmem:$0x20] =	vst v63  }
0x70: {  	[tilespmem:$0x50] =	vst v3;
	v3 =	vadd.s32 v1, v5  }
0x71: {  	[tilespmem:$0x60] =	vst v3;
	v3 =	vadd.s32 v1, v7  }
0x72: {  	[tilespmem:$0x10] =	vst v3;
	v3 =	vadd.s32 v1, v8  }
0x73: {  	[tilespmem:$0x40] =	vst v3;
	v2 =	vadd.s32 v1, v2  }
0x74: {  	s18 =	simm.s32 $0x10;
	[tilespmem:$0x0] =	vst v2  }
.LBB2_4:
0x75: {  	[tilespmem:s15], [sflag:$0x1] =	stream.indirect.gather [hbm4b:s4+s14], $0x80, s3, s14, $0xb8;
	[tilespmem:$0x1D100] =	vst v63  }
0x76: {  	s19 =	smov.u32 s18  }
0x77: {  	p0 =	sne.s32 s18, $0x4E0;
	s18 =	sadd.s32 $0x10, s18;
	_ =	swait.ge [sflag:s16], $0x4000  }
0x78: {  	[sflag:s16] =	ssyncset.done $0x0  }
0x79: {  	[sflag:s16] =	ssyncadd.s32 $0xFFFFC000  }
0x7a: {  	[spmem:s2] =	stream.indirect.scatter.add.f32 [tilespmem:s15], [sflag:$0x2], $0x80, s14, s14, $0xb8;
	[tilespmem:$0x1D100] =	vst v63  }
0x7b: {  	_ =	swait.ge [sflag:s13], $0x4000  }
0x7c: {  	[sflag:s13] =	ssyncset.done $0x0  }
0x7d: {  	s20 =	sadd.s32 s19, s11;
	[sflag:s13] =	ssyncadd.s32 $0xFFFFC000  }
0x7e: {  	[tilespmem:s3], [sflag:$0x2] =	stream.linear.gather [hbm4b:s20+s3], $0x80, $0x38;
	[tilespmem:$0x1D100] =	vst v63  }
0x7f: {  	_ =	swait.ge [sflag:s13], $0x80  }
0x80: {  	[sflag:s13] =	ssyncset.done $0x0  }
0x81: {  	s19 =	sadd.s32 s19, s10;
	[sflag:s13] =	ssyncadd.s32 $0xFFFFFF80  }
0x82: {  	[tilespmem:s14], [sflag:$0x2] =	stream.linear.gather [hbm4b:s19+s3], $0x80, $0x38;
	[tilespmem:$0x1D100] =	vst v63  }
0x83: {  	_ =	swait.ge [sflag:s13], $0x80  }
0x84: {  	[sflag:s13] =	ssyncset.done $0x0  }
0x85: {  	[sflag:s13] =	ssyncadd.s32 $0xFFFFFF80  }
0x86: {  	v2 =	vld [tilespmem:$0x70]  }
0x87: {  	v3 =	vld [tilespmem:$0x30]  }
0x88: {  	v4 =	vld [tilespmem:$0x50]  }
0x89: {  	v5 =	vld [tilespmem:$0x60]  }
0x8a: {  	v6 =	vld [tilespmem:$0x20]  }
0x8b: {  	v7 =	vld [tilespmem:$0x10];
	v2 =	vadd.s32 v1, v2  }
0x8c: {  	v3 =	vadd.s32 v1, v3;
	v8 =	vld [tilespmem:$0x40];
	[tilespmem:$0x70] =	vst v2  }
0x8d: {  	v2 =	vld [tilespmem:$0x0];
	[tilespmem:$0x30] =	vst v3;
	v3 =	vadd.s32 v1, v4  }
0x8e: {  	[tilespmem:$0x50] =	vst v3;
	v3 =	vadd.s32 v1, v5  }
.Ltmp1:
0x8f: {  	v4 =	vadd.s32 v1, v6;
	[tilespmem:$0x60] =	vst v3;
	(pc) =	sbr.rel @p0 .LBB2_4-.Ltmp1, $4  }
0x90: {  	v3 =	vadd.s32 v1, v7;
	[tilespmem:$0x20] =	vst v4  }
0x91: {  	[tilespmem:$0x10] =	vst v3;
	v3 =	vadd.s32 v1, v8  }
0x92: {  	v2 =	vadd.s32 v1, v2;
	[tilespmem:$0x40] =	vst v3  }
0x93: {  	[tilespmem:$0x0] =	vst v2  }
0x94: {  	[tilespmem:s15], [sflag:$0x1] =	stream.indirect.gather [hbm4b:s4+s14], $0x80, s3, s14, $0xb8;
	[tilespmem:$0x1D100] =	vst v63  }
0x95: {  	_ =	swait.ge [sflag:s16], $0x4000  }
0x96: {  	[sflag:s16] =	ssyncset.done $0x0  }
0x97: {  	[sflag:s16] =	ssyncadd.s32 $0xFFFFC000  }
0x98: {  	[spmem:s2] =	stream.indirect.scatter.add.f32 [tilespmem:s15], [sflag:$0x2], $0x80, s14, s14, $0xb8;
	[tilespmem:$0x1D100] =	vst v63  }
0x99: {  	_ =	swait.ge [sflag:s13], $0x4000  }
0x9a: {  	[sflag:s13] =	ssyncset.done $0x0  }
0x9b: {  	s17 =	sadd.s32 $0x1, s17;
	[sflag:s13] =	ssyncadd.s32 $0xFFFFC000  }
0x9c: {  	p0 =	sne.s32 s17, s9;
	[bflag:$0x0] =	sbarrier.arrive $0xFFFF  }
0x9d: {  	[hbm:s8], [sflag:s6] =	dma.local [spmem:s12], $0x3200  }
.Ltmp2:
0x9e: {  	_ =	swait.ge [sflag:s13], $0x3200;
	(pc) =	sbr.rel @p0 .LBB2_1-.Ltmp2, $3  }
0x9f: {  	[sflag:s13] =	ssyncset.done $0x0  }
0xa0: {  	[sflag:s13] =	ssyncadd.s32 $0xFFFFCE00  }
0xa1: {  	[bflag:$0x0] =	sbarrier.arrive $0xFFFF;
	_ =	sdelay $0x1  }
0xa2: {  	_ =	sfence.sel $0x180000  }
0xa3: {  	[bflag:$0x0] =	sbarrier.arrive $0xFFFF  }
0xa4: {  	p0 =	sne.s32 s1, $0x0;
	_ =	strace $0x90000056  }
0xa5: {  	s0 =	sadd.s32 @!p0 $0x100000, s0;
	[bflag:$0x2] =	sbarrier.arrive $0xFFFF  }
0xa6: {  	[sflag:s0] =	ssyncadd.tile.s32 @!p0 $0x1;
	_ =	shalt  }
.Lfunc_end2:
_tile_overlayer_lowered:
.L_overlay_start_2:
0xa7: {  	(tag) =	ssettag $0x2  }
0xa8: {  	s0 =	rddreg [dreg:$0x0];
	s2 =	stileid.u32  }
0xa9: {  	s1 =	rddreg [dreg:$0x1];
	p0 =	sne.s32 s2, $0x0  }
0xaa: {  	s3 =	rddreg [dreg:$0x2];
	[bflag:$0x3] =	sbarrier.arrive $0xFFFF;
	s2 =	simm.s32 @!p0 $0x1C02  }
0xab: {  	[timem:s3], [sflag:s2] =	dma.local @!p0 [hbm:s0], s1  }
0xac: {  	s0 =	simm.s32 @!p0 $0x2  }
0xad: {  	_ =	swait.ge @!p0 [sflag:s0], s1  }
0xae: {  	s1 =	ssub.s32 @!p0 $0x0, s1;
	[sflag:s0] =	ssyncset.done @!p0 $0x0  }
0xaf: {  	[sflag:s0] =	ssyncadd.s32 @!p0 s1  }
0xb0: {  	[bflag:$0x3] =	sbarrier.arrive $0xFFFF  }
0xb1: {  	_ =	shalt  }

</sc_bundles>
